<compile_context>
chip_gen: v7x
topology: tpu7x:2x2x1
jax: 0.10.2.dev20260603
libtpu: 0.0.44.dev20260713+nightly
codegen_flags: <defaults>
</compile_context>

<pallas_src>
import functools

import jax
import jax.numpy as jnp
from jax import lax
from jax.experimental import pallas as pl
from jax.experimental.pallas import tpu as pltpu
from jax.experimental.pallas import tpu_sc as plsc

_EPS_NORM = 1e-6
_EPS_LN = 1e-5
_WN = 16
_TK = 4


def _sc_gather(table, idx):
    n = idx.shape[0]
    d = table.shape[1]
    info = plsc.get_sparse_core_info()
    nw = info.num_cores * info.num_subcores
    b_per_w = n // nw
    mesh = plsc.VectorSubcoreMesh(core_axis_name="c", subcore_axis_name="s")

    @functools.partial(
        pl.kernel,
        mesh=mesh,
        out_type=jax.ShapeDtypeStruct((n, d), jnp.float32),
        scratch_types=[
            pltpu.VMEM((b_per_w,), jnp.int32),
            pltpu.VMEM((b_per_w, d), jnp.float32),
            pltpu.SemaphoreType.DMA,
        ],
    )
    def gk(table_hbm, idx_hbm, out_hbm, idx_v, rows_v, sem):
        wid = lax.axis_index("s") * info.num_cores + lax.axis_index("c")
        base = wid * b_per_w
        pltpu.sync_copy(idx_hbm.at[pl.ds(base, b_per_w)], idx_v)
        pltpu.async_copy(table_hbm.at[idx_v], rows_v, sem).wait()
        pltpu.sync_copy(rows_v, out_hbm.at[pl.ds(base, b_per_w)])

    return gk(table, idx)


def _bf(x):
    return x.astype(jnp.bfloat16)


def _bdot(a, b):
    return jnp.dot(_bf(a), _bf(b), preferred_element_type=jnp.float32)


def _ln2d(x, g, b):
    m = jnp.mean(x, axis=1, keepdims=True)
    d = x - m
    v = jnp.mean(d * d, axis=1, keepdims=True)
    return d / jnp.sqrt(v + _EPS_LN) * g + b


def _rec_kernel(nl, xg_ref, pos_ref, wi_ref, bi_ref, wq_ref, wg_ref, bg_ref,
                wc_ref, bc_ref, wo_ref, bo_ref, cg_ref, cb_ref,
                wkl_ref, bkl_ref, wvl_ref, bvl_ref, wwg_ref, bwg_ref,
                skt_ref, sv_ref, fg_ref, fb_ref,
                out_ref, x_scr, nskt_scr, mk_scr, mv_scr, nkc_scr,
                wqb_scr, wgb_scr, wcb_scr, wob_scr, wkb_scr, wvb_scr):
    s_len, bsz, dm = xg_ref.shape
    d = wi_ref.shape[1]
    sn = sv_ref.shape[1]
    ns = _WN + sn

    xfull = xg_ref[...] + pos_ref[...].reshape(s_len, 1, dm)
    x_all = _bdot(xfull.reshape(s_len * bsz, dm), wi_ref[...]) + bi_ref[...]
    x_scr[...] = x_all.reshape(s_len, bsz, d)

    for li in range(nl):
        kt = skt_ref[li]
        cn = jnp.sqrt(jnp.sum(kt * kt, axis=0, keepdims=True))
        nskt_scr[li] = _bf(kt / jnp.maximum(cn, _EPS_NORM))
        wqb_scr[li] = _bf(wq_ref[li])
        wgb_scr[li] = _bf(wg_ref[li])
        wcb_scr[li] = _bf(wc_ref[li])
        wob_scr[li] = _bf(wo_ref[li])
        wkb_scr[li] = _bf(wkl_ref[li])
        wvb_scr[li] = _bf(wvl_ref[li])

    mk_scr[...] = jnp.zeros(mk_scr.shape, jnp.float32)
    mv_scr[...] = jnp.zeros(mv_scr.shape, jnp.float32)
    nkc_scr[...] = jnp.zeros(nkc_scr.shape, jnp.float32)

    iota = lax.broadcasted_iota(jnp.int32, (bsz, ns), 1)
    neg_inf = jnp.float32(-jnp.inf)

    def step(t, hcarry):
        hcarry = list(hcarry)
        cur = x_scr[pl.ds(t, 1)][0]
        slot = lax.rem(t, _WN)
        for li in range(nl):
            prev = hcarry[li]
            base = li * _WN
            q0 = jnp.dot(_bf(jnp.concatenate([cur, prev], axis=1)), wqb_scr[li],
                         preferred_element_type=jnp.float32)
            qn = jnp.sqrt(jnp.sum(q0 * q0, axis=1, keepdims=True))
            q = q0 / jnp.maximum(qn, _EPS_NORM)
            qb = _bf(q).astype(jnp.float32)
            raws = []
            for k in range(_WN):
                raws.append(jnp.sum(qb * nkc_scr[base + k], axis=1,
                                    keepdims=True))
            ws = jnp.concatenate(raws, axis=1)
            ss = jnp.dot(_bf(q), nskt_scr[li],
                         preferred_element_type=jnp.float32)
            sc = jnp.concatenate([ws, ss], axis=1)
            sels = []
            tops = []
            for _ in range(_TK):
                mx = jnp.max(sc, axis=1, keepdims=True)
                cand = jnp.where(sc == mx, iota, ns)
                fi = jnp.min(cand, axis=1, keepdims=True)
                sel = iota == fi
                tops.append(mx)
                sels.append(sel)
                sc = jnp.where(sel, neg_inf, sc)
            es = [jnp.exp(tv - tops[0]) for tv in tops]
            z = es[0]
            for e in es[1:]:
                z = z + e
            wmap = jnp.zeros((bsz, ns), jnp.float32)
            for e, sel in zip(es, sels):
                wmap = wmap + jnp.where(sel, e / z, 0.0)
            mem = jnp.dot(wmap[:, _WN:], sv_ref[li],
                          preferred_element_type=jnp.float32,
                          precision=lax.Precision.HIGHEST)
            for k in range(_WN):
                mem = mem + wmap[:, k:k + 1] * mv_scr[base + k]
            joined = jnp.concatenate([cur, prev, mem], axis=1)
            gate = jax.nn.sigmoid(jnp.dot(_bf(joined), wgb_scr[li],
                preferred_element_type=jnp.float32) + bg_ref[li])
            cnd = jnp.tanh(jnp.dot(_bf(joined), wcb_scr[li],
                preferred_element_type=jnp.float32) + bc_ref[li])
            h = (1.0 - gate) * prev + gate * cnd
            proj = jnp.dot(_bf(jnp.concatenate([cur, h], axis=1)), wob_scr[li],
                preferred_element_type=jnp.float32) + bo_ref[li]
            newh = _ln2d(proj + cur, cg_ref[li], cb_ref[li])
            nhb = _bf(newh).astype(jnp.float32)
            wwb = _bf(wwg_ref[li]).astype(jnp.float32)
            g2 = jax.nn.sigmoid(
                jnp.sum(nhb * wwb, axis=1, keepdims=True) + bwg_ref[li])
            nhb16 = _bf(newh)
            nk = jnp.tanh(jnp.dot(nhb16, wkb_scr[li],
                preferred_element_type=jnp.float32) + bkl_ref[li])
            nv = jnp.tanh(jnp.dot(nhb16, wvb_scr[li],
                preferred_element_type=jnp.float32) + bvl_ref[li])
            ssl = base + slot
            ck = mk_scr[pl.ds(ssl, 1)][0]
            cv = mv_scr[pl.ds(ssl, 1)][0]
            bk2 = ck * (1.0 - g2) + nk * g2
            mk_scr[pl.ds(ssl, 1)] = bk2[None]
            mv_scr[pl.ds(ssl, 1)] = (cv * (1.0 - g2) + nv * g2)[None]
            knrm = jnp.sqrt(jnp.sum(bk2 * bk2, axis=1, keepdims=True))
            nkc_scr[pl.ds(ssl, 1)] = _bf(
                bk2 / jnp.maximum(knrm, _EPS_NORM)).astype(jnp.float32)[None]
            hcarry[li] = newh
            cur = newh
        out_ref[pl.ds(t, 1)] = _ln2d(cur, fg_ref[...], fb_ref[...])[None]
        return tuple(hcarry)

    h0 = tuple(jnp.zeros((bsz, d), jnp.float32) for _ in range(nl))
    lax.fori_loop(0, s_len, step, h0)


def _logits_kernel(x_ref, w_ref, o_ref):
    o_ref[0] = jnp.dot(x_ref[0], w_ref[...], preferred_element_type=jnp.float32)


def _logits(h3, wlm, vt=2048):
    b, s, d = h3.shape
    v = wlm.shape[1]
    vt = min(vt, v)
    nv = (v + vt - 1) // vt
    return pl.pallas_call(
        _logits_kernel,
        grid=(nv, b),
        in_specs=[
            pl.BlockSpec((1, s, d), lambda j, i: (i, 0, 0)),
            pl.BlockSpec((d, vt), lambda j, i: (0, j)),
        ],
        out_specs=pl.BlockSpec((1, s, vt), lambda j, i: (i, 0, j)),
        out_shape=jax.ShapeDtypeStruct((b, s, v), jnp.float32),
    )(h3, wlm)


def kernel(input_ids, emb, pos, Wi, bi, Wq, Wg, bg, Wc, bc, Wo, bo, cg, cb,
           Wk, bk, Wv, bv, Wwg, bwg, sem_k, sem_v, fg, fb, Wlm):
    bsz, s_len = input_ids.shape
    dm = emb.shape[1]
    d = Wi.shape[1]
    nl = Wq.shape[0]
    sn = sem_k.shape[1]

    ids = input_ids.astype(jnp.int32).T.reshape(-1)
    emb_p = jnp.pad(emb, ((0, 0), (0, 128 - dm)))
    xg = _sc_gather(emb_p, ids)[:, :dm]
    xg3 = xg.reshape(s_len, bsz, dm)

    hs = pl.pallas_call(
        functools.partial(_rec_kernel, nl),
        out_shape=jax.ShapeDtypeStruct((s_len, bsz, d), jnp.float32),
        scratch_shapes=[
            pltpu.VMEM((s_len, bsz, d), jnp.float32),
            pltpu.VMEM((nl, d, sn), jnp.bfloat16),
            pltpu.VMEM((nl * _WN, bsz, d), jnp.float32),
            pltpu.VMEM((nl * _WN, bsz, d), jnp.float32),
            pltpu.VMEM((nl * _WN, bsz, d), jnp.float32),
            pltpu.VMEM((nl, 2 * d, d), jnp.bfloat16),
            pltpu.VMEM((nl, 3 * d, d), jnp.bfloat16),
            pltpu.VMEM((nl, 3 * d, d), jnp.bfloat16),
            pltpu.VMEM((nl, 2 * d, d), jnp.bfloat16),
            pltpu.VMEM((nl, d, d), jnp.bfloat16),
            pltpu.VMEM((nl, d, d), jnp.bfloat16),
        ],
    )(
        xg3,
        pos[:s_len],
        Wi,
        bi.reshape(1, d),
        Wq,
        Wg,
        bg.reshape(nl, 1, d),
        Wc,
        bc.reshape(nl, 1, d),
        Wo,
        bo.reshape(nl, 1, d),
        cg.reshape(nl, 1, d),
        cb.reshape(nl, 1, d),
        Wk,
        bk.reshape(nl, 1, d),
        Wv,
        bv.reshape(nl, 1, d),
        Wwg.transpose(0, 2, 1),
        bwg.reshape(nl, 1, 1),
        sem_k.transpose(0, 2, 1),
        sem_v,
        fg.reshape(1, d),
        fb.reshape(1, d),
    )
    h3 = hs.transpose(1, 0, 2)
    return h3

# --- scband reference (transcript-rebuilt; emitter-appended) ---
"""Pipeline reference for scband-sbcore-mini-lm-85383949845398 (READ-ONLY COPY).

The authoritative reference and input builder live on the scoring server;
editing this copy changes nothing except your own understanding.
"""

import jax, jax.numpy as jnp
import numpy as np

V = 100000
DM = 96
D = 128
L = 3
SN = 64
WN = 16
TK = 4
SMAX = 256
B = 8
S = 128

def _l2norm(x, eps=1e-6):
    n = jnp.linalg.norm(x, axis=-1, keepdims=True)
    return x / jnp.maximum(n, eps)

def _ln(x, g, b, eps=1e-5):
    m = jnp.mean(x, axis=-1, keepdims=True)
    v = jnp.var(x, axis=-1, keepdims=True)
    return (x - m) / jnp.sqrt(v + eps) * g + b

def setup_inputs(seed: int = 0):
    key = jax.random.key(seed)
    ks = jax.random.split(key, 26)
    s = 0.02
    inp = {}
    inp["input_ids"] = jax.random.randint(ks[0], (B, S), 0, V)
    inp["emb"] = jax.random.normal(ks[1], (V, DM), dtype=jnp.float32) * s
    inp["pos"] = jax.random.normal(ks[2], (SMAX, DM), dtype=jnp.float32) * s
    inp["Wi"] = jax.random.normal(ks[3], (DM, D), dtype=jnp.float32) * s
    inp["bi"] = jnp.zeros((D,), dtype=jnp.float32)
    inp["Wq"] = jax.random.normal(ks[4], (L, 2 * D, D), dtype=jnp.float32) * s
    inp["Wg"] = jax.random.normal(ks[5], (L, 3 * D, D), dtype=jnp.float32) * s
    inp["bg"] = jnp.zeros((L, D), dtype=jnp.float32)
    inp["Wc"] = jax.random.normal(ks[6], (L, 3 * D, D), dtype=jnp.float32) * s
    inp["bc"] = jnp.zeros((L, D), dtype=jnp.float32)
    inp["Wo"] = jax.random.normal(ks[7], (L, 2 * D, D), dtype=jnp.float32) * s
    inp["bo"] = jnp.zeros((L, D), dtype=jnp.float32)
    inp["cg"] = jnp.ones((L, D), dtype=jnp.float32)
    inp["cb"] = jnp.zeros((L, D), dtype=jnp.float32)
    inp["Wk"] = jax.random.normal(ks[8], (L, D, D), dtype=jnp.float32) * s
    inp["bk"] = jnp.zeros((L, D), dtype=jnp.float32)
    inp["Wv"] = jax.random.normal(ks[9], (L, D, D), dtype=jnp.float32) * s
    inp["bv"] = jnp.zeros((L, D), dtype=jnp.float32)
    inp["Wwg"] = jax.random.normal(ks[10], (L, D, 1), dtype=jnp.float32) * s
    inp["bwg"] = jnp.zeros((L, 1), dtype=jnp.float32)
    inp["sem_k"] = jax.random.normal(ks[11], (L, SN, D), dtype=jnp.float32) * s
    inp["sem_v"] = jax.random.normal(ks[12], (L, SN, D), dtype=jnp.float32) * s
    inp["fg"] = jnp.ones((D,), dtype=jnp.float32)
    inp["fb"] = jnp.zeros((D,), dtype=jnp.float32)
    inp["Wlm"] = jax.random.normal(ks[13], (D, V), dtype=jnp.float32) * s
    return inp

def _forward(input_ids, emb, pos, Wi, bi, Wq, Wg, bg, Wc, bc, Wo, bo, cg, cb, Wk, bk, Wv, bv, Wwg, bwg, sem_k, sem_v, fg, fb, Wlm):
    Bsz, Slen = input_ids.shape
    x = emb[input_ids] + pos[jnp.arange(Slen)][None, :, :]
    x = x @ Wi + bi
    hidden = [jnp.zeros((Bsz, D), dtype=jnp.float32) for _ in range(L)]
    wkeys = [jnp.zeros((Bsz, WN, D), dtype=jnp.float32) for _ in range(L)]
    wvals = [jnp.zeros((Bsz, WN, D), dtype=jnp.float32) for _ in range(L)]
    outs = []
    topk = min(TK, WN + SN)
    for step in range(Slen):
        current = x[:, step, :]
        for li in range(L):
            prev = hidden[li]
            # SBMemoryRouter
            q = _l2norm(jnp.concatenate([current, prev], axis=-1) @ Wq[li])
            nwk = _l2norm(wkeys[li])
            nsk = _l2norm(sem_k[li])
            ws = jnp.einsum('bd,bnd->bn', q, nwk)
            ss = q @ nsk.T
            scores = jnp.concatenate([ws, ss], axis=-1)
            ts, ti = jax.lax.top_k(scores, topk)
            w = jax.nn.softmax(ts, axis=-1)
            allv = jnp.concatenate([wvals[li], jnp.broadcast_to(sem_v[li][None, :, :], (Bsz, SN, D))], axis=1)
            sel = jnp.take_along_axis(allv, ti[:, :, None], axis=1)
            mem = jnp.sum(sel * w[:, :, None], axis=1)
            # SBRecurrentCell
            joined = jnp.concatenate([current, prev, mem], axis=-1)
            gate = jax.nn.sigmoid(joined @ Wg[li] + bg[li])
            cand = jnp.tanh(joined @ Wc[li] + bc[li])
            h = (1.0 - gate) * prev + gate * cand
            proj = jnp.concatenate([current, h], axis=-1) @ Wo[li] + bo[li]
            newh = _ln(proj + current, cg[li], cb[li])
            hidden[li] = newh
            # SBMemoryWriter
            smask = jax.nn.one_hot(step % WN, WN, dtype=jnp.float32)[None, :, None]
            g2 = jax.nn.sigmoid(newh @ Wwg[li] + bwg[li])[:, None, :]
            nk = jnp.tanh(newh @ Wk[li] + bk[li])[:, None, :]
            nv = jnp.tanh(newh @ Wv[li] + bv[li])[:, None, :]
            ck = jnp.sum(wkeys[li] * smask, axis=1, keepdims=True)
            cv = jnp.sum(wvals[li] * smask, axis=1, keepdims=True)
            bk2 = ck * (1.0 - g2) + nk * g2
            bv2 = cv * (1.0 - g2) + nv * g2
    
            wkeys[li] = wkeys[li] * (1.0 - smask) + bk2 * smask
            wvals[li] = wvals[li] * (1.0 - smask) + bv2 * smask
            current = newh
        outs.append(current)
    hs = jnp.stack(outs, axis=1)
    hs = _ln(hs, fg, fb)
    logits = hs @ Wlm
    return logits

def reference(input_ids, emb, pos, Wi, bi, Wq, Wg, bg, Wc, bc, Wo, bo, cg, cb, Wk, bk, Wv, bv, Wwg, bwg, sem_k, sem_v, fg, fb, Wlm):
    return _forward(input_ids, emb, pos, Wi, bi, Wq, Wg, bg, Wc, bc, Wo, bo, cg, cb, Wk, bk, Wv, bv, Wwg, bwg, sem_k, sem_v, fg, fb, Wlm)

if __name__ == "__main__":
    import jax
    _d = setup_inputs()
    print(jax.jit(kernel)(*tuple(_d.values())))

</pallas_src>

<mosaic_0001>
#map = affine_map<(d0, d1) -> (0, 0)>
#map1 = affine_map<(d0, d1) -> (0)>
module attributes {stable_mosaic.version = 14 : i64} {
  func.func @gk(%arg0: i32, %arg1: i32, %arg2: memref<100000x128xf32, #tpu.memory_space<hbm>>, %arg3: memref<1024xi32, #tpu.memory_space<hbm>>, %arg4: memref<1024x128xf32, #tpu.memory_space<hbm>>, %arg5: memref<32xi32, #tpu.memory_space<vmem>>, %arg6: memref<32x128xf32, #tpu.memory_space<vmem>>, %arg7: memref<!tpu.dma_semaphore, #tpu.memory_space<semaphore_mem>>) attributes {dimension_semantics = [#tpu.dimension_semantics<core_parallel>, #tpu.dimension_semantics<subcore_parallel>], iteration_bounds = array<i64: 2, 16>, scalar_prefetch = 0 : i64, scratch_operands = 3 : i64, tpu.core_type = #tpu.core_type<sc_vector_subcore>, window_params = [{transform_indices = #map}, {transform_indices = #map1}, {transform_indices = #map}]} {
    %mul3A = arith.constant 2 : i32
    %mul3A_0 = arith.muli %arg1, %mul3A : i32
    %add3A = arith.addi %mul3A_0, %arg0 : i32
    %mul3A_1 = arith.constant 32 : i32
    %mul3A_2 = arith.muli %add3A, %mul3A_1 : i32
    "tpu.region"() ({
      %run_scoped3A = tpu.sem_alloc : memref<!tpu.dma_semaphore, #tpu.memory_space<semaphore_mem>>
      %dma_start3A_7 = tpu.memref_slice %arg3[%mul3A_2] : memref<1024xi32, #tpu.memory_space<hbm>> -> memref<32xi32, #tpu.memory_space<hbm>>
      %dma_start3A_8 = tpu.memref_slice %arg3[%mul3A_2] : memref<1024xi32, #tpu.memory_space<hbm>> -> memref<32xi32, #tpu.memory_space<hbm>>
      tpu.enqueue_dma source(%dma_start3A_8 : memref<32xi32, #tpu.memory_space<hbm>>) target(%arg5 : memref<32xi32, #tpu.memory_space<vmem>>) target_semaphore(%run_scoped3A : memref<!tpu.dma_semaphore, #tpu.memory_space<semaphore_mem>>)
      %dma_wait3A_9 = tpu.memref_slice %arg3[%mul3A_2] : memref<1024xi32, #tpu.memory_space<hbm>> -> memref<32xi32, #tpu.memory_space<hbm>>
      %dma_wait3A_10 = tpu.memref_slice %arg3[%mul3A_2] : memref<1024xi32, #tpu.memory_space<hbm>> -> memref<32xi32, #tpu.memory_space<hbm>>
      tpu.wait_dma2 semaphore(%run_scoped3A : memref<!tpu.dma_semaphore, #tpu.memory_space<semaphore_mem>>) src(%dma_wait3A_10 : memref<32xi32, #tpu.memory_space<hbm>>) dst(%arg5 : memref<32xi32, #tpu.memory_space<vmem>>)
      tpu.yield
    }) : () -> ()
    %dma_start3A = arith.constant 0 : i32
    %dma_start3A_3 = arith.constant 0 : i32
    %dma_start3A_4 = tpu.memref_slice %arg2[%dma_start3A, %dma_start3A_3] : memref<100000x128xf32, #tpu.memory_space<hbm>> -> memref<100000x128xf32, #tpu.memory_space<hbm>>
    tpu.enqueue_indirect_dma source(%dma_start3A_4 : memref<100000x128xf32, #tpu.memory_space<hbm>>) target(%arg6 : memref<32x128xf32, #tpu.memory_space<vmem>>) offsets(%arg5 : memref<32xi32, #tpu.memory_space<vmem>>) semaphore(%arg7 : memref<!tpu.dma_semaphore, #tpu.memory_space<semaphore_mem>>)
    %dma_wait3A = arith.constant 0 : i32
    %dma_wait3A_5 = arith.constant 0 : i32
    %dma_wait3A_6 = tpu.memref_slice %arg2[%dma_wait3A, %dma_wait3A_5] : memref<100000x128xf32, #tpu.memory_space<hbm>> -> memref<100000x128xf32, #tpu.memory_space<hbm>>
    tpu.wait_indirect_dma semaphore(%arg7 : memref<!tpu.dma_semaphore, #tpu.memory_space<semaphore_mem>>) src(%dma_wait3A_6 : memref<100000x128xf32, #tpu.memory_space<hbm>>) dst(%arg6 : memref<32x128xf32, #tpu.memory_space<vmem>>)
    "tpu.region"() ({
      %run_scoped3A = tpu.sem_alloc : memref<!tpu.dma_semaphore, #tpu.memory_space<semaphore_mem>>
      %dma_start3A_7 = arith.constant 0 : i32
      %dma_start3A_8 = tpu.memref_slice %arg4[%mul3A_2, %dma_start3A_7] : memref<1024x128xf32, #tpu.memory_space<hbm>> -> memref<32x128xf32, #tpu.memory_space<hbm>>
      %dma_start3A_9 = arith.constant 0 : i32
      %dma_start3A_10 = tpu.memref_slice %arg4[%mul3A_2, %dma_start3A_9] : memref<1024x128xf32, #tpu.memory_space<hbm>> -> memref<32x128xf32, #tpu.memory_space<hbm>>
      tpu.enqueue_dma source(%arg6 : memref<32x128xf32, #tpu.memory_space<vmem>>) target(%dma_start3A_10 : memref<32x128xf32, #tpu.memory_space<hbm>>) target_semaphore(%run_scoped3A : memref<!tpu.dma_semaphore, #tpu.memory_space<semaphore_mem>>)
      %dma_wait3A_11 = arith.constant 0 : i32
      %dma_wait3A_12 = tpu.memref_slice %arg4[%mul3A_2, %dma_wait3A_11] : memref<1024x128xf32, #tpu.memory_space<hbm>> -> memref<32x128xf32, #tpu.memory_space<hbm>>
      %dma_wait3A_13 = arith.constant 0 : i32
      %dma_wait3A_14 = tpu.memref_slice %arg4[%mul3A_2, %dma_wait3A_13] : memref<1024x128xf32, #tpu.memory_space<hbm>> -> memref<32x128xf32, #tpu.memory_space<hbm>>
      tpu.wait_dma2 semaphore(%run_scoped3A : memref<!tpu.dma_semaphore, #tpu.memory_space<semaphore_mem>>) src(%arg6 : memref<32x128xf32, #tpu.memory_space<vmem>>) dst(%dma_wait3A_14 : memref<32x128xf32, #tpu.memory_space<hbm>>)
      tpu.yield
    }) : () -> ()
    return
  }
}

module attributes {stable_mosaic.version = 14 : i64} {
  func.func @_rec_kernel(%arg0: memref<128x8x96xf32, #tpu.memory_space<vmem>>, %arg1: memref<128x96xf32, #tpu.memory_space<vmem>>, %arg2: memref<96x128xf32, #tpu.memory_space<vmem>>, %arg3: memref<1x128xf32, #tpu.memory_space<vmem>>, %arg4: memref<3x256x128xf32, #tpu.memory_space<vmem>>, %arg5: memref<3x384x128xf32, #tpu.memory_space<vmem>>, %arg6: memref<3x1x128xf32, #tpu.memory_space<vmem>>, %arg7: memref<3x384x128xf32, #tpu.memory_space<vmem>>, %arg8: memref<3x1x128xf32, #tpu.memory_space<vmem>>, %arg9: memref<3x256x128xf32, #tpu.memory_space<vmem>>, %arg10: memref<3x1x128xf32, #tpu.memory_space<vmem>>, %arg11: memref<3x1x128xf32, #tpu.memory_space<vmem>>, %arg12: memref<3x1x128xf32, #tpu.memory_space<vmem>>, %arg13: memref<3x128x128xf32, #tpu.memory_space<vmem>>, %arg14: memref<3x1x128xf32, #tpu.memory_space<vmem>>, %arg15: memref<3x128x128xf32, #tpu.memory_space<vmem>>, %arg16: memref<3x1x128xf32, #tpu.memory_space<vmem>>, %arg17: memref<3x1x128xf32, #tpu.memory_space<vmem>>, %arg18: memref<3x1x1xf32, #tpu.memory_space<vmem>>, %arg19: memref<3x128x64xf32, #tpu.memory_space<vmem>>, %arg20: memref<3x64x128xf32, #tpu.memory_space<vmem>>, %arg21: memref<1x128xf32, #tpu.memory_space<vmem>>, %arg22: memref<1x128xf32, #tpu.memory_space<vmem>>, %arg23: memref<128x8x128xf32, #tpu.memory_space<vmem>>, %arg24: memref<128x8x128xf32, #tpu.memory_space<vmem>>, %arg25: memref<3x128x64xbf16, #tpu.memory_space<vmem>>, %arg26: memref<48x8x128xf32, #tpu.memory_space<vmem>>, %arg27: memref<48x8x128xf32, #tpu.memory_space<vmem>>, %arg28: memref<48x8x128xf32, #tpu.memory_space<vmem>>, %arg29: memref<3x256x128xbf16, #tpu.memory_space<vmem>>, %arg30: memref<3x384x128xbf16, #tpu.memory_space<vmem>>, %arg31: memref<3x384x128xbf16, #tpu.memory_space<vmem>>, %arg32: memref<3x256x128xbf16, #tpu.memory_space<vmem>>, %arg33: memref<3x128x128xbf16, #tpu.memory_space<vmem>>, %arg34: memref<3x128x128xbf16, #tpu.memory_space<vmem>>) attributes {dimension_semantics = [], scalar_prefetch = 0 : i64, scratch_operands = 11 : i64, tpu.core_type = #tpu.core_type<tc>} {
    %get3A = arith.constant 0 : index
    %get3A_0 = arith.constant 0 : index
    %get3A_1 = arith.constant 0 : index
    %get3A_2 = vector.load %arg0[%get3A, %get3A_0, %get3A_1] : memref<128x8x96xf32, #tpu.memory_space<vmem>>, vector<128x8x96xf32>
    %get3A_3 = arith.constant 0 : index
    %get3A_4 = arith.constant 0 : index
    %get3A_5 = vector.load %arg1[%get3A_3, %get3A_4] : memref<128x96xf32, #tpu.memory_space<vmem>>, vector<128x96xf32>
    %reshape3A = vector.shape_cast %get3A_5 : vector<128x96xf32> to vector<128x1x96xf32>
    %add3A = vector.broadcast %reshape3A : vector<128x1x96xf32> to vector<128x8x96xf32>
    %add3A_6 = arith.addf %get3A_2, %add3A : vector<128x8x96xf32>
    %reshape3A_7 = vector.shape_cast %add3A_6 : vector<128x8x96xf32> to vector<1024x96xf32>
    %get3A_8 = arith.constant 0 : index
    %get3A_9 = arith.constant 0 : index
    %get3A_10 = vector.load %arg2[%get3A_8, %get3A_9] : memref<96x128xf32, #tpu.memory_space<vmem>>, vector<96x128xf32>
    %convert_element_type3A = arith.truncf %reshape3A_7 : vector<1024x96xf32> to vector<1024x96xbf16>
    %convert_element_type3A_11 = arith.truncf %get3A_10 : vector<96x128xf32> to vector<96x128xbf16>
    %dot_general3A = arith.constant dense<0.000000e+00> : vector<1024x128xf32>
    %dot_general3A_12 = tpu.matmul %convert_element_type3A, %convert_element_type3A_11, %dot_general3A {dimension_numbers = #tpu.dot_dimension_numbers<[1], [0], [0], [1], [0, 0, 1, 1], [], []>, transpose_lhs_hint = false} : vector<1024x96xbf16>, vector<96x128xbf16>, vector<1024x128xf32> -> vector<1024x128xf32>
    %get3A_13 = arith.constant 0 : index
    %get3A_14 = arith.constant 0 : index
    %get3A_15 = vector.load %arg3[%get3A_13, %get3A_14] : memref<1x128xf32, #tpu.memory_space<vmem>>, vector<1x128xf32>
    %add3A_16 = vector.broadcast %get3A_15 : vector<1x128xf32> to vector<1024x128xf32>
    %add3A_17 = arith.addf %dot_general3A_12, %add3A_16 : vector<1024x128xf32>
    %reshape3A_18 = vector.shape_cast %add3A_17 : vector<1024x128xf32> to vector<128x8x128xf32>
    %swap3A = arith.constant 0 : index
    %swap3A_19 = arith.constant 0 : index
    %swap3A_20 = arith.constant 0 : index
    %swap3A_21 = vector.load %arg24[%swap3A, %swap3A_19, %swap3A_20] : memref<128x8x128xf32, #tpu.memory_space<vmem>>, vector<128x8x128xf32>
    tpu.vector_store %arg24[%swap3A, %swap3A_19, %swap3A_20], %reshape3A_18 {strides = array<i32>} : memref<128x8x128xf32, #tpu.memory_space<vmem>>, vector<128x8x128xf32>,
    %get3A_22 = arith.constant 0 : index
    %get3A_23 = arith.constant 0 : index
    %get3A_24 = arith.constant 0 : index
    %get3A_25 = vector.load %arg19[%get3A_22, %get3A_23, %get3A_24] : memref<3x128x64xf32, #tpu.memory_space<vmem>>, vector<1x128x64xf32>
    %get3A_26 = vector.shape_cast %get3A_25 : vector<1x128x64xf32> to vector<128x64xf32>
    %mul3A = arith.mulf %get3A_26, %get3A_26 : vector<128x64xf32>
    %reduce_sum3A = arith.constant dense<0.000000e+00> : vector<64xf32>
    %reduce_sum3A_27 = vector.multi_reduction <add>, %mul3A, %reduce_sum3A [0] : vector<128x64xf32> to vector<64xf32>
    %broadcast_in_dim3A = vector.shape_cast %reduce_sum3A_27 : vector<64xf32> to vector<1x64xf32>
    %sqrt3A = math.sqrt %broadcast_in_dim3A : vector<1x64xf32>
    %max3A = arith.constant 9.99999997E-7 : f32
    %max3A_28 = vector.broadcast %max3A : f32 to vector<1x64xf32>
    %max3A_29 = arith.maximumf %sqrt3A, %max3A_28 : vector<1x64xf32>
    %div3A = vector.broadcast %max3A_29 : vector<1x64xf32> to vector<128x64xf32>
    %div3A_30 = arith.divf %get3A_26, %div3A : vector<128x64xf32>
    %convert_element_type3A_31 = arith.truncf %div3A_30 : vector<128x64xf32> to vector<128x64xbf16>
    %swap3A_32 = arith.constant 0 : index
    %swap3A_33 = arith.constant 0 : index
    %swap3A_34 = arith.constant 0 : index
    %swap3A_35 = vector.load %arg25[%swap3A_32, %swap3A_33, %swap3A_34] : memref<3x128x64xbf16, #tpu.memory_space<vmem>>, vector<1x128x64xbf16>
    %swap3A_36 = vector.shape_cast %swap3A_35 : vector<1x128x64xbf16> to vector<128x64xbf16>
    %swap3A_37 = vector.shape_cast %convert_element_type3A_31 : vector<128x64xbf16> to vector<1x128x64xbf16>
    tpu.vector_store %arg25[%swap3A_32, %swap3A_33, %swap3A_34], %swap3A_37 {strides = array<i32>} : memref<3x128x64xbf16, #tpu.memory_space<vmem>>, vector<1x128x64xbf16>,
    %get3A_38 = arith.constant 0 : index
    %get3A_39 = arith.constant 0 : index
    %get3A_40 = arith.constant 0 : index
    %get3A_41 = vector.load %arg4[%get3A_38, %get3A_39, %get3A_40] : memref<3x256x128xf32, #tpu.memory_space<vmem>>, vector<1x256x128xf32>
    %get3A_42 = vector.shape_cast %get3A_41 : vector<1x256x128xf32> to vector<256x128xf32>
    %convert_element_type3A_43 = arith.truncf %get3A_42 : vector<256x128xf32> to vector<256x128xbf16>
    %swap3A_44 = arith.constant 0 : index
    %swap3A_45 = arith.constant 0 : index
    %swap3A_46 = arith.constant 0 : index
    %swap3A_47 = vector.load %arg29[%swap3A_44, %swap3A_45, %swap3A_46] : memref<3x256x128xbf16, #tpu.memory_space<vmem>>, vector<1x256x128xbf16>
    %swap3A_48 = vector.shape_cast %swap3A_47 : vector<1x256x128xbf16> to vector<256x128xbf16>
    %swap3A_49 = vector.shape_cast %convert_element_type3A_43 : vector<256x128xbf16> to vector<1x256x128xbf16>
    tpu.vector_store %arg29[%swap3A_44, %swap3A_45, %swap3A_46], %swap3A_49 {strides = array<i32>} : memref<3x256x128xbf16, #tpu.memory_space<vmem>>, vector<1x256x128xbf16>,
    %get3A_50 = arith.constant 0 : index
    %get3A_51 = arith.constant 0 : index
    %get3A_52 = arith.constant 0 : index
    %get3A_53 = vector.load %arg5[%get3A_50, %get3A_51, %get3A_52] : memref<3x384x128xf32, #tpu.memory_space<vmem>>, vector<1x384x128xf32>
    %get3A_54 = vector.shape_cast %get3A_53 : vector<1x384x128xf32> to vector<384x128xf32>
    %convert_element_type3A_55 = arith.truncf %get3A_54 : vector<384x128xf32> to vector<384x128xbf16>
    %swap3A_56 = arith.constant 0 : index
    %swap3A_57 = arith.constant 0 : index
    %swap3A_58 = arith.constant 0 : index
    %swap3A_59 = vector.load %arg30[%swap3A_56, %swap3A_57, %swap3A_58] : memref<3x384x128xbf16, #tpu.memory_space<vmem>>, vector<1x384x128xbf16>
    %swap3A_60 = vector.shape_cast %swap3A_59 : vector<1x384x128xbf16> to vector<384x128xbf16>
    %swap3A_61 = vector.shape_cast %convert_element_type3A_55 : vector<384x128xbf16> to vector<1x384x128xbf16>
    tpu.vector_store %arg30[%swap3A_56, %swap3A_57, %swap3A_58], %swap3A_61 {strides = array<i32>} : memref<3x384x128xbf16, #tpu.memory_space<vmem>>, vector<1x384x128xbf16>,
    %get3A_62 = arith.constant 0 : index
    %get3A_63 = arith.constant 0 : index
    %get3A_64 = arith.constant 0 : index
    %get3A_65 = vector.load %arg7[%get3A_62, %get3A_63, %get3A_64] : memref<3x384x128xf32, #tpu.memory_space<vmem>>, vector<1x384x128xf32>
    %get3A_66 = vector.shape_cast %get3A_65 : vector<1x384x128xf32> to vector<384x128xf32>
    %convert_element_type3A_67 = arith.truncf %get3A_66 : vector<384x128xf32> to vector<384x128xbf16>
    %swap3A_68 = arith.constant 0 : index
    %swap3A_69 = arith.constant 0 : index
    %swap3A_70 = arith.constant 0 : index
    %swap3A_71 = vector.load %arg31[%swap3A_68, %swap3A_69, %swap3A_70] : memref<3x384x128xbf16, #tpu.memory_space<vmem>>, vector<1x384x128xbf16>
    %swap3A_72 = vector.shape_cast %swap3A_71 : vector<1x384x128xbf16> to vector<384x128xbf16>
    %swap3A_73 = vector.shape_cast %convert_element_type3A_67 : vector<384x128xbf16> to vector<1x384x128xbf16>
    tpu.vector_store %arg31[%swap3A_68, %swap3A_69, %swap3A_70], %swap3A_73 {strides = array<i32>} : memref<3x384x128xbf16, #tpu.memory_space<vmem>>, vector<1x384x128xbf16>,
    %get3A_74 = arith.constant 0 : index
    %get3A_75 = arith.constant 0 : index
    %get3A_76 = arith.constant 0 : index
    %get3A_77 = vector.load %arg9[%get3A_74, %get3A_75, %get3A_76] : memref<3x256x128xf32, #tpu.memory_space<vmem>>, vector<1x256x128xf32>
    %get3A_78 = vector.shape_cast %get3A_77 : vector<1x256x128xf32> to vector<256x128xf32>
    %convert_element_type3A_79 = arith.truncf %get3A_78 : vector<256x128xf32> to vector<256x128xbf16>
    %swap3A_80 = arith.constant 0 : index
    %swap3A_81 = arith.constant 0 : index
    %swap3A_82 = arith.constant 0 : index
    %swap3A_83 = vector.load %arg32[%swap3A_80, %swap3A_81, %swap3A_82] : memref<3x256x128xbf16, #tpu.memory_space<vmem>>, vector<1x256x128xbf16>
    %swap3A_84 = vector.shape_cast %swap3A_83 : vector<1x256x128xbf16> to vector<256x128xbf16>
    %swap3A_85 = vector.shape_cast %convert_element_type3A_79 : vector<256x128xbf16> to vector<1x256x128xbf16>
    tpu.vector_store %arg32[%swap3A_80, %swap3A_81, %swap3A_82], %swap3A_85 {strides = array<i32>} : memref<3x256x128xbf16, #tpu.memory_space<vmem>>, vector<1x256x128xbf16>,
    %get3A_86 = arith.constant 0 : index
    %get3A_87 = arith.constant 0 : index
    %get3A_88 = arith.constant 0 : index
    %get3A_89 = vector.load %arg13[%get3A_86, %get3A_87, %get3A_88] : memref<3x128x128xf32, #tpu.memory_space<vmem>>, vector<1x128x128xf32>
    %get3A_90 = vector.shape_cast %get3A_89 : vector<1x128x128xf32> to vector<128x128xf32>
    %convert_element_type3A_91 = arith.truncf %get3A_90 : vector<128x128xf32> to vector<128x128xbf16>
    %swap3A_92 = arith.constant 0 : index
    %swap3A_93 = arith.constant 0 : index
    %swap3A_94 = arith.constant 0 : index
    %swap3A_95 = vector.load %arg33[%swap3A_92, %swap3A_93, %swap3A_94] : memref<3x128x128xbf16, #tpu.memory_space<vmem>>, vector<1x128x128xbf16>
    %swap3A_96 = vector.shape_cast %swap3A_95 : vector<1x128x128xbf16> to vector<128x128xbf16>
    %swap3A_97 = vector.shape_cast %convert_element_type3A_91 : vector<128x128xbf16> to vector<1x128x128xbf16>
    tpu.vector_store %arg33[%swap3A_92, %swap3A_93, %swap3A_94], %swap3A_97 {strides = array<i32>} : memref<3x128x128xbf16, #tpu.memory_space<vmem>>, vector<1x128x128xbf16>,
    %get3A_98 = arith.constant 0 : index
    %get3A_99 = arith.constant 0 : index
    %get3A_100 = arith.constant 0 : index
    %get3A_101 = vector.load %arg15[%get3A_98, %get3A_99, %get3A_100] : memref<3x128x128xf32, #tpu.memory_space<vmem>>, vector<1x128x128xf32>
    %get3A_102 = vector.shape_cast %get3A_101 : vector<1x128x128xf32> to vector<128x128xf32>
    %convert_element_type3A_103 = arith.truncf %get3A_102 : vector<128x128xf32> to vector<128x128xbf16>
    %swap3A_104 = arith.constant 0 : index
    %swap3A_105 = arith.constant 0 : index
    %swap3A_106 = arith.constant 0 : index
    %swap3A_107 = vector.load %arg34[%swap3A_104, %swap3A_105, %swap3A_106] : memref<3x128x128xbf16, #tpu.memory_space<vmem>>, vector<1x128x128xbf16>
    %swap3A_108 = vector.shape_cast %swap3A_107 : vector<1x128x128xbf16> to vector<128x128xbf16>
    %swap3A_109 = vector.shape_cast %convert_element_type3A_103 : vector<128x128xbf16> to vector<1x128x128xbf16>
    tpu.vector_store %arg34[%swap3A_104, %swap3A_105, %swap3A_106], %swap3A_109 {strides = array<i32>} : memref<3x128x128xbf16, #tpu.memory_space<vmem>>, vector<1x128x128xbf16>,
    %get3A_110 = arith.constant 1 : index
    %get3A_111 = arith.constant 0 : index
    %get3A_112 = arith.constant 0 : index
    %get3A_113 = vector.load %arg19[%get3A_110, %get3A_111, %get3A_112] : memref<3x128x64xf32, #tpu.memory_space<vmem>>, vector<1x128x64xf32>
    %get3A_114 = vector.shape_cast %get3A_113 : vector<1x128x64xf32> to vector<128x64xf32>
    %mul3A_115 = arith.mulf %get3A_114, %get3A_114 : vector<128x64xf32>
    %reduce_sum3A_116 = arith.constant dense<0.000000e+00> : vector<64xf32>
    %reduce_sum3A_117 = vector.multi_reduction <add>, %mul3A_115, %reduce_sum3A_116 [0] : vector<128x64xf32> to vector<64xf32>
    %broadcast_in_dim3A_118 = vector.shape_cast %reduce_sum3A_117 : vector<64xf32> to vector<1x64xf32>
    %sqrt3A_119 = math.sqrt %broadcast_in_dim3A_118 : vector<1x64xf32>
    %max3A_120 = arith.constant 9.99999997E-7 : f32
    %max3A_121 = vector.broadcast %max3A_120 : f32 to vector<1x64xf32>
    %max3A_122 = arith.maximumf %sqrt3A_119, %max3A_121 : vector<1x64xf32>
    %div3A_123 = vector.broadcast %max3A_122 : vector<1x64xf32> to vector<128x64xf32>
    %div3A_124 = arith.divf %get3A_114, %div3A_123 : vector<128x64xf32>
    %convert_element_type3A_125 = arith.truncf %div3A_124 : vector<128x64xf32> to vector<128x64xbf16>
    %swap3A_126 = arith.constant 1 : index
    %swap3A_127 = arith.constant 0 : index
    %swap3A_128 = arith.constant 0 : index
    %swap3A_129 = vector.load %arg25[%swap3A_126, %swap3A_127, %swap3A_128] : memref<3x128x64xbf16, #tpu.memory_space<vmem>>, vector<1x128x64xbf16>
    %swap3A_130 = vector.shape_cast %swap3A_129 : vector<1x128x64xbf16> to vector<128x64xbf16>
    %swap3A_131 = vector.shape_cast %convert_element_type3A_125 : vector<128x64xbf16> to vector<1x128x64xbf16>
    tpu.vector_store %arg25[%swap3A_126, %swap3A_127, %swap3A_128], %swap3A_131 {strides = array<i32>} : memref<3x128x64xbf16, #tpu.memory_space<vmem>>, vector<1x128x64xbf16>,
    %get3A_132 = arith.constant 1 : index
    %get3A_133 = arith.constant 0 : index
    %get3A_134 = arith.constant 0 : index
    %get3A_135 = vector.load %arg4[%get3A_132, %get3A_133, %get3A_134] : memref<3x256x128xf32, #tpu.memory_space<vmem>>, vector<1x256x128xf32>
    %get3A_136 = vector.shape_cast %get3A_135 : vector<1x256x128xf32> to vector<256x128xf32>
    %convert_element_type3A_137 = arith.truncf %get3A_136 : vector<256x128xf32> to vector<256x128xbf16>
    %swap3A_138 = arith.constant 1 : index
    %swap3A_139 = arith.constant 0 : index
    %swap3A_140 = arith.constant 0 : index
    %swap3A_141 = vector.load %arg29[%swap3A_138, %swap3A_139, %swap3A_140] : memref<3x256x128xbf16, #tpu.memory_space<vmem>>, vector<1x256x128xbf16>
    %swap3A_142 = vector.shape_cast %swap3A_141 : vector<1x256x128xbf16> to vector<256x128xbf16>
    %swap3A_143 = vector.shape_cast %convert_element_type3A_137 : vector<256x128xbf16> to vector<1x256x128xbf16>
    tpu.vector_store %arg29[%swap3A_138, %swap3A_139, %swap3A_140], %swap3A_143 {strides = array<i32>} : memref<3x256x128xbf16, #tpu.memory_space<vmem>>, vector<1x256x128xbf16>,
    %get3A_144 = arith.constant 1 : index
    %get3A_145 = arith.constant 0 : index
    %get3A_146 = arith.constant 0 : index
    %get3A_147 = vector.load %arg5[%get3A_144, %get3A_145, %get3A_146] : memref<3x384x128xf32, #tpu.memory_space<vmem>>, vector<1x384x128xf32>
    %get3A_148 = vector.shape_cast %get3A_147 : vector<1x384x128xf32> to vector<384x128xf32>
    %convert_element_type3A_149 = arith.truncf %get3A_148 : vector<384x128xf32> to vector<384x128xbf16>
    %swap3A_150 = arith.constant 1 : index
    %swap3A_151 = arith.constant 0 : index
    %swap3A_152 = arith.constant 0 : index
    %swap3A_153 = vector.load %arg30[%swap3A_150, %swap3A_151, %swap3A_152] : memref<3x384x128xbf16, #tpu.memory_space<vmem>>, vector<1x384x128xbf16>
    %swap3A_154 = vector.shape_cast %swap3A_153 : vector<1x384x128xbf16> to vector<384x128xbf16>
    %swap3A_155 = vector.shape_cast %convert_element_type3A_149 : vector<384x128xbf16> to vector<1x384x128xbf16>
    tpu.vector_store %arg30[%swap3A_150, %swap3A_151, %swap3A_152], %swap3A_155 {strides = array<i32>} : memref<3x384x128xbf16, #tpu.memory_space<vmem>>, vector<1x384x128xbf16>,
    %get3A_156 = arith.constant 1 : index
    %get3A_157 = arith.constant 0 : index
    %get3A_158 = arith.constant 0 : index
    %get3A_159 = vector.load %arg7[%get3A_156, %get3A_157, %get3A_158] : memref<3x384x128xf32, #tpu.memory_space<vmem>>, vector<1x384x128xf32>
    %get3A_160 = vector.shape_cast %get3A_159 : vector<1x384x128xf32> to vector<384x128xf32>
    %convert_element_type3A_161 = arith.truncf %get3A_160 : vector<384x128xf32> to vector<384x128xbf16>
    %swap3A_162 = arith.constant 1 : index
    %swap3A_163 = arith.constant 0 : index
    %swap3A_164 = arith.constant 0 : index
    %swap3A_165 = vector.load %arg31[%swap3A_162, %swap3A_163, %swap3A_164] : memref<3x384x128xbf16, #tpu.memory_space<vmem>>, vector<1x384x128xbf16>
    %swap3A_166 = vector.shape_cast %swap3A_165 : vector<1x384x128xbf16> to vector<384x128xbf16>
    %swap3A_167 = vector.shape_cast %convert_element_type3A_161 : vector<384x128xbf16> to vector<1x384x128xbf16>
    tpu.vector_store %arg31[%swap3A_162, %swap3A_163, %swap3A_164], %swap3A_167 {strides = array<i32>} : memref<3x384x128xbf16, #tpu.memory_space<vmem>>, vector<1x384x128xbf16>,
    %get3A_168 = arith.constant 1 : index
    %get3A_169 = arith.constant 0 : index
    %get3A_170 = arith.constant 0 : index
    %get3A_171 = vector.load %arg9[%get3A_168, %get3A_169, %get3A_170] : memref<3x256x128xf32, #tpu.memory_space<vmem>>, vector<1x256x128xf32>
    %get3A_172 = vector.shape_cast %get3A_171 : vector<1x256x128xf32> to vector<256x128xf32>
    %convert_element_type3A_173 = arith.truncf %get3A_172 : vector<256x128xf32> to vector<256x128xbf16>
    %swap3A_174 = arith.constant 1 : index
    %swap3A_175 = arith.constant 0 : index
    %swap3A_176 = arith.constant 0 : index
    %swap3A_177 = vector.load %arg32[%swap3A_174, %swap3A_175, %swap3A_176] : memref<3x256x128xbf16, #tpu.memory_space<vmem>>, vector<1x256x128xbf16>
    %swap3A_178 = vector.shape_cast %swap3A_177 : vector<1x256x128xbf16> to vector<256x128xbf16>
    %swap3A_179 = vector.shape_cast %convert_element_type3A_173 : vector<256x128xbf16> to vector<1x256x128xbf16>
    tpu.vector_store %arg32[%swap3A_174, %swap3A_175, %swap3A_176], %swap3A_179 {strides = array<i32>} : memref<3x256x128xbf16, #tpu.memory_space<vmem>>, vector<1x256x128xbf16>,
    %get3A_180 = arith.constant 1 : index
    %get3A_181 = arith.constant 0 : index
    %get3A_182 = arith.constant 0 : index
    %get3A_183 = vector.load %arg13[%get3A_180, %get3A_181, %get3A_182] : memref<3x128x128xf32, #tpu.memory_space<vmem>>, vector<1x128x128xf32>
    %get3A_184 = vector.shape_cast %get3A_183 : vector<1x128x128xf32> to vector<128x128xf32>
    %convert_element_type3A_185 = arith.truncf %get3A_184 : vector<128x128xf32> to vector<128x128xbf16>
    %swap3A_186 = arith.constant 1 : index
    %swap3A_187 = arith.constant 0 : index
    %swap3A_188 = arith.constant 0 : index
    %swap3A_189 = vector.load %arg33[%swap3A_186, %swap3A_187, %swap3A_188] : memref<3x128x128xbf16, #tpu.memory_space<vmem>>, vector<1x128x128xbf16>
    %swap3A_190 = vector.shape_cast %swap3A_189 : vector<1x128x128xbf16> to vector<128x128xbf16>
    %swap3A_191 = vector.shape_cast %convert_element_type3A_185 : vector<128x128xbf16> to vector<1x128x128xbf16>
    tpu.vector_store %arg33[%swap3A_186, %swap3A_187, %swap3A_188], %swap3A_191 {strides = array<i32>} : memref<3x128x128xbf16, #tpu.memory_space<vmem>>, vector<1x128x128xbf16>,
    %get3A_192 = arith.constant 1 : index
    %get3A_193 = arith.constant 0 : index
    %get3A_194 = arith.constant 0 : index
    %get3A_195 = vector.load %arg15[%get3A_192, %get3A_193, %get3A_194] : memref<3x128x128xf32, #tpu.memory_space<vmem>>, vector<1x128x128xf32>
    %get3A_196 = vector.shape_cast %get3A_195 : vector<1x128x128xf32> to vector<128x128xf32>
    %convert_element_type3A_197 = arith.truncf %get3A_196 : vector<128x128xf32> to vector<128x128xbf16>
    %swap3A_198 = arith.constant 1 : index
    %swap3A_199 = arith.constant 0 : index
    %swap3A_200 = arith.constant 0 : index
    %swap3A_201 = vector.load %arg34[%swap3A_198, %swap3A_199, %swap3A_200] : memref<3x128x128xbf16, #tpu.memory_space<vmem>>, vector<1x128x128xbf16>
    %swap3A_202 = vector.shape_cast %swap3A_201 : vector<1x128x128xbf16> to vector<128x128xbf16>
    %swap3A_203 = vector.shape_cast %convert_element_type3A_197 : vector<128x128xbf16> to vector<1x128x128xbf16>
    tpu.vector_store %arg34[%swap3A_198, %swap3A_199, %swap3A_200], %swap3A_203 {strides = array<i32>} : memref<3x128x128xbf16, #tpu.memory_space<vmem>>, vector<1x128x128xbf16>,
    %get3A_204 = arith.constant 2 : index
    %get3A_205 = arith.constant 0 : index
    %get3A_206 = arith.constant 0 : index
    %get3A_207 = vector.load %arg19[%get3A_204, %get3A_205, %get3A_206] : memref<3x128x64xf32, #tpu.memory_space<vmem>>, vector<1x128x64xf32>
    %get3A_208 = vector.shape_cast %get3A_207 : vector<1x128x64xf32> to vector<128x64xf32>
    %mul3A_209 = arith.mulf %get3A_208, %get3A_208 : vector<128x64xf32>
    %reduce_sum3A_210 = arith.constant dense<0.000000e+00> : vector<64xf32>
    %reduce_sum3A_211 = vector.multi_reduction <add>, %mul3A_209, %reduce_sum3A_210 [0] : vector<128x64xf32> to vector<64xf32>
    %broadcast_in_dim3A_212 = vector.shape_cast %reduce_sum3A_211 : vector<64xf32> to vector<1x64xf32>
    %sqrt3A_213 = math.sqrt %broadcast_in_dim3A_212 : vector<1x64xf32>
    %max3A_214 = arith.constant 9.99999997E-7 : f32
    %max3A_215 = vector.broadcast %max3A_214 : f32 to vector<1x64xf32>
    %max3A_216 = arith.maximumf %sqrt3A_213, %max3A_215 : vector<1x64xf32>
    %div3A_217 = vector.broadcast %max3A_216 : vector<1x64xf32> to vector<128x64xf32>
    %div3A_218 = arith.divf %get3A_208, %div3A_217 : vector<128x64xf32>
    %convert_element_type3A_219 = arith.truncf %div3A_218 : vector<128x64xf32> to vector<128x64xbf16>
    %swap3A_220 = arith.constant 2 : index
    %swap3A_221 = arith.constant 0 : index
    %swap3A_222 = arith.constant 0 : index
    %swap3A_223 = vector.load %arg25[%swap3A_220, %swap3A_221, %swap3A_222] : memref<3x128x64xbf16, #tpu.memory_space<vmem>>, vector<1x128x64xbf16>
    %swap3A_224 = vector.shape_cast %swap3A_223 : vector<1x128x64xbf16> to vector<128x64xbf16>
    %swap3A_225 = vector.shape_cast %convert_element_type3A_219 : vector<128x64xbf16> to vector<1x128x64xbf16>
    tpu.vector_store %arg25[%swap3A_220, %swap3A_221, %swap3A_222], %swap3A_225 {strides = array<i32>} : memref<3x128x64xbf16, #tpu.memory_space<vmem>>, vector<1x128x64xbf16>,
    %get3A_226 = arith.constant 2 : index
    %get3A_227 = arith.constant 0 : index
    %get3A_228 = arith.constant 0 : index
    %get3A_229 = vector.load %arg4[%get3A_226, %get3A_227, %get3A_228] : memref<3x256x128xf32, #tpu.memory_space<vmem>>, vector<1x256x128xf32>
    %get3A_230 = vector.shape_cast %get3A_229 : vector<1x256x128xf32> to vector<256x128xf32>
    %convert_element_type3A_231 = arith.truncf %get3A_230 : vector<256x128xf32> to vector<256x128xbf16>
    %swap3A_232 = arith.constant 2 : index
    %swap3A_233 = arith.constant 0 : index
    %swap3A_234 = arith.constant 0 : index
    %swap3A_235 = vector.load %arg29[%swap3A_232, %swap3A_233, %swap3A_234] : memref<3x256x128xbf16, #tpu.memory_space<vmem>>, vector<1x256x128xbf16>
    %swap3A_236 = vector.shape_cast %swap3A_235 : vector<1x256x128xbf16> to vector<256x128xbf16>
    %swap3A_237 = vector.shape_cast %convert_element_type3A_231 : vector<256x128xbf16> to vector<1x256x128xbf16>
    tpu.vector_store %arg29[%swap3A_232, %swap3A_233, %swap3A_234], %swap3A_237 {strides = array<i32>} : memref<3x256x128xbf16, #tpu.memory_space<vmem>>, vector<1x256x128xbf16>,
    %get3A_238 = arith.constant 2 : index
    %get3A_239 = arith.constant 0 : index
    %get3A_240 = arith.constant 0 : index
    %get3A_241 = vector.load %arg5[%get3A_238, %get3A_239, %get3A_240] : memref<3x384x128xf32, #tpu.memory_space<vmem>>, vector<1x384x128xf32>
    %get3A_242 = vector.shape_cast %get3A_241 : vector<1x384x128xf32> to vector<384x128xf32>
    %convert_element_type3A_243 = arith.truncf %get3A_242 : vector<384x128xf32> to vector<384x128xbf16>
    %swap3A_244 = arith.constant 2 : index
    %swap3A_245 = arith.constant 0 : index
    %swap3A_246 = arith.constant 0 : index
    %swap3A_247 = vector.load %arg30[%swap3A_244, %swap3A_245, %swap3A_246] : memref<3x384x128xbf16, #tpu.memory_space<vmem>>, vector<1x384x128xbf16>
    %swap3A_248 = vector.shape_cast %swap3A_247 : vector<1x384x128xbf16> to vector<384x128xbf16>
    %swap3A_249 = vector.shape_cast %convert_element_type3A_243 : vector<384x128xbf16> to vector<1x384x128xbf16>
    tpu.vector_store %arg30[%swap3A_244, %swap3A_245, %swap3A_246], %swap3A_249 {strides = array<i32>} : memref<3x384x128xbf16, #tpu.memory_space<vmem>>, vector<1x384x128xbf16>,
    %get3A_250 = arith.constant 2 : index
    %get3A_251 = arith.constant 0 : index
    %get3A_252 = arith.constant 0 : index
    %get3A_253 = vector.load %arg7[%get3A_250, %get3A_251, %get3A_252] : memref<3x384x128xf32, #tpu.memory_space<vmem>>, vector<1x384x128xf32>
    %get3A_254 = vector.shape_cast %get3A_253 : vector<1x384x128xf32> to vector<384x128xf32>
    %convert_element_type3A_255 = arith.truncf %get3A_254 : vector<384x128xf32> to vector<384x128xbf16>
    %swap3A_256 = arith.constant 2 : index
    %swap3A_257 = arith.constant 0 : index
    %swap3A_258 = arith.constant 0 : index
    %swap3A_259 = vector.load %arg31[%swap3A_256, %swap3A_257, %swap3A_258] : memref<3x384x128xbf16, #tpu.memory_space<vmem>>, vector<1x384x128xbf16>
    %swap3A_260 = vector.shape_cast %swap3A_259 : vector<1x384x128xbf16> to vector<384x128xbf16>
    %swap3A_261 = vector.shape_cast %convert_element_type3A_255 : vector<384x128xbf16> to vector<1x384x128xbf16>
    tpu.vector_store %arg31[%swap3A_256, %swap3A_257, %swap3A_258], %swap3A_261 {strides = array<i32>} : memref<3x384x128xbf16, #tpu.memory_space<vmem>>, vector<1x384x128xbf16>,
    %get3A_262 = arith.constant 2 : index
    %get3A_263 = arith.constant 0 : index
    %get3A_264 = arith.constant 0 : index
    %get3A_265 = vector.load %arg9[%get3A_262, %get3A_263, %get3A_264] : memref<3x256x128xf32, #tpu.memory_space<vmem>>, vector<1x256x128xf32>
    %get3A_266 = vector.shape_cast %get3A_265 : vector<1x256x128xf32> to vector<256x128xf32>
    %convert_element_type3A_267 = arith.truncf %get3A_266 : vector<256x128xf32> to vector<256x128xbf16>
    %swap3A_268 = arith.constant 2 : index
    %swap3A_269 = arith.constant 0 : index
    %swap3A_270 = arith.constant 0 : index
    %swap3A_271 = vector.load %arg32[%swap3A_268, %swap3A_269, %swap3A_270] : memref<3x256x128xbf16, #tpu.memory_space<vmem>>, vector<1x256x128xbf16>
    %swap3A_272 = vector.shape_cast %swap3A_271 : vector<1x256x128xbf16> to vector<256x128xbf16>
    %swap3A_273 = vector.shape_cast %convert_element_type3A_267 : vector<256x128xbf16> to vector<1x256x128xbf16>
    tpu.vector_store %arg32[%swap3A_268, %swap3A_269, %swap3A_270], %swap3A_273 {strides = array<i32>} : memref<3x256x128xbf16, #tpu.memory_space<vmem>>, vector<1x256x128xbf16>,
    %get3A_274 = arith.constant 2 : index
    %get3A_275 = arith.constant 0 : index
    %get3A_276 = arith.constant 0 : index
    %get3A_277 = vector.load %arg13[%get3A_274, %get3A_275, %get3A_276] : memref<3x128x128xf32, #tpu.memory_space<vmem>>, vector<1x128x128xf32>
    %get3A_278 = vector.shape_cast %get3A_277 : vector<1x128x128xf32> to vector<128x128xf32>
    %convert_element_type3A_279 = arith.truncf %get3A_278 : vector<128x128xf32> to vector<128x128xbf16>
    %swap3A_280 = arith.constant 2 : index
    %swap3A_281 = arith.constant 0 : index
    %swap3A_282 = arith.constant 0 : index
    %swap3A_283 = vector.load %arg33[%swap3A_280, %swap3A_281, %swap3A_282] : memref<3x128x128xbf16, #tpu.memory_space<vmem>>, vector<1x128x128xbf16>
    %swap3A_284 = vector.shape_cast %swap3A_283 : vector<1x128x128xbf16> to vector<128x128xbf16>
    %swap3A_285 = vector.shape_cast %convert_element_type3A_279 : vector<128x128xbf16> to vector<1x128x128xbf16>
    tpu.vector_store %arg33[%swap3A_280, %swap3A_281, %swap3A_282], %swap3A_285 {strides = array<i32>} : memref<3x128x128xbf16, #tpu.memory_space<vmem>>, vector<1x128x128xbf16>,
    %get3A_286 = arith.constant 2 : index
    %get3A_287 = arith.constant 0 : index
    %get3A_288 = arith.constant 0 : index
    %get3A_289 = vector.load %arg15[%get3A_286, %get3A_287, %get3A_288] : memref<3x128x128xf32, #tpu.memory_space<vmem>>, vector<1x128x128xf32>
    %get3A_290 = vector.shape_cast %get3A_289 : vector<1x128x128xf32> to vector<128x128xf32>
    %convert_element_type3A_291 = arith.truncf %get3A_290 : vector<128x128xf32> to vector<128x128xbf16>
    %swap3A_292 = arith.constant 2 : index
    %swap3A_293 = arith.constant 0 : index
    %swap3A_294 = arith.constant 0 : index
    %swap3A_295 = vector.load %arg34[%swap3A_292, %swap3A_293, %swap3A_294] : memref<3x128x128xbf16, #tpu.memory_space<vmem>>, vector<1x128x128xbf16>
    %swap3A_296 = vector.shape_cast %swap3A_295 : vector<1x128x128xbf16> to vector<128x128xbf16>
    %swap3A_297 = vector.shape_cast %convert_element_type3A_291 : vector<128x128xbf16> to vector<1x128x128xbf16>
    tpu.vector_store %arg34[%swap3A_292, %swap3A_293, %swap3A_294], %swap3A_297 {strides = array<i32>} : memref<3x128x128xbf16, #tpu.memory_space<vmem>>, vector<1x128x128xbf16>,
    %broadcast_in_dim3A_298 = arith.constant 0.000000e+00 : f32
    %broadcast_in_dim3A_299 = vector.broadcast %broadcast_in_dim3A_298 : f32 to vector<48x8x128xf32>
    %swap3A_300 = arith.constant 0 : index
    %swap3A_301 = arith.constant 0 : index
    %swap3A_302 = arith.constant 0 : index
    %swap3A_303 = vector.load %arg26[%swap3A_300, %swap3A_301, %swap3A_302] : memref<48x8x128xf32, #tpu.memory_space<vmem>>, vector<48x8x128xf32>
    tpu.vector_store %arg26[%swap3A_300, %swap3A_301, %swap3A_302], %broadcast_in_dim3A_299 {strides = array<i32>} : memref<48x8x128xf32, #tpu.memory_space<vmem>>, vector<48x8x128xf32>,
    %broadcast_in_dim3A_304 = arith.constant 0.000000e+00 : f32
    %broadcast_in_dim3A_305 = vector.broadcast %broadcast_in_dim3A_304 : f32 to vector<48x8x128xf32>
    %swap3A_306 = arith.constant 0 : index
    %swap3A_307 = arith.constant 0 : index
    %swap3A_308 = arith.constant 0 : index
    %swap3A_309 = vector.load %arg27[%swap3A_306, %swap3A_307, %swap3A_308] : memref<48x8x128xf32, #tpu.memory_space<vmem>>, vector<48x8x128xf32>
    tpu.vector_store %arg27[%swap3A_306, %swap3A_307, %swap3A_308], %broadcast_in_dim3A_305 {strides = array<i32>} : memref<48x8x128xf32, #tpu.memory_space<vmem>>, vector<48x8x128xf32>,
    %broadcast_in_dim3A_310 = arith.constant 0.000000e+00 : f32
    %broadcast_in_dim3A_311 = vector.broadcast %broadcast_in_dim3A_310 : f32 to vector<48x8x128xf32>
    %swap3A_312 = arith.constant 0 : index
    %swap3A_313 = arith.constant 0 : index
    %swap3A_314 = arith.constant 0 : index
    %swap3A_315 = vector.load %arg28[%swap3A_312, %swap3A_313, %swap3A_314] : memref<48x8x128xf32, #tpu.memory_space<vmem>>, vector<48x8x128xf32>
    tpu.vector_store %arg28[%swap3A_312, %swap3A_313, %swap3A_314], %broadcast_in_dim3A_311 {strides = array<i32>} : memref<48x8x128xf32, #tpu.memory_space<vmem>>, vector<48x8x128xf32>,
    %iota3A = tpu.iota {dimensions = array<i32: 1>} : vector<8x80xi32>
    %broadcast_in_dim3A_316 = arith.constant 0.000000e+00 : f32
    %broadcast_in_dim3A_317 = vector.broadcast %broadcast_in_dim3A_316 : f32 to vector<8x128xf32>
    %broadcast_in_dim3A_318 = arith.constant 0.000000e+00 : f32
    %broadcast_in_dim3A_319 = vector.broadcast %broadcast_in_dim3A_318 : f32 to vector<8x128xf32>
    %broadcast_in_dim3A_320 = arith.constant 0.000000e+00 : f32
    %broadcast_in_dim3A_321 = vector.broadcast %broadcast_in_dim3A_320 : f32 to vector<8x128xf32>
    %scan3A = arith.constant 0xFF800000 : f32
    %scan3A_322 = arith.constant 0 : i32
    %scan3A_323 = arith.constant 128 : i32
    %scan3A_324 = arith.addi %scan3A_322, %scan3A_323 : i32
    %scan3A_325 = arith.constant 1 : i32
    %scan3A_326:3 = scf.for %scan3A_328 = %scan3A_322 to %scan3A_324 step %scan3A_325 iter_args(%scan3A_329 = %broadcast_in_dim3A_317, %scan3A_330 = %broadcast_in_dim3A_319, %scan3A_331 = %broadcast_in_dim3A_321) -> (vector<8x128xf32>, vector<8x128xf32>, vector<8x128xf32>)  : i32 {
      %get3A_332 = arith.index_cast %scan3A_328 : i32 to index
      %get3A_333 = arith.constant 0 : index
      %get3A_334 = arith.constant 0 : index
      %get3A_335 = vector.load %arg24[%get3A_332, %get3A_333, %get3A_334] : memref<128x8x128xf32, #tpu.memory_space<vmem>>, vector<1x8x128xf32>
      %squeeze3A = vector.shape_cast %get3A_335 : vector<1x8x128xf32> to vector<8x128xf32>
      %rem3A = arith.constant 16 : i32
      %rem3A_336 = arith.remsi %scan3A_328, %rem3A : i32
      %concatenate3A = tpu.concatenate %squeeze3A, %scan3A_329 in 1 : vector<8x128xf32>, vector<8x128xf32> -> vector<8x256xf32>
      %convert_element_type3A_337 = arith.truncf %concatenate3A : vector<8x256xf32> to vector<8x256xbf16>
      %get3A_338 = arith.constant 0 : index
      %get3A_339 = arith.constant 0 : index
      %get3A_340 = arith.constant 0 : index
      %get3A_341 = vector.load %arg29[%get3A_338, %get3A_339, %get3A_340] : memref<3x256x128xbf16, #tpu.memory_space<vmem>>, vector<1x256x128xbf16>
      %get3A_342 = vector.shape_cast %get3A_341 : vector<1x256x128xbf16> to vector<256x128xbf16>
      %dot_general3A_343 = arith.constant dense<0.000000e+00> : vector<8x128xf32>
      %dot_general3A_344 = tpu.matmul %convert_element_type3A_337, %get3A_342, %dot_general3A_343 {dimension_numbers = #tpu.dot_dimension_numbers<[1], [0], [0], [1], [0, 0, 1, 1], [], []>, transpose_lhs_hint = false} : vector<8x256xbf16>, vector<256x128xbf16>, vector<8x128xf32> -> vector<8x128xf32>
      %mul3A_345 = arith.mulf %dot_general3A_344, %dot_general3A_344 : vector<8x128xf32>
      %reduce_sum3A_346 = arith.constant dense<0.000000e+00> : vector<8xf32>
      %reduce_sum3A_347 = vector.multi_reduction <add>, %mul3A_345, %reduce_sum3A_346 [1] : vector<8x128xf32> to vector<8xf32>
      %broadcast_in_dim3A_348 = vector.shape_cast %reduce_sum3A_347 : vector<8xf32> to vector<8x1xf32>
      %sqrt3A_349 = math.sqrt %broadcast_in_dim3A_348 : vector<8x1xf32>
      %max3A_350 = arith.constant 9.99999997E-7 : f32
      %max3A_351 = vector.broadcast %max3A_350 : f32 to vector<8x1xf32>
      %max3A_352 = arith.maximumf %sqrt3A_349, %max3A_351 : vector<8x1xf32>
      %div3A_353 = vector.broadcast %max3A_352 : vector<8x1xf32> to vector<8x128xf32>
      %div3A_354 = arith.divf %dot_general3A_344, %div3A_353 : vector<8x128xf32>
      %convert_element_type3A_355 = arith.truncf %div3A_354 : vector<8x128xf32> to vector<8x128xbf16>
      %convert_element_type3A_356 = arith.extf %convert_element_type3A_355 : vector<8x128xbf16> to vector<8x128xf32>
      %get3A_357 = arith.constant 0 : index
      %get3A_358 = arith.constant 0 : index
      %get3A_359 = arith.constant 0 : index
      %get3A_360 = vector.load %arg28[%get3A_357, %get3A_358, %get3A_359] : memref<48x8x128xf32, #tpu.memory_space<vmem>>, vector<1x8x128xf32>
      %get3A_361 = vector.shape_cast %get3A_360 : vector<1x8x128xf32> to vector<8x128xf32>
      %mul3A_362 = arith.mulf %convert_element_type3A_356, %get3A_361 : vector<8x128xf32>
      %reduce_sum3A_363 = arith.constant dense<0.000000e+00> : vector<8xf32>
      %reduce_sum3A_364 = vector.multi_reduction <add>, %mul3A_362, %reduce_sum3A_363 [1] : vector<8x128xf32> to vector<8xf32>
      %broadcast_in_dim3A_365 = vector.shape_cast %reduce_sum3A_364 : vector<8xf32> to vector<8x1xf32>
      %get3A_366 = arith.constant 1 : index
      %get3A_367 = arith.constant 0 : index
      %get3A_368 = arith.constant 0 : index
      %get3A_369 = vector.load %arg28[%get3A_366, %get3A_367, %get3A_368] : memref<48x8x128xf32, #tpu.memory_space<vmem>>, vector<1x8x128xf32>
      %get3A_370 = vector.shape_cast %get3A_369 : vector<1x8x128xf32> to vector<8x128xf32>
      %mul3A_371 = arith.mulf %convert_element_type3A_356, %get3A_370 : vector<8x128xf32>
      %reduce_sum3A_372 = arith.constant dense<0.000000e+00> : vector<8xf32>
      %reduce_sum3A_373 = vector.multi_reduction <add>, %mul3A_371, %reduce_sum3A_372 [1] : vector<8x128xf32> to vector<8xf32>
      %broadcast_in_dim3A_374 = vector.shape_cast %reduce_sum3A_373 : vector<8xf32> to vector<8x1xf32>
      %get3A_375 = arith.constant 2 : index
      %get3A_376 = arith.constant 0 : index
      %get3A_377 = arith.constant 0 : index
      %get3A_378 = vector.load %arg28[%get3A_375, %get3A_376, %get3A_377] : memref<48x8x128xf32, #tpu.memory_space<vmem>>, vector<1x8x128xf32>
      %get3A_379 = vector.shape_cast %get3A_378 : vector<1x8x128xf32> to vector<8x128xf32>
      %mul3A_380 = arith.mulf %convert_element_type3A_356, %get3A_379 : vector<8x128xf32>
      %reduce_sum3A_381 = arith.constant dense<0.000000e+00> : vector<8xf32>
      %reduce_sum3A_382 = vector.multi_reduction <add>, %mul3A_380, %reduce_sum3A_381 [1] : vector<8x128xf32> to vector<8xf32>
      %broadcast_in_dim3A_383 = vector.shape_cast %reduce_sum3A_382 : vector<8xf32> to vector<8x1xf32>
      %get3A_384 = arith.constant 3 : index
      %get3A_385 = arith.constant 0 : index
      %get3A_386 = arith.constant 0 : index
      %get3A_387 = vector.load %arg28[%get3A_384, %get3A_385, %get3A_386] : memref<48x8x128xf32, #tpu.memory_space<vmem>>, vector<1x8x128xf32>
      %get3A_388 = vector.shape_cast %get3A_387 : vector<1x8x128xf32> to vector<8x128xf32>
      %mul3A_389 = arith.mulf %convert_element_type3A_356, %get3A_388 : vector<8x128xf32>
      %reduce_sum3A_390 = arith.constant dense<0.000000e+00> : vector<8xf32>
      %reduce_sum3A_391 = vector.multi_reduction <add>, %mul3A_389, %reduce_sum3A_390 [1] : vector<8x128xf32> to vector<8xf32>
      %broadcast_in_dim3A_392 = vector.shape_cast %reduce_sum3A_391 : vector<8xf32> to vector<8x1xf32>
      %get3A_393 = arith.constant 4 : index
      %get3A_394 = arith.constant 0 : index
      %get3A_395 = arith.constant 0 : index
      %get3A_396 = vector.load %arg28[%get3A_393, %get3A_394, %get3A_395] : memref<48x8x128xf32, #tpu.memory_space<vmem>>, vector<1x8x128xf32>
      %get3A_397 = vector.shape_cast %get3A_396 : vector<1x8x128xf32> to vector<8x128xf32>
      %mul3A_398 = arith.mulf %convert_element_type3A_356, %get3A_397 : vector<8x128xf32>
      %reduce_sum3A_399 = arith.constant dense<0.000000e+00> : vector<8xf32>
      %reduce_sum3A_400 = vector.multi_reduction <add>, %mul3A_398, %reduce_sum3A_399 [1] : vector<8x128xf32> to vector<8xf32>
      %broadcast_in_dim3A_401 = vector.shape_cast %reduce_sum3A_400 : vector<8xf32> to vector<8x1xf32>
      %get3A_402 = arith.constant 5 : index
      %get3A_403 = arith.constant 0 : index
      %get3A_404 = arith.constant 0 : index
      %get3A_405 = vector.load %arg28[%get3A_402, %get3A_403, %get3A_404] : memref<48x8x128xf32, #tpu.memory_space<vmem>>, vector<1x8x128xf32>
      %get3A_406 = vector.shape_cast %get3A_405 : vector<1x8x128xf32> to vector<8x128xf32>
      %mul3A_407 = arith.mulf %convert_element_type3A_356, %get3A_406 : vector<8x128xf32>
      %reduce_sum3A_408 = arith.constant dense<0.000000e+00> : vector<8xf32>
      %reduce_sum3A_409 = vector.multi_reduction <add>, %mul3A_407, %reduce_sum3A_408 [1] : vector<8x128xf32> to vector<8xf32>
      %broadcast_in_dim3A_410 = vector.shape_cast %reduce_sum3A_409 : vector<8xf32> to vector<8x1xf32>
      %get3A_411 = arith.constant 6 : index
      %get3A_412 = arith.constant 0 : index
      %get3A_413 = arith.constant 0 : index
      %get3A_414 = vector.load %arg28[%get3A_411, %get3A_412, %get3A_413] : memref<48x8x128xf32, #tpu.memory_space<vmem>>, vector<1x8x128xf32>
      %get3A_415 = vector.shape_cast %get3A_414 : vector<1x8x128xf32> to vector<8x128xf32>
      %mul3A_416 = arith.mulf %convert_element_type3A_356, %get3A_415 : vector<8x128xf32>
      %reduce_sum3A_417 = arith.constant dense<0.000000e+00> : vector<8xf32>
      %reduce_sum3A_418 = vector.multi_reduction <add>, %mul3A_416, %reduce_sum3A_417 [1] : vector<8x128xf32> to vector<8xf32>
      %broadcast_in_dim3A_419 = vector.shape_cast %reduce_sum3A_418 : vector<8xf32> to vector<8x1xf32>
      %get3A_420 = arith.constant 7 : index
      %get3A_421 = arith.constant 0 : index
      %get3A_422 = arith.constant 0 : index
      %get3A_423 = vector.load %arg28[%get3A_420, %get3A_421, %get3A_422] : memref<48x8x128xf32, #tpu.memory_space<vmem>>, vector<1x8x128xf32>
      %get3A_424 = vector.shape_cast %get3A_423 : vector<1x8x128xf32> to vector<8x128xf32>
      %mul3A_425 = arith.mulf %convert_element_type3A_356, %get3A_424 : vector<8x128xf32>
      %reduce_sum3A_426 = arith.constant dense<0.000000e+00> : vector<8xf32>
      %reduce_sum3A_427 = vector.multi_reduction <add>, %mul3A_425, %reduce_sum3A_426 [1] : vector<8x128xf32> to vector<8xf32>
      %broadcast_in_dim3A_428 = vector.shape_cast %reduce_sum3A_427 : vector<8xf32> to vector<8x1xf32>
      %get3A_429 = arith.constant 8 : index
      %get3A_430 = arith.constant 0 : index
      %get3A_431 = arith.constant 0 : index
      %get3A_432 = vector.load %arg28[%get3A_429, %get3A_430, %get3A_431] : memref<48x8x128xf32, #tpu.memory_space<vmem>>, vector<1x8x128xf32>
      %get3A_433 = vector.shape_cast %get3A_432 : vector<1x8x128xf32> to vector<8x128xf32>
      %mul3A_434 = arith.mulf %convert_element_type3A_356, %get3A_433 : vector<8x128xf32>
      %reduce_sum3A_435 = arith.constant dense<0.000000e+00> : vector<8xf32>
      %reduce_sum3A_436 = vector.multi_reduction <add>, %mul3A_434, %reduce_sum3A_435 [1] : vector<8x128xf32> to vector<8xf32>
      %broadcast_in_dim3A_437 = vector.shape_cast %reduce_sum3A_436 : vector<8xf32> to vector<8x1xf32>
      %get3A_438 = arith.constant 9 : index
      %get3A_439 = arith.constant 0 : index
      %get3A_440 = arith.constant 0 : index
      %get3A_441 = vector.load %arg28[%get3A_438, %get3A_439, %get3A_440] : memref<48x8x128xf32, #tpu.memory_space<vmem>>, vector<1x8x128xf32>
      %get3A_442 = vector.shape_cast %get3A_441 : vector<1x8x128xf32> to vector<8x128xf32>
      %mul3A_443 = arith.mulf %convert_element_type3A_356, %get3A_442 : vector<8x128xf32>
      %reduce_sum3A_444 = arith.constant dense<0.000000e+00> : vector<8xf32>
      %reduce_sum3A_445 = vector.multi_reduction <add>, %mul3A_443, %reduce_sum3A_444 [1] : vector<8x128xf32> to vector<8xf32>
      %broadcast_in_dim3A_446 = vector.shape_cast %reduce_sum3A_445 : vector<8xf32> to vector<8x1xf32>
      %get3A_447 = arith.constant 10 : index
      %get3A_448 = arith.constant 0 : index
      %get3A_449 = arith.constant 0 : index
      %get3A_450 = vector.load %arg28[%get3A_447, %get3A_448, %get3A_449] : memref<48x8x128xf32, #tpu.memory_space<vmem>>, vector<1x8x128xf32>
      %get3A_451 = vector.shape_cast %get3A_450 : vector<1x8x128xf32> to vector<8x128xf32>
      %mul3A_452 = arith.mulf %convert_element_type3A_356, %get3A_451 : vector<8x128xf32>
      %reduce_sum3A_453 = arith.constant dense<0.000000e+00> : vector<8xf32>
      %reduce_sum3A_454 = vector.multi_reduction <add>, %mul3A_452, %reduce_sum3A_453 [1] : vector<8x128xf32> to vector<8xf32>
      %broadcast_in_dim3A_455 = vector.shape_cast %reduce_sum3A_454 : vector<8xf32> to vector<8x1xf32>
      %get3A_456 = arith.constant 11 : index
      %get3A_457 = arith.constant 0 : index
      %get3A_458 = arith.constant 0 : index
      %get3A_459 = vector.load %arg28[%get3A_456, %get3A_457, %get3A_458] : memref<48x8x128xf32, #tpu.memory_space<vmem>>, vector<1x8x128xf32>
      %get3A_460 = vector.shape_cast %get3A_459 : vector<1x8x128xf32> to vector<8x128xf32>
      %mul3A_461 = arith.mulf %convert_element_type3A_356, %get3A_460 : vector<8x128xf32>
      %reduce_sum3A_462 = arith.constant dense<0.000000e+00> : vector<8xf32>
      %reduce_sum3A_463 = vector.multi_reduction <add>, %mul3A_461, %reduce_sum3A_462 [1] : vector<8x128xf32> to vector<8xf32>
      %broadcast_in_dim3A_464 = vector.shape_cast %reduce_sum3A_463 : vector<8xf32> to vector<8x1xf32>
      %get3A_465 = arith.constant 12 : index
      %get3A_466 = arith.constant 0 : index
      %get3A_467 = arith.constant 0 : index
      %get3A_468 = vector.load %arg28[%get3A_465, %get3A_466, %get3A_467] : memref<48x8x128xf32, #tpu.memory_space<vmem>>, vector<1x8x128xf32>
      %get3A_469 = vector.shape_cast %get3A_468 : vector<1x8x128xf32> to vector<8x128xf32>
      %mul3A_470 = arith.mulf %convert_element_type3A_356, %get3A_469 : vector<8x128xf32>
      %reduce_sum3A_471 = arith.constant dense<0.000000e+00> : vector<8xf32>
      %reduce_sum3A_472 = vector.multi_reduction <add>, %mul3A_470, %reduce_sum3A_471 [1] : vector<8x128xf32> to vector<8xf32>
      %broadcast_in_dim3A_473 = vector.shape_cast %reduce_sum3A_472 : vector<8xf32> to vector<8x1xf32>
      %get3A_474 = arith.constant 13 : index
      %get3A_475 = arith.constant 0 : index
      %get3A_476 = arith.constant 0 : index
      %get3A_477 = vector.load %arg28[%get3A_474, %get3A_475, %get3A_476] : memref<48x8x128xf32, #tpu.memory_space<vmem>>, vector<1x8x128xf32>
      %get3A_478 = vector.shape_cast %get3A_477 : vector<1x8x128xf32> to vector<8x128xf32>
      %mul3A_479 = arith.mulf %convert_element_type3A_356, %get3A_478 : vector<8x128xf32>
      %reduce_sum3A_480 = arith.constant dense<0.000000e+00> : vector<8xf32>
      %reduce_sum3A_481 = vector.multi_reduction <add>, %mul3A_479, %reduce_sum3A_480 [1] : vector<8x128xf32> to vector<8xf32>
      %broadcast_in_dim3A_482 = vector.shape_cast %reduce_sum3A_481 : vector<8xf32> to vector<8x1xf32>
      %get3A_483 = arith.constant 14 : index
      %get3A_484 = arith.constant 0 : index
      %get3A_485 = arith.constant 0 : index
      %get3A_486 = vector.load %arg28[%get3A_483, %get3A_484, %get3A_485] : memref<48x8x128xf32, #tpu.memory_space<vmem>>, vector<1x8x128xf32>
      %get3A_487 = vector.shape_cast %get3A_486 : vector<1x8x128xf32> to vector<8x128xf32>
      %mul3A_488 = arith.mulf %convert_element_type3A_356, %get3A_487 : vector<8x128xf32>
      %reduce_sum3A_489 = arith.constant dense<0.000000e+00> : vector<8xf32>
      %reduce_sum3A_490 = vector.multi_reduction <add>, %mul3A_488, %reduce_sum3A_489 [1] : vector<8x128xf32> to vector<8xf32>
      %broadcast_in_dim3A_491 = vector.shape_cast %reduce_sum3A_490 : vector<8xf32> to vector<8x1xf32>
      %get3A_492 = arith.constant 15 : index
      %get3A_493 = arith.constant 0 : index
      %get3A_494 = arith.constant 0 : index
      %get3A_495 = vector.load %arg28[%get3A_492, %get3A_493, %get3A_494] : memref<48x8x128xf32, #tpu.memory_space<vmem>>, vector<1x8x128xf32>
      %get3A_496 = vector.shape_cast %get3A_495 : vector<1x8x128xf32> to vector<8x128xf32>
      %mul3A_497 = arith.mulf %convert_element_type3A_356, %get3A_496 : vector<8x128xf32>
      %reduce_sum3A_498 = arith.constant dense<0.000000e+00> : vector<8xf32>
      %reduce_sum3A_499 = vector.multi_reduction <add>, %mul3A_497, %reduce_sum3A_498 [1] : vector<8x128xf32> to vector<8xf32>
      %broadcast_in_dim3A_500 = vector.shape_cast %reduce_sum3A_499 : vector<8xf32> to vector<8x1xf32>
      %concatenate3A_501 = tpu.concatenate %broadcast_in_dim3A_365, %broadcast_in_dim3A_374, %broadcast_in_dim3A_383, %broadcast_in_dim3A_392, %broadcast_in_dim3A_401, %broadcast_in_dim3A_410, %broadcast_in_dim3A_419, %broadcast_in_dim3A_428, %broadcast_in_dim3A_437, %broadcast_in_dim3A_446, %broadcast_in_dim3A_455, %broadcast_in_dim3A_464, %broadcast_in_dim3A_473, %broadcast_in_dim3A_482, %broadcast_in_dim3A_491, %broadcast_in_dim3A_500 in 1 : vector<8x1xf32>, vector<8x1xf32>, vector<8x1xf32>, vector<8x1xf32>, vector<8x1xf32>, vector<8x1xf32>, vector<8x1xf32>, vector<8x1xf32>, vector<8x1xf32>, vector<8x1xf32>, vector<8x1xf32>, vector<8x1xf32>, vector<8x1xf32>, vector<8x1xf32>, vector<8x1xf32>, vector<8x1xf32> -> vector<8x16xf32>
      %convert_element_type3A_502 = arith.truncf %div3A_354 : vector<8x128xf32> to vector<8x128xbf16>
      %get3A_503 = arith.constant 0 : index
      %get3A_504 = arith.constant 0 : index
      %get3A_505 = arith.constant 0 : index
      %get3A_506 = vector.load %arg25[%get3A_503, %get3A_504, %get3A_505] : memref<3x128x64xbf16, #tpu.memory_space<vmem>>, vector<1x128x64xbf16>
      %get3A_507 = vector.shape_cast %get3A_506 : vector<1x128x64xbf16> to vector<128x64xbf16>
      %dot_general3A_508 = arith.constant dense<0.000000e+00> : vector<8x64xf32>
      %dot_general3A_509 = tpu.matmul %convert_element_type3A_502, %get3A_507, %dot_general3A_508 {dimension_numbers = #tpu.dot_dimension_numbers<[1], [0], [0], [1], [0, 0, 1, 1], [], []>, transpose_lhs_hint = false} : vector<8x128xbf16>, vector<128x64xbf16>, vector<8x64xf32> -> vector<8x64xf32>
      %concatenate3A_510 = tpu.concatenate %concatenate3A_501, %dot_general3A_509 in 1 : vector<8x16xf32>, vector<8x64xf32> -> vector<8x80xf32>
      %reduce_max3A = arith.constant dense<0xFF800000> : vector<8xf32>
      %reduce_max3A_511 = vector.multi_reduction <maximumf>, %concatenate3A_510, %reduce_max3A [1] : vector<8x80xf32> to vector<8xf32>
      %broadcast_in_dim3A_512 = vector.shape_cast %reduce_max3A_511 : vector<8xf32> to vector<8x1xf32>
      %eq3A = vector.broadcast %broadcast_in_dim3A_512 : vector<8x1xf32> to vector<8x80xf32>
      %eq3A_513 = arith.cmpf oeq, %concatenate3A_510, %eq3A : vector<8x80xf32>
      %jit3A = arith.constant 80 : i32
      %broadcast_in_dim3A_514 = vector.broadcast %jit3A : i32 to vector<8x80xi32>
      %select_n3A = arith.select %eq3A_513, %iota3A, %broadcast_in_dim3A_514 : vector<8x80xi1>, vector<8x80xi32>
      %reduce_min3A = arith.constant dense<2147483647> : vector<8xi32>
      %reduce_min3A_515 = vector.multi_reduction <minsi>, %select_n3A, %reduce_min3A [1] : vector<8x80xi32> to vector<8xi32>
      %broadcast_in_dim3A_516 = vector.shape_cast %reduce_min3A_515 : vector<8xi32> to vector<8x1xi32>
      %eq3A_517 = vector.broadcast %broadcast_in_dim3A_516 : vector<8x1xi32> to vector<8x80xi32>
      %eq3A_518 = arith.cmpi eq, %iota3A, %eq3A_517 : vector<8x80xi32>
      %broadcast_in_dim3A_519 = vector.broadcast %scan3A : f32 to vector<8x80xf32>
      %select_n3A_520 = arith.select %eq3A_518, %broadcast_in_dim3A_519, %concatenate3A_510 : vector<8x80xi1>, vector<8x80xf32>
      %reduce_max3A_521 = arith.constant dense<0xFF800000> : vector<8xf32>
      %reduce_max3A_522 = vector.multi_reduction <maximumf>, %select_n3A_520, %reduce_max3A_521 [1] : vector<8x80xf32> to vector<8xf32>
      %broadcast_in_dim3A_523 = vector.shape_cast %reduce_max3A_522 : vector<8xf32> to vector<8x1xf32>
      %eq3A_524 = vector.broadcast %broadcast_in_dim3A_523 : vector<8x1xf32> to vector<8x80xf32>
      %eq3A_525 = arith.cmpf oeq, %select_n3A_520, %eq3A_524 : vector<8x80xf32>
      %jit3A_526 = arith.constant 80 : i32
      %broadcast_in_dim3A_527 = vector.broadcast %jit3A_526 : i32 to vector<8x80xi32>
      %select_n3A_528 = arith.select %eq3A_525, %iota3A, %broadcast_in_dim3A_527 : vector<8x80xi1>, vector<8x80xi32>
      %reduce_min3A_529 = arith.constant dense<2147483647> : vector<8xi32>
      %reduce_min3A_530 = vector.multi_reduction <minsi>, %select_n3A_528, %reduce_min3A_529 [1] : vector<8x80xi32> to vector<8xi32>
      %broadcast_in_dim3A_531 = vector.shape_cast %reduce_min3A_530 : vector<8xi32> to vector<8x1xi32>
      %eq3A_532 = vector.broadcast %broadcast_in_dim3A_531 : vector<8x1xi32> to vector<8x80xi32>
      %eq3A_533 = arith.cmpi eq, %iota3A, %eq3A_532 : vector<8x80xi32>
      %broadcast_in_dim3A_534 = vector.broadcast %scan3A : f32 to vector<8x80xf32>
      %select_n3A_535 = arith.select %eq3A_533, %broadcast_in_dim3A_534, %select_n3A_520 : vector<8x80xi1>, vector<8x80xf32>
      %reduce_max3A_536 = arith.constant dense<0xFF800000> : vector<8xf32>
      %reduce_max3A_537 = vector.multi_reduction <maximumf>, %select_n3A_535, %reduce_max3A_536 [1] : vector<8x80xf32> to vector<8xf32>
      %broadcast_in_dim3A_538 = vector.shape_cast %reduce_max3A_537 : vector<8xf32> to vector<8x1xf32>
      %eq3A_539 = vector.broadcast %broadcast_in_dim3A_538 : vector<8x1xf32> to vector<8x80xf32>
      %eq3A_540 = arith.cmpf oeq, %select_n3A_535, %eq3A_539 : vector<8x80xf32>
      %jit3A_541 = arith.constant 80 : i32
      %broadcast_in_dim3A_542 = vector.broadcast %jit3A_541 : i32 to vector<8x80xi32>
      %select_n3A_543 = arith.select %eq3A_540, %iota3A, %broadcast_in_dim3A_542 : vector<8x80xi1>, vector<8x80xi32>
      %reduce_min3A_544 = arith.constant dense<2147483647> : vector<8xi32>
      %reduce_min3A_545 = vector.multi_reduction <minsi>, %select_n3A_543, %reduce_min3A_544 [1] : vector<8x80xi32> to vector<8xi32>
      %broadcast_in_dim3A_546 = vector.shape_cast %reduce_min3A_545 : vector<8xi32> to vector<8x1xi32>
      %eq3A_547 = vector.broadcast %broadcast_in_dim3A_546 : vector<8x1xi32> to vector<8x80xi32>
      %eq3A_548 = arith.cmpi eq, %iota3A, %eq3A_547 : vector<8x80xi32>
      %broadcast_in_dim3A_549 = vector.broadcast %scan3A : f32 to vector<8x80xf32>
      %select_n3A_550 = arith.select %eq3A_548, %broadcast_in_dim3A_549, %select_n3A_535 : vector<8x80xi1>, vector<8x80xf32>
      %reduce_max3A_551 = arith.constant dense<0xFF800000> : vector<8xf32>
      %reduce_max3A_552 = vector.multi_reduction <maximumf>, %select_n3A_550, %reduce_max3A_551 [1] : vector<8x80xf32> to vector<8xf32>
      %broadcast_in_dim3A_553 = vector.shape_cast %reduce_max3A_552 : vector<8xf32> to vector<8x1xf32>
      %eq3A_554 = vector.broadcast %broadcast_in_dim3A_553 : vector<8x1xf32> to vector<8x80xf32>
      %eq3A_555 = arith.cmpf oeq, %select_n3A_550, %eq3A_554 : vector<8x80xf32>
      %jit3A_556 = arith.constant 80 : i32
      %broadcast_in_dim3A_557 = vector.broadcast %jit3A_556 : i32 to vector<8x80xi32>
      %select_n3A_558 = arith.select %eq3A_555, %iota3A, %broadcast_in_dim3A_557 : vector<8x80xi1>, vector<8x80xi32>
      %reduce_min3A_559 = arith.constant dense<2147483647> : vector<8xi32>
      %reduce_min3A_560 = vector.multi_reduction <minsi>, %select_n3A_558, %reduce_min3A_559 [1] : vector<8x80xi32> to vector<8xi32>
      %broadcast_in_dim3A_561 = vector.shape_cast %reduce_min3A_560 : vector<8xi32> to vector<8x1xi32>
      %eq3A_562 = vector.broadcast %broadcast_in_dim3A_561 : vector<8x1xi32> to vector<8x80xi32>
      %eq3A_563 = arith.cmpi eq, %iota3A, %eq3A_562 : vector<8x80xi32>
      %sub3A = arith.subf %broadcast_in_dim3A_512, %broadcast_in_dim3A_512 : vector<8x1xf32>
      %exp3A = math.exp %sub3A : vector<8x1xf32>
      %sub3A_564 = arith.subf %broadcast_in_dim3A_523, %broadcast_in_dim3A_512 : vector<8x1xf32>
      %exp3A_565 = math.exp %sub3A_564 : vector<8x1xf32>
      %sub3A_566 = arith.subf %broadcast_in_dim3A_538, %broadcast_in_dim3A_512 : vector<8x1xf32>
      %exp3A_567 = math.exp %sub3A_566 : vector<8x1xf32>
      %sub3A_568 = arith.subf %broadcast_in_dim3A_553, %broadcast_in_dim3A_512 : vector<8x1xf32>
      %exp3A_569 = math.exp %sub3A_568 : vector<8x1xf32>
      %add3A_570 = arith.addf %exp3A, %exp3A_565 : vector<8x1xf32>
      %add3A_571 = arith.addf %add3A_570, %exp3A_567 : vector<8x1xf32>
      %add3A_572 = arith.addf %add3A_571, %exp3A_569 : vector<8x1xf32>
      %broadcast_in_dim3A_573 = arith.constant 0.000000e+00 : f32
      %broadcast_in_dim3A_574 = vector.broadcast %broadcast_in_dim3A_573 : f32 to vector<8x80xf32>
      %div3A_575 = arith.divf %exp3A, %add3A_572 : vector<8x1xf32>
      %jit3A_576 = arith.constant 0.000000e+00 : f32
      %broadcast_in_dim3A_577 = vector.shape_cast %div3A_575 : vector<8x1xf32> to vector<8x1xf32>
      %broadcast_in_dim3A_578 = vector.broadcast %broadcast_in_dim3A_577 : vector<8x1xf32> to vector<8x80xf32>
      %broadcast_in_dim3A_579 = vector.broadcast %jit3A_576 : f32 to vector<8x80xf32>
      %select_n3A_580 = arith.select %eq3A_518, %broadcast_in_dim3A_578, %broadcast_in_dim3A_579 : vector<8x80xi1>, vector<8x80xf32>
      %add3A_581 = arith.addf %broadcast_in_dim3A_574, %select_n3A_580 : vector<8x80xf32>
      %div3A_582 = arith.divf %exp3A_565, %add3A_572 : vector<8x1xf32>
      %jit3A_583 = arith.constant 0.000000e+00 : f32
      %broadcast_in_dim3A_584 = vector.shape_cast %div3A_582 : vector<8x1xf32> to vector<8x1xf32>
      %broadcast_in_dim3A_585 = vector.broadcast %broadcast_in_dim3A_584 : vector<8x1xf32> to vector<8x80xf32>
      %broadcast_in_dim3A_586 = vector.broadcast %jit3A_583 : f32 to vector<8x80xf32>
      %select_n3A_587 = arith.select %eq3A_533, %broadcast_in_dim3A_585, %broadcast_in_dim3A_586 : vector<8x80xi1>, vector<8x80xf32>
      %add3A_588 = arith.addf %add3A_581, %select_n3A_587 : vector<8x80xf32>
      %div3A_589 = arith.divf %exp3A_567, %add3A_572 : vector<8x1xf32>
      %jit3A_590 = arith.constant 0.000000e+00 : f32
      %broadcast_in_dim3A_591 = vector.shape_cast %div3A_589 : vector<8x1xf32> to vector<8x1xf32>
      %broadcast_in_dim3A_592 = vector.broadcast %broadcast_in_dim3A_591 : vector<8x1xf32> to vector<8x80xf32>
      %broadcast_in_dim3A_593 = vector.broadcast %jit3A_590 : f32 to vector<8x80xf32>
      %select_n3A_594 = arith.select %eq3A_548, %broadcast_in_dim3A_592, %broadcast_in_dim3A_593 : vector<8x80xi1>, vector<8x80xf32>
      %add3A_595 = arith.addf %add3A_588, %select_n3A_594 : vector<8x80xf32>
      %div3A_596 = arith.divf %exp3A_569, %add3A_572 : vector<8x1xf32>
      %jit3A_597 = arith.constant 0.000000e+00 : f32
      %broadcast_in_dim3A_598 = vector.shape_cast %div3A_596 : vector<8x1xf32> to vector<8x1xf32>
      %broadcast_in_dim3A_599 = vector.broadcast %broadcast_in_dim3A_598 : vector<8x1xf32> to vector<8x80xf32>
      %broadcast_in_dim3A_600 = vector.broadcast %jit3A_597 : f32 to vector<8x80xf32>
      %select_n3A_601 = arith.select %eq3A_563, %broadcast_in_dim3A_599, %broadcast_in_dim3A_600 : vector<8x80xi1>, vector<8x80xf32>
      %add3A_602 = arith.addf %add3A_595, %select_n3A_601 : vector<8x80xf32>
      %slice3A = vector.extract_strided_slice %add3A_602 {offsets = [0, 16], sizes = [8, 64], strides = [1, 1]} : vector<8x80xf32> to vector<8x64xf32>
      %get3A_603 = arith.constant 0 : index
      %get3A_604 = arith.constant 0 : index
      %get3A_605 = arith.constant 0 : index
      %get3A_606 = vector.load %arg20[%get3A_603, %get3A_604, %get3A_605] : memref<3x64x128xf32, #tpu.memory_space<vmem>>, vector<1x64x128xf32>
      %get3A_607 = vector.shape_cast %get3A_606 : vector<1x64x128xf32> to vector<64x128xf32>
      %dot_general3A_608 = arith.constant dense<0.000000e+00> : vector<8x128xf32>
      %dot_general3A_609 = tpu.matmul %slice3A, %get3A_607, %dot_general3A_608 {dimension_numbers = #tpu.dot_dimension_numbers<[1], [0], [0], [1], [0, 0, 1, 1], [], []>, precision = #tpu.contract_precision<fp32>, transpose_lhs_hint = false} : vector<8x64xf32>, vector<64x128xf32>, vector<8x128xf32> -> vector<8x128xf32>
      %slice3A_610 = vector.extract_strided_slice %add3A_602 {offsets = [0, 0], sizes = [8, 1], strides = [1, 1]} : vector<8x80xf32> to vector<8x1xf32>
      %get3A_611 = arith.constant 0 : index
      %get3A_612 = arith.constant 0 : index
      %get3A_613 = arith.constant 0 : index
      %get3A_614 = vector.load %arg27[%get3A_611, %get3A_612, %get3A_613] : memref<48x8x128xf32, #tpu.memory_space<vmem>>, vector<1x8x128xf32>
      %get3A_615 = vector.shape_cast %get3A_614 : vector<1x8x128xf32> to vector<8x128xf32>
      %mul3A_616 = vector.broadcast %slice3A_610 : vector<8x1xf32> to vector<8x128xf32>
      %mul3A_617 = arith.mulf %mul3A_616, %get3A_615 : vector<8x128xf32>
      %add3A_618 = arith.addf %dot_general3A_609, %mul3A_617 : vector<8x128xf32>
      %slice3A_619 = vector.extract_strided_slice %add3A_602 {offsets = [0, 1], sizes = [8, 1], strides = [1, 1]} : vector<8x80xf32> to vector<8x1xf32>
      %get3A_620 = arith.constant 1 : index
      %get3A_621 = arith.constant 0 : index
      %get3A_622 = arith.constant 0 : index
      %get3A_623 = vector.load %arg27[%get3A_620, %get3A_621, %get3A_622] : memref<48x8x128xf32, #tpu.memory_space<vmem>>, vector<1x8x128xf32>
      %get3A_624 = vector.shape_cast %get3A_623 : vector<1x8x128xf32> to vector<8x128xf32>
      %mul3A_625 = vector.broadcast %slice3A_619 : vector<8x1xf32> to vector<8x128xf32>
      %mul3A_626 = arith.mulf %mul3A_625, %get3A_624 : vector<8x128xf32>
      %add3A_627 = arith.addf %add3A_618, %mul3A_626 : vector<8x128xf32>
      %slice3A_628 = vector.extract_strided_slice %add3A_602 {offsets = [0, 2], sizes = [8, 1], strides = [1, 1]} : vector<8x80xf32> to vector<8x1xf32>
      %get3A_629 = arith.constant 2 : index
      %get3A_630 = arith.constant 0 : index
      %get3A_631 = arith.constant 0 : index
      %get3A_632 = vector.load %arg27[%get3A_629, %get3A_630, %get3A_631] : memref<48x8x128xf32, #tpu.memory_space<vmem>>, vector<1x8x128xf32>
      %get3A_633 = vector.shape_cast %get3A_632 : vector<1x8x128xf32> to vector<8x128xf32>
      %mul3A_634 = vector.broadcast %slice3A_628 : vector<8x1xf32> to vector<8x128xf32>
      %mul3A_635 = arith.mulf %mul3A_634, %get3A_633 : vector<8x128xf32>
      %add3A_636 = arith.addf %add3A_627, %mul3A_635 : vector<8x128xf32>
      %slice3A_637 = vector.extract_strided_slice %add3A_602 {offsets = [0, 3], sizes = [8, 1], strides = [1, 1]} : vector<8x80xf32> to vector<8x1xf32>
      %get3A_638 = arith.constant 3 : index
      %get3A_639 = arith.constant 0 : index
      %get3A_640 = arith.constant 0 : index
      %get3A_641 = vector.load %arg27[%get3A_638, %get3A_639, %get3A_640] : memref<48x8x128xf32, #tpu.memory_space<vmem>>, vector<1x8x128xf32>
      %get3A_642 = vector.shape_cast %get3A_641 : vector<1x8x128xf32> to vector<8x128xf32>
      %mul3A_643 = vector.broadcast %slice3A_637 : vector<8x1xf32> to vector<8x128xf32>
      %mul3A_644 = arith.mulf %mul3A_643, %get3A_642 : vector<8x128xf32>
      %add3A_645 = arith.addf %add3A_636, %mul3A_644 : vector<8x128xf32>
      %slice3A_646 = vector.extract_strided_slice %add3A_602 {offsets = [0, 4], sizes = [8, 1], strides = [1, 1]} : vector<8x80xf32> to vector<8x1xf32>
      %get3A_647 = arith.constant 4 : index
      %get3A_648 = arith.constant 0 : index
      %get3A_649 = arith.constant 0 : index
      %get3A_650 = vector.load %arg27[%get3A_647, %get3A_648, %get3A_649] : memref<48x8x128xf32, #tpu.memory_space<vmem>>, vector<1x8x128xf32>
      %get3A_651 = vector.shape_cast %get3A_650 : vector<1x8x128xf32> to vector<8x128xf32>
      %mul3A_652 = vector.broadcast %slice3A_646 : vector<8x1xf32> to vector<8x128xf32>
      %mul3A_653 = arith.mulf %mul3A_652, %get3A_651 : vector<8x128xf32>
      %add3A_654 = arith.addf %add3A_645, %mul3A_653 : vector<8x128xf32>
      %slice3A_655 = vector.extract_strided_slice %add3A_602 {offsets = [0, 5], sizes = [8, 1], strides = [1, 1]} : vector<8x80xf32> to vector<8x1xf32>
      %get3A_656 = arith.constant 5 : index
      %get3A_657 = arith.constant 0 : index
      %get3A_658 = arith.constant 0 : index
      %get3A_659 = vector.load %arg27[%get3A_656, %get3A_657, %get3A_658] : memref<48x8x128xf32, #tpu.memory_space<vmem>>, vector<1x8x128xf32>
      %get3A_660 = vector.shape_cast %get3A_659 : vector<1x8x128xf32> to vector<8x128xf32>
      %mul3A_661 = vector.broadcast %slice3A_655 : vector<8x1xf32> to vector<8x128xf32>
      %mul3A_662 = arith.mulf %mul3A_661, %get3A_660 : vector<8x128xf32>
      %add3A_663 = arith.addf %add3A_654, %mul3A_662 : vector<8x128xf32>
      %slice3A_664 = vector.extract_strided_slice %add3A_602 {offsets = [0, 6], sizes = [8, 1], strides = [1, 1]} : vector<8x80xf32> to vector<8x1xf32>
      %get3A_665 = arith.constant 6 : index
      %get3A_666 = arith.constant 0 : index
      %get3A_667 = arith.constant 0 : index
      %get3A_668 = vector.load %arg27[%get3A_665, %get3A_666, %get3A_667] : memref<48x8x128xf32, #tpu.memory_space<vmem>>, vector<1x8x128xf32>
      %get3A_669 = vector.shape_cast %get3A_668 : vector<1x8x128xf32> to vector<8x128xf32>
      %mul3A_670 = vector.broadcast %slice3A_664 : vector<8x1xf32> to vector<8x128xf32>
      %mul3A_671 = arith.mulf %mul3A_670, %get3A_669 : vector<8x128xf32>
      %add3A_672 = arith.addf %add3A_663, %mul3A_671 : vector<8x128xf32>
      %slice3A_673 = vector.extract_strided_slice %add3A_602 {offsets = [0, 7], sizes = [8, 1], strides = [1, 1]} : vector<8x80xf32> to vector<8x1xf32>
      %get3A_674 = arith.constant 7 : index
      %get3A_675 = arith.constant 0 : index
      %get3A_676 = arith.constant 0 : index
      %get3A_677 = vector.load %arg27[%get3A_674, %get3A_675, %get3A_676] : memref<48x8x128xf32, #tpu.memory_space<vmem>>, vector<1x8x128xf32>
      %get3A_678 = vector.shape_cast %get3A_677 : vector<1x8x128xf32> to vector<8x128xf32>
      %mul3A_679 = vector.broadcast %slice3A_673 : vector<8x1xf32> to vector<8x128xf32>
      %mul3A_680 = arith.mulf %mul3A_679, %get3A_678 : vector<8x128xf32>
      %add3A_681 = arith.addf %add3A_672, %mul3A_680 : vector<8x128xf32>
      %slice3A_682 = vector.extract_strided_slice %add3A_602 {offsets = [0, 8], sizes = [8, 1], strides = [1, 1]} : vector<8x80xf32> to vector<8x1xf32>
      %get3A_683 = arith.constant 8 : index
      %get3A_684 = arith.constant 0 : index
      %get3A_685 = arith.constant 0 : index
      %get3A_686 = vector.load %arg27[%get3A_683, %get3A_684, %get3A_685] : memref<48x8x128xf32, #tpu.memory_space<vmem>>, vector<1x8x128xf32>
      %get3A_687 = vector.shape_cast %get3A_686 : vector<1x8x128xf32> to vector<8x128xf32>
      %mul3A_688 = vector.broadcast %slice3A_682 : vector<8x1xf32> to vector<8x128xf32>
      %mul3A_689 = arith.mulf %mul3A_688, %get3A_687 : vector<8x128xf32>
      %add3A_690 = arith.addf %add3A_681, %mul3A_689 : vector<8x128xf32>
      %slice3A_691 = vector.extract_strided_slice %add3A_602 {offsets = [0, 9], sizes = [8, 1], strides = [1, 1]} : vector<8x80xf32> to vector<8x1xf32>
      %get3A_692 = arith.constant 9 : index
      %get3A_693 = arith.constant 0 : index
      %get3A_694 = arith.constant 0 : index
      %get3A_695 = vector.load %arg27[%get3A_692, %get3A_693, %get3A_694] : memref<48x8x128xf32, #tpu.memory_space<vmem>>, vector<1x8x128xf32>
      %get3A_696 = vector.shape_cast %get3A_695 : vector<1x8x128xf32> to vector<8x128xf32>
      %mul3A_697 = vector.broadcast %slice3A_691 : vector<8x1xf32> to vector<8x128xf32>
      %mul3A_698 = arith.mulf %mul3A_697, %get3A_696 : vector<8x128xf32>
      %add3A_699 = arith.addf %add3A_690, %mul3A_698 : vector<8x128xf32>
      %slice3A_700 = vector.extract_strided_slice %add3A_602 {offsets = [0, 10], sizes = [8, 1], strides = [1, 1]} : vector<8x80xf32> to vector<8x1xf32>
      %get3A_701 = arith.constant 10 : index
      %get3A_702 = arith.constant 0 : index
      %get3A_703 = arith.constant 0 : index
      %get3A_704 = vector.load %arg27[%get3A_701, %get3A_702, %get3A_703] : memref<48x8x128xf32, #tpu.memory_space<vmem>>, vector<1x8x128xf32>
      %get3A_705 = vector.shape_cast %get3A_704 : vector<1x8x128xf32> to vector<8x128xf32>
      %mul3A_706 = vector.broadcast %slice3A_700 : vector<8x1xf32> to vector<8x128xf32>
      %mul3A_707 = arith.mulf %mul3A_706, %get3A_705 : vector<8x128xf32>
      %add3A_708 = arith.addf %add3A_699, %mul3A_707 : vector<8x128xf32>
      %slice3A_709 = vector.extract_strided_slice %add3A_602 {offsets = [0, 11], sizes = [8, 1], strides = [1, 1]} : vector<8x80xf32> to vector<8x1xf32>
      %get3A_710 = arith.constant 11 : index
      %get3A_711 = arith.constant 0 : index
      %get3A_712 = arith.constant 0 : index
      %get3A_713 = vector.load %arg27[%get3A_710, %get3A_711, %get3A_712] : memref<48x8x128xf32, #tpu.memory_space<vmem>>, vector<1x8x128xf32>
      %get3A_714 = vector.shape_cast %get3A_713 : vector<1x8x128xf32> to vector<8x128xf32>
      %mul3A_715 = vector.broadcast %slice3A_709 : vector<8x1xf32> to vector<8x128xf32>
      %mul3A_716 = arith.mulf %mul3A_715, %get3A_714 : vector<8x128xf32>
      %add3A_717 = arith.addf %add3A_708, %mul3A_716 : vector<8x128xf32>
      %slice3A_718 = vector.extract_strided_slice %add3A_602 {offsets = [0, 12], sizes = [8, 1], strides = [1, 1]} : vector<8x80xf32> to vector<8x1xf32>
      %get3A_719 = arith.constant 12 : index
      %get3A_720 = arith.constant 0 : index
      %get3A_721 = arith.constant 0 : index
      %get3A_722 = vector.load %arg27[%get3A_719, %get3A_720, %get3A_721] : memref<48x8x128xf32, #tpu.memory_space<vmem>>, vector<1x8x128xf32>
      %get3A_723 = vector.shape_cast %get3A_722 : vector<1x8x128xf32> to vector<8x128xf32>
      %mul3A_724 = vector.broadcast %slice3A_718 : vector<8x1xf32> to vector<8x128xf32>
      %mul3A_725 = arith.mulf %mul3A_724, %get3A_723 : vector<8x128xf32>
      %add3A_726 = arith.addf %add3A_717, %mul3A_725 : vector<8x128xf32>
      %slice3A_727 = vector.extract_strided_slice %add3A_602 {offsets = [0, 13], sizes = [8, 1], strides = [1, 1]} : vector<8x80xf32> to vector<8x1xf32>
      %get3A_728 = arith.constant 13 : index
      %get3A_729 = arith.constant 0 : index
      %get3A_730 = arith.constant 0 : index
      %get3A_731 = vector.load %arg27[%get3A_728, %get3A_729, %get3A_730] : memref<48x8x128xf32, #tpu.memory_space<vmem>>, vector<1x8x128xf32>
      %get3A_732 = vector.shape_cast %get3A_731 : vector<1x8x128xf32> to vector<8x128xf32>
      %mul3A_733 = vector.broadcast %slice3A_727 : vector<8x1xf32> to vector<8x128xf32>
      %mul3A_734 = arith.mulf %mul3A_733, %get3A_732 : vector<8x128xf32>
      %add3A_735 = arith.addf %add3A_726, %mul3A_734 : vector<8x128xf32>
      %slice3A_736 = vector.extract_strided_slice %add3A_602 {offsets = [0, 14], sizes = [8, 1], strides = [1, 1]} : vector<8x80xf32> to vector<8x1xf32>
      %get3A_737 = arith.constant 14 : index
      %get3A_738 = arith.constant 0 : index
      %get3A_739 = arith.constant 0 : index
      %get3A_740 = vector.load %arg27[%get3A_737, %get3A_738, %get3A_739] : memref<48x8x128xf32, #tpu.memory_space<vmem>>, vector<1x8x128xf32>
      %get3A_741 = vector.shape_cast %get3A_740 : vector<1x8x128xf32> to vector<8x128xf32>
      %mul3A_742 = vector.broadcast %slice3A_736 : vector<8x1xf32> to vector<8x128xf32>
      %mul3A_743 = arith.mulf %mul3A_742, %get3A_741 : vector<8x128xf32>
      %add3A_744 = arith.addf %add3A_735, %mul3A_743 : vector<8x128xf32>
      %slice3A_745 = vector.extract_strided_slice %add3A_602 {offsets = [0, 15], sizes = [8, 1], strides = [1, 1]} : vector<8x80xf32> to vector<8x1xf32>
      %get3A_746 = arith.constant 15 : index
      %get3A_747 = arith.constant 0 : index
      %get3A_748 = arith.constant 0 : index
      %get3A_749 = vector.load %arg27[%get3A_746, %get3A_747, %get3A_748] : memref<48x8x128xf32, #tpu.memory_space<vmem>>, vector<1x8x128xf32>
      %get3A_750 = vector.shape_cast %get3A_749 : vector<1x8x128xf32> to vector<8x128xf32>
      %mul3A_751 = vector.broadcast %slice3A_745 : vector<8x1xf32> to vector<8x128xf32>
      %mul3A_752 = arith.mulf %mul3A_751, %get3A_750 : vector<8x128xf32>
      %add3A_753 = arith.addf %add3A_744, %mul3A_752 : vector<8x128xf32>
      %concatenate3A_754 = tpu.concatenate %squeeze3A, %scan3A_329, %add3A_753 in 1 : vector<8x128xf32>, vector<8x128xf32>, vector<8x128xf32> -> vector<8x384xf32>
      %convert_element_type3A_755 = arith.truncf %concatenate3A_754 : vector<8x384xf32> to vector<8x384xbf16>
      %get3A_756 = arith.constant 0 : index
      %get3A_757 = arith.constant 0 : index
      %get3A_758 = arith.constant 0 : index
      %get3A_759 = vector.load %arg30[%get3A_756, %get3A_757, %get3A_758] : memref<3x384x128xbf16, #tpu.memory_space<vmem>>, vector<1x384x128xbf16>
      %get3A_760 = vector.shape_cast %get3A_759 : vector<1x384x128xbf16> to vector<384x128xbf16>
      %dot_general3A_761 = arith.constant dense<0.000000e+00> : vector<8x128xf32>
      %dot_general3A_762 = tpu.matmul %convert_element_type3A_755, %get3A_760, %dot_general3A_761 {dimension_numbers = #tpu.dot_dimension_numbers<[1], [0], [0], [1], [0, 0, 1, 1], [], []>, transpose_lhs_hint = false} : vector<8x384xbf16>, vector<384x128xbf16>, vector<8x128xf32> -> vector<8x128xf32>
      %get3A_763 = arith.constant 0 : index
      %get3A_764 = arith.constant 0 : index
      %get3A_765 = arith.constant 0 : index
      %get3A_766 = vector.load %arg6[%get3A_763, %get3A_764, %get3A_765] : memref<3x1x128xf32, #tpu.memory_space<vmem>>, vector<1x1x128xf32>
      %get3A_767 = vector.shape_cast %get3A_766 : vector<1x1x128xf32> to vector<1x128xf32>
      %add3A_768 = vector.broadcast %get3A_767 : vector<1x128xf32> to vector<8x128xf32>
      %add3A_769 = arith.addf %dot_general3A_762, %add3A_768 : vector<8x128xf32>
      %logistic3A = arith.negf %add3A_769 : vector<8x128xf32>
      %logistic3A_770 = math.exp %logistic3A : vector<8x128xf32>
      %logistic3A_771 = arith.constant 1.000000e+00 : f32
      %logistic3A_772 = vector.broadcast %logistic3A_771 : f32 to vector<8x128xf32>
      %logistic3A_773 = arith.addf %logistic3A_772, %logistic3A_770 : vector<8x128xf32>
      %logistic3A_774 = arith.divf %logistic3A_772, %logistic3A_773 : vector<8x128xf32>
      %convert_element_type3A_775 = arith.truncf %concatenate3A_754 : vector<8x384xf32> to vector<8x384xbf16>
      %get3A_776 = arith.constant 0 : index
      %get3A_777 = arith.constant 0 : index
      %get3A_778 = arith.constant 0 : index
      %get3A_779 = vector.load %arg31[%get3A_776, %get3A_777, %get3A_778] : memref<3x384x128xbf16, #tpu.memory_space<vmem>>, vector<1x384x128xbf16>
      %get3A_780 = vector.shape_cast %get3A_779 : vector<1x384x128xbf16> to vector<384x128xbf16>
      %dot_general3A_781 = arith.constant dense<0.000000e+00> : vector<8x128xf32>
      %dot_general3A_782 = tpu.matmul %convert_element_type3A_775, %get3A_780, %dot_general3A_781 {dimension_numbers = #tpu.dot_dimension_numbers<[1], [0], [0], [1], [0, 0, 1, 1], [], []>, transpose_lhs_hint = false} : vector<8x384xbf16>, vector<384x128xbf16>, vector<8x128xf32> -> vector<8x128xf32>
      %get3A_783 = arith.constant 0 : index
      %get3A_784 = arith.constant 0 : index
      %get3A_785 = arith.constant 0 : index
      %get3A_786 = vector.load %arg8[%get3A_783, %get3A_784, %get3A_785] : memref<3x1x128xf32, #tpu.memory_space<vmem>>, vector<1x1x128xf32>
      %get3A_787 = vector.shape_cast %get3A_786 : vector<1x1x128xf32> to vector<1x128xf32>
      %add3A_788 = vector.broadcast %get3A_787 : vector<1x128xf32> to vector<8x128xf32>
      %add3A_789 = arith.addf %dot_general3A_782, %add3A_788 : vector<8x128xf32>
      %tanh3A = math.tanh %add3A_789 : vector<8x128xf32>
      %sub3A_790 = arith.constant 1.000000e+00 : f32
      %sub3A_791 = vector.broadcast %sub3A_790 : f32 to vector<8x128xf32>
      %sub3A_792 = arith.subf %sub3A_791, %logistic3A_774 : vector<8x128xf32>
      %mul3A_793 = arith.mulf %sub3A_792, %scan3A_329 : vector<8x128xf32>
      %mul3A_794 = arith.mulf %logistic3A_774, %tanh3A : vector<8x128xf32>
      %add3A_795 = arith.addf %mul3A_793, %mul3A_794 : vector<8x128xf32>
      %concatenate3A_796 = tpu.concatenate %squeeze3A, %add3A_795 in 1 : vector<8x128xf32>, vector<8x128xf32> -> vector<8x256xf32>
      %convert_element_type3A_797 = arith.truncf %concatenate3A_796 : vector<8x256xf32> to vector<8x256xbf16>
      %get3A_798 = arith.constant 0 : index
      %get3A_799 = arith.constant 0 : index
      %get3A_800 = arith.constant 0 : index
      %get3A_801 = vector.load %arg32[%get3A_798, %get3A_799, %get3A_800] : memref<3x256x128xbf16, #tpu.memory_space<vmem>>, vector<1x256x128xbf16>
      %get3A_802 = vector.shape_cast %get3A_801 : vector<1x256x128xbf16> to vector<256x128xbf16>
      %dot_general3A_803 = arith.constant dense<0.000000e+00> : vector<8x128xf32>
      %dot_general3A_804 = tpu.matmul %convert_element_type3A_797, %get3A_802, %dot_general3A_803 {dimension_numbers = #tpu.dot_dimension_numbers<[1], [0], [0], [1], [0, 0, 1, 1], [], []>, transpose_lhs_hint = false} : vector<8x256xbf16>, vector<256x128xbf16>, vector<8x128xf32> -> vector<8x128xf32>
      %get3A_805 = arith.constant 0 : index
      %get3A_806 = arith.constant 0 : index
      %get3A_807 = arith.constant 0 : index
      %get3A_808 = vector.load %arg10[%get3A_805, %get3A_806, %get3A_807] : memref<3x1x128xf32, #tpu.memory_space<vmem>>, vector<1x1x128xf32>
      %get3A_809 = vector.shape_cast %get3A_808 : vector<1x1x128xf32> to vector<1x128xf32>
      %add3A_810 = vector.broadcast %get3A_809 : vector<1x128xf32> to vector<8x128xf32>
      %add3A_811 = arith.addf %dot_general3A_804, %add3A_810 : vector<8x128xf32>
      %add3A_812 = arith.addf %add3A_811, %squeeze3A : vector<8x128xf32>
      %get3A_813 = arith.constant 0 : index
      %get3A_814 = arith.constant 0 : index
      %get3A_815 = arith.constant 0 : index
      %get3A_816 = vector.load %arg11[%get3A_813, %get3A_814, %get3A_815] : memref<3x1x128xf32, #tpu.memory_space<vmem>>, vector<1x1x128xf32>
      %get3A_817 = vector.shape_cast %get3A_816 : vector<1x1x128xf32> to vector<1x128xf32>
      %get3A_818 = arith.constant 0 : index
      %get3A_819 = arith.constant 0 : index
      %get3A_820 = arith.constant 0 : index
      %get3A_821 = vector.load %arg12[%get3A_818, %get3A_819, %get3A_820] : memref<3x1x128xf32, #tpu.memory_space<vmem>>, vector<1x1x128xf32>
      %get3A_822 = vector.shape_cast %get3A_821 : vector<1x1x128xf32> to vector<1x128xf32>
      %reduce_sum3A_823 = arith.constant dense<0.000000e+00> : vector<8xf32>
      %reduce_sum3A_824 = vector.multi_reduction <add>, %add3A_812, %reduce_sum3A_823 [1] : vector<8x128xf32> to vector<8xf32>
      %broadcast_in_dim3A_825 = vector.shape_cast %reduce_sum3A_824 : vector<8xf32> to vector<8x1xf32>
      %div3A_826 = arith.constant 1.280000e+02 : f32
      %div3A_827 = vector.broadcast %div3A_826 : f32 to vector<8x1xf32>
      %div3A_828 = arith.divf %broadcast_in_dim3A_825, %div3A_827 : vector<8x1xf32>
      %sub3A_829 = vector.broadcast %div3A_828 : vector<8x1xf32> to vector<8x128xf32>
      %sub3A_830 = arith.subf %add3A_812, %sub3A_829 : vector<8x128xf32>
      %mul3A_831 = arith.mulf %sub3A_830, %sub3A_830 : vector<8x128xf32>
      %reduce_sum3A_832 = arith.constant dense<0.000000e+00> : vector<8xf32>
      %reduce_sum3A_833 = vector.multi_reduction <add>, %mul3A_831, %reduce_sum3A_832 [1] : vector<8x128xf32> to vector<8xf32>
      %broadcast_in_dim3A_834 = vector.shape_cast %reduce_sum3A_833 : vector<8xf32> to vector<8x1xf32>
      %div3A_835 = arith.constant 1.280000e+02 : f32
      %div3A_836 = vector.broadcast %div3A_835 : f32 to vector<8x1xf32>
      %div3A_837 = arith.divf %broadcast_in_dim3A_834, %div3A_836 : vector<8x1xf32>
      %add3A_838 = arith.constant 9.99999974E-6 : f32
      %add3A_839 = vector.broadcast %add3A_838 : f32 to vector<8x1xf32>
      %add3A_840 = arith.addf %div3A_837, %add3A_839 : vector<8x1xf32>
      %sqrt3A_841 = math.sqrt %add3A_840 : vector<8x1xf32>
      %div3A_842 = vector.broadcast %sqrt3A_841 : vector<8x1xf32> to vector<8x128xf32>
      %div3A_843 = arith.divf %sub3A_830, %div3A_842 : vector<8x128xf32>
      %mul3A_844 = vector.broadcast %get3A_817 : vector<1x128xf32> to vector<8x128xf32>
      %mul3A_845 = arith.mulf %div3A_843, %mul3A_844 : vector<8x128xf32>
      %add3A_846 = vector.broadcast %get3A_822 : vector<1x128xf32> to vector<8x128xf32>
      %add3A_847 = arith.addf %mul3A_845, %add3A_846 : vector<8x128xf32>
      %convert_element_type3A_848 = arith.truncf %add3A_847 : vector<8x128xf32> to vector<8x128xbf16>
      %convert_element_type3A_849 = arith.extf %convert_element_type3A_848 : vector<8x128xbf16> to vector<8x128xf32>
      %get3A_850 = arith.constant 0 : index
      %get3A_851 = arith.constant 0 : index
      %get3A_852 = arith.constant 0 : index
      %get3A_853 = vector.load %arg17[%get3A_850, %get3A_851, %get3A_852] : memref<3x1x128xf32, #tpu.memory_space<vmem>>, vector<1x1x128xf32>
      %get3A_854 = vector.shape_cast %get3A_853 : vector<1x1x128xf32> to vector<1x128xf32>
      %convert_element_type3A_855 = arith.truncf %get3A_854 : vector<1x128xf32> to vector<1x128xbf16>
      %convert_element_type3A_856 = arith.extf %convert_element_type3A_855 : vector<1x128xbf16> to vector<1x128xf32>
      %mul3A_857 = vector.broadcast %convert_element_type3A_856 : vector<1x128xf32> to vector<8x128xf32>
      %mul3A_858 = arith.mulf %convert_element_type3A_849, %mul3A_857 : vector<8x128xf32>
      %reduce_sum3A_859 = arith.constant dense<0.000000e+00> : vector<8xf32>
      %reduce_sum3A_860 = vector.multi_reduction <add>, %mul3A_858, %reduce_sum3A_859 [1] : vector<8x128xf32> to vector<8xf32>
      %broadcast_in_dim3A_861 = vector.shape_cast %reduce_sum3A_860 : vector<8xf32> to vector<8x1xf32>
      %get3A_862 = arith.constant 0 : index
      %get3A_863 = arith.constant 0 : index
      %get3A_864 = arith.constant 0 : index
      %get3A_865 = vector.load %arg18[%get3A_862, %get3A_863, %get3A_864] : memref<3x1x1xf32, #tpu.memory_space<vmem>>, vector<1x1x1xf32>
      %get3A_866 = vector.shape_cast %get3A_865 : vector<1x1x1xf32> to vector<1x1xf32>
      %add3A_867 = vector.broadcast %get3A_866 : vector<1x1xf32> to vector<8x1xf32>
      %add3A_868 = arith.addf %broadcast_in_dim3A_861, %add3A_867 : vector<8x1xf32>
      %logistic3A_869 = arith.negf %add3A_868 : vector<8x1xf32>
      %logistic3A_870 = math.exp %logistic3A_869 : vector<8x1xf32>
      %logistic3A_871 = arith.constant 1.000000e+00 : f32
      %logistic3A_872 = vector.broadcast %logistic3A_871 : f32 to vector<8x1xf32>
      %logistic3A_873 = arith.addf %logistic3A_872, %logistic3A_870 : vector<8x1xf32>
      %logistic3A_874 = arith.divf %logistic3A_872, %logistic3A_873 : vector<8x1xf32>
      %convert_element_type3A_875 = arith.truncf %add3A_847 : vector<8x128xf32> to vector<8x128xbf16>
      %get3A_876 = arith.constant 0 : index
      %get3A_877 = arith.constant 0 : index
      %get3A_878 = arith.constant 0 : index
      %get3A_879 = vector.load %arg33[%get3A_876, %get3A_877, %get3A_878] : memref<3x128x128xbf16, #tpu.memory_space<vmem>>, vector<1x128x128xbf16>
      %get3A_880 = vector.shape_cast %get3A_879 : vector<1x128x128xbf16> to vector<128x128xbf16>
      %dot_general3A_881 = arith.constant dense<0.000000e+00> : vector<8x128xf32>
      %dot_general3A_882 = tpu.matmul %convert_element_type3A_875, %get3A_880, %dot_general3A_881 {dimension_numbers = #tpu.dot_dimension_numbers<[1], [0], [0], [1], [0, 0, 1, 1], [], []>, transpose_lhs_hint = false} : vector<8x128xbf16>, vector<128x128xbf16>, vector<8x128xf32> -> vector<8x128xf32>
      %get3A_883 = arith.constant 0 : index
      %get3A_884 = arith.constant 0 : index
      %get3A_885 = arith.constant 0 : index
      %get3A_886 = vector.load %arg14[%get3A_883, %get3A_884, %get3A_885] : memref<3x1x128xf32, #tpu.memory_space<vmem>>, vector<1x1x128xf32>
      %get3A_887 = vector.shape_cast %get3A_886 : vector<1x1x128xf32> to vector<1x128xf32>
      %add3A_888 = vector.broadcast %get3A_887 : vector<1x128xf32> to vector<8x128xf32>
      %add3A_889 = arith.addf %dot_general3A_882, %add3A_888 : vector<8x128xf32>
      %tanh3A_890 = math.tanh %add3A_889 : vector<8x128xf32>
      %get3A_891 = arith.constant 0 : index
      %get3A_892 = arith.constant 0 : index
      %get3A_893 = arith.constant 0 : index
      %get3A_894 = vector.load %arg34[%get3A_891, %get3A_892, %get3A_893] : memref<3x128x128xbf16, #tpu.memory_space<vmem>>, vector<1x128x128xbf16>
      %get3A_895 = vector.shape_cast %get3A_894 : vector<1x128x128xbf16> to vector<128x128xbf16>
      %dot_general3A_896 = arith.constant dense<0.000000e+00> : vector<8x128xf32>
      %dot_general3A_897 = tpu.matmul %convert_element_type3A_875, %get3A_895, %dot_general3A_896 {dimension_numbers = #tpu.dot_dimension_numbers<[1], [0], [0], [1], [0, 0, 1, 1], [], []>, transpose_lhs_hint = false} : vector<8x128xbf16>, vector<128x128xbf16>, vector<8x128xf32> -> vector<8x128xf32>
      %get3A_898 = arith.constant 0 : index
      %get3A_899 = arith.constant 0 : index
      %get3A_900 = arith.constant 0 : index
      %get3A_901 = vector.load %arg16[%get3A_898, %get3A_899, %get3A_900] : memref<3x1x128xf32, #tpu.memory_space<vmem>>, vector<1x1x128xf32>
      %get3A_902 = vector.shape_cast %get3A_901 : vector<1x1x128xf32> to vector<1x128xf32>
      %add3A_903 = vector.broadcast %get3A_902 : vector<1x128xf32> to vector<8x128xf32>
      %add3A_904 = arith.addf %dot_general3A_897, %add3A_903 : vector<8x128xf32>
      %tanh3A_905 = math.tanh %add3A_904 : vector<8x128xf32>
      %add3A_906 = arith.constant 0 : i32
      %add3A_907 = arith.addi %add3A_906, %rem3A_336 : i32
      %get3A_908 = arith.index_cast %add3A_907 : i32 to index
      %get3A_909 = arith.constant 0 : index
      %get3A_910 = arith.constant 0 : index
      %get3A_911 = vector.load %arg26[%get3A_908, %get3A_909, %get3A_910] : memref<48x8x128xf32, #tpu.memory_space<vmem>>, vector<1x8x128xf32>
      %squeeze3A_912 = vector.shape_cast %get3A_911 : vector<1x8x128xf32> to vector<8x128xf32>
      %get3A_913 = arith.index_cast %add3A_907 : i32 to index
      %get3A_914 = arith.constant 0 : index
      %get3A_915 = arith.constant 0 : index
      %get3A_916 = vector.load %arg27[%get3A_913, %get3A_914, %get3A_915] : memref<48x8x128xf32, #tpu.memory_space<vmem>>, vector<1x8x128xf32>
      %squeeze3A_917 = vector.shape_cast %get3A_916 : vector<1x8x128xf32> to vector<8x128xf32>
      %sub3A_918 = arith.constant 1.000000e+00 : f32
      %sub3A_919 = vector.broadcast %sub3A_918 : f32 to vector<8x1xf32>
      %sub3A_920 = arith.subf %sub3A_919, %logistic3A_874 : vector<8x1xf32>
      %mul3A_921 = vector.broadcast %sub3A_920 : vector<8x1xf32> to vector<8x128xf32>
      %mul3A_922 = arith.mulf %squeeze3A_912, %mul3A_921 : vector<8x128xf32>
      %mul3A_923 = vector.broadcast %logistic3A_874 : vector<8x1xf32> to vector<8x128xf32>
      %mul3A_924 = arith.mulf %tanh3A_890, %mul3A_923 : vector<8x128xf32>
      %add3A_925 = arith.addf %mul3A_922, %mul3A_924 : vector<8x128xf32>
      %broadcast_in_dim3A_926 = vector.shape_cast %add3A_925 : vector<8x128xf32> to vector<1x8x128xf32>
      %swap3A_927 = arith.index_cast %add3A_907 : i32 to index
      %swap3A_928 = arith.constant 0 : index
      %swap3A_929 = arith.constant 0 : index
      %swap3A_930 = vector.load %arg26[%swap3A_927, %swap3A_928, %swap3A_929] : memref<48x8x128xf32, #tpu.memory_space<vmem>>, vector<1x8x128xf32>
      tpu.vector_store %arg26[%swap3A_927, %swap3A_928, %swap3A_929], %broadcast_in_dim3A_926 {strides = array<i32>} : memref<48x8x128xf32, #tpu.memory_space<vmem>>, vector<1x8x128xf32>,
      %sub3A_931 = arith.constant 1.000000e+00 : f32
      %sub3A_932 = vector.broadcast %sub3A_931 : f32 to vector<8x1xf32>
      %sub3A_933 = arith.subf %sub3A_932, %logistic3A_874 : vector<8x1xf32>
      %mul3A_934 = vector.broadcast %sub3A_933 : vector<8x1xf32> to vector<8x128xf32>
      %mul3A_935 = arith.mulf %squeeze3A_917, %mul3A_934 : vector<8x128xf32>
      %mul3A_936 = vector.broadcast %logistic3A_874 : vector<8x1xf32> to vector<8x128xf32>
      %mul3A_937 = arith.mulf %tanh3A_905, %mul3A_936 : vector<8x128xf32>
      %add3A_938 = arith.addf %mul3A_935, %mul3A_937 : vector<8x128xf32>
      %broadcast_in_dim3A_939 = vector.shape_cast %add3A_938 : vector<8x128xf32> to vector<1x8x128xf32>
      %swap3A_940 = arith.index_cast %add3A_907 : i32 to index
      %swap3A_941 = arith.constant 0 : index
      %swap3A_942 = arith.constant 0 : index
      %swap3A_943 = vector.load %arg27[%swap3A_940, %swap3A_941, %swap3A_942] : memref<48x8x128xf32, #tpu.memory_space<vmem>>, vector<1x8x128xf32>
      tpu.vector_store %arg27[%swap3A_940, %swap3A_941, %swap3A_942], %broadcast_in_dim3A_939 {strides = array<i32>} : memref<48x8x128xf32, #tpu.memory_space<vmem>>, vector<1x8x128xf32>,
      %mul3A_944 = arith.mulf %add3A_925, %add3A_925 : vector<8x128xf32>
      %reduce_sum3A_945 = arith.constant dense<0.000000e+00> : vector<8xf32>
      %reduce_sum3A_946 = vector.multi_reduction <add>, %mul3A_944, %reduce_sum3A_945 [1] : vector<8x128xf32> to vector<8xf32>
      %broadcast_in_dim3A_947 = vector.shape_cast %reduce_sum3A_946 : vector<8xf32> to vector<8x1xf32>
      %sqrt3A_948 = math.sqrt %broadcast_in_dim3A_947 : vector<8x1xf32>
      %max3A_949 = arith.constant 9.99999997E-7 : f32
      %max3A_950 = vector.broadcast %max3A_949 : f32 to vector<8x1xf32>
      %max3A_951 = arith.maximumf %sqrt3A_948, %max3A_950 : vector<8x1xf32>
      %div3A_952 = vector.broadcast %max3A_951 : vector<8x1xf32> to vector<8x128xf32>
      %div3A_953 = arith.divf %add3A_925, %div3A_952 : vector<8x128xf32>
      %convert_element_type3A_954 = arith.truncf %div3A_953 : vector<8x128xf32> to vector<8x128xbf16>
      %convert_element_type3A_955 = arith.extf %convert_element_type3A_954 : vector<8x128xbf16> to vector<8x128xf32>
      %broadcast_in_dim3A_956 = vector.shape_cast %convert_element_type3A_955 : vector<8x128xf32> to vector<1x8x128xf32>
      %swap3A_957 = arith.index_cast %add3A_907 : i32 to index
      %swap3A_958 = arith.constant 0 : index
      %swap3A_959 = arith.constant 0 : index
      %swap3A_960 = vector.load %arg28[%swap3A_957, %swap3A_958, %swap3A_959] : memref<48x8x128xf32, #tpu.memory_space<vmem>>, vector<1x8x128xf32>
      tpu.vector_store %arg28[%swap3A_957, %swap3A_958, %swap3A_959], %broadcast_in_dim3A_956 {strides = array<i32>} : memref<48x8x128xf32, #tpu.memory_space<vmem>>, vector<1x8x128xf32>,
      %concatenate3A_961 = tpu.concatenate %add3A_847, %scan3A_330 in 1 : vector<8x128xf32>, vector<8x128xf32> -> vector<8x256xf32>
      %convert_element_type3A_962 = arith.truncf %concatenate3A_961 : vector<8x256xf32> to vector<8x256xbf16>
      %get3A_963 = arith.constant 1 : index
      %get3A_964 = arith.constant 0 : index
      %get3A_965 = arith.constant 0 : index
      %get3A_966 = vector.load %arg29[%get3A_963, %get3A_964, %get3A_965] : memref<3x256x128xbf16, #tpu.memory_space<vmem>>, vector<1x256x128xbf16>
      %get3A_967 = vector.shape_cast %get3A_966 : vector<1x256x128xbf16> to vector<256x128xbf16>
      %dot_general3A_968 = arith.constant dense<0.000000e+00> : vector<8x128xf32>
      %dot_general3A_969 = tpu.matmul %convert_element_type3A_962, %get3A_967, %dot_general3A_968 {dimension_numbers = #tpu.dot_dimension_numbers<[1], [0], [0], [1], [0, 0, 1, 1], [], []>, transpose_lhs_hint = false} : vector<8x256xbf16>, vector<256x128xbf16>, vector<8x128xf32> -> vector<8x128xf32>
      %mul3A_970 = arith.mulf %dot_general3A_969, %dot_general3A_969 : vector<8x128xf32>
      %reduce_sum3A_971 = arith.constant dense<0.000000e+00> : vector<8xf32>
      %reduce_sum3A_972 = vector.multi_reduction <add>, %mul3A_970, %reduce_sum3A_971 [1] : vector<8x128xf32> to vector<8xf32>
      %broadcast_in_dim3A_973 = vector.shape_cast %reduce_sum3A_972 : vector<8xf32> to vector<8x1xf32>
      %sqrt3A_974 = math.sqrt %broadcast_in_dim3A_973 : vector<8x1xf32>
      %max3A_975 = arith.constant 9.99999997E-7 : f32
      %max3A_976 = vector.broadcast %max3A_975 : f32 to vector<8x1xf32>
      %max3A_977 = arith.maximumf %sqrt3A_974, %max3A_976 : vector<8x1xf32>
      %div3A_978 = vector.broadcast %max3A_977 : vector<8x1xf32> to vector<8x128xf32>
      %div3A_979 = arith.divf %dot_general3A_969, %div3A_978 : vector<8x128xf32>
      %convert_element_type3A_980 = arith.truncf %div3A_979 : vector<8x128xf32> to vector<8x128xbf16>
      %convert_element_type3A_981 = arith.extf %convert_element_type3A_980 : vector<8x128xbf16> to vector<8x128xf32>
      %get3A_982 = arith.constant 16 : index
      %get3A_983 = arith.constant 0 : index
      %get3A_984 = arith.constant 0 : index
      %get3A_985 = vector.load %arg28[%get3A_982, %get3A_983, %get3A_984] : memref<48x8x128xf32, #tpu.memory_space<vmem>>, vector<1x8x128xf32>
      %get3A_986 = vector.shape_cast %get3A_985 : vector<1x8x128xf32> to vector<8x128xf32>
      %mul3A_987 = arith.mulf %convert_element_type3A_981, %get3A_986 : vector<8x128xf32>
      %reduce_sum3A_988 = arith.constant dense<0.000000e+00> : vector<8xf32>
      %reduce_sum3A_989 = vector.multi_reduction <add>, %mul3A_987, %reduce_sum3A_988 [1] : vector<8x128xf32> to vector<8xf32>
      %broadcast_in_dim3A_990 = vector.shape_cast %reduce_sum3A_989 : vector<8xf32> to vector<8x1xf32>
      %get3A_991 = arith.constant 17 : index
      %get3A_992 = arith.constant 0 : index
      %get3A_993 = arith.constant 0 : index
      %get3A_994 = vector.load %arg28[%get3A_991, %get3A_992, %get3A_993] : memref<48x8x128xf32, #tpu.memory_space<vmem>>, vector<1x8x128xf32>
      %get3A_995 = vector.shape_cast %get3A_994 : vector<1x8x128xf32> to vector<8x128xf32>
      %mul3A_996 = arith.mulf %convert_element_type3A_981, %get3A_995 : vector<8x128xf32>
      %reduce_sum3A_997 = arith.constant dense<0.000000e+00> : vector<8xf32>
      %reduce_sum3A_998 = vector.multi_reduction <add>, %mul3A_996, %reduce_sum3A_997 [1] : vector<8x128xf32> to vector<8xf32>
      %broadcast_in_dim3A_999 = vector.shape_cast %reduce_sum3A_998 : vector<8xf32> to vector<8x1xf32>
      %get3A_1000 = arith.constant 18 : index
      %get3A_1001 = arith.constant 0 : index
      %get3A_1002 = arith.constant 0 : index
      %get3A_1003 = vector.load %arg28[%get3A_1000, %get3A_1001, %get3A_1002] : memref<48x8x128xf32, #tpu.memory_space<vmem>>, vector<1x8x128xf32>
      %get3A_1004 = vector.shape_cast %get3A_1003 : vector<1x8x128xf32> to vector<8x128xf32>
      %mul3A_1005 = arith.mulf %convert_element_type3A_981, %get3A_1004 : vector<8x128xf32>
      %reduce_sum3A_1006 = arith.constant dense<0.000000e+00> : vector<8xf32>
      %reduce_sum3A_1007 = vector.multi_reduction <add>, %mul3A_1005, %reduce_sum3A_1006 [1] : vector<8x128xf32> to vector<8xf32>
      %broadcast_in_dim3A_1008 = vector.shape_cast %reduce_sum3A_1007 : vector<8xf32> to vector<8x1xf32>
      %get3A_1009 = arith.constant 19 : index
      %get3A_1010 = arith.constant 0 : index
      %get3A_1011 = arith.constant 0 : index
      %get3A_1012 = vector.load %arg28[%get3A_1009, %get3A_1010, %get3A_1011] : memref<48x8x128xf32, #tpu.memory_space<vmem>>, vector<1x8x128xf32>
      %get3A_1013 = vector.shape_cast %get3A_1012 : vector<1x8x128xf32> to vector<8x128xf32>
      %mul3A_1014 = arith.mulf %convert_element_type3A_981, %get3A_1013 : vector<8x128xf32>
      %reduce_sum3A_1015 = arith.constant dense<0.000000e+00> : vector<8xf32>
      %reduce_sum3A_1016 = vector.multi_reduction <add>, %mul3A_1014, %reduce_sum3A_1015 [1] : vector<8x128xf32> to vector<8xf32>
      %broadcast_in_dim3A_1017 = vector.shape_cast %reduce_sum3A_1016 : vector<8xf32> to vector<8x1xf32>
      %get3A_1018 = arith.constant 20 : index
      %get3A_1019 = arith.constant 0 : index
      %get3A_1020 = arith.constant 0 : index
      %get3A_1021 = vector.load %arg28[%get3A_1018, %get3A_1019, %get3A_1020] : memref<48x8x128xf32, #tpu.memory_space<vmem>>, vector<1x8x128xf32>
      %get3A_1022 = vector.shape_cast %get3A_1021 : vector<1x8x128xf32> to vector<8x128xf32>
      %mul3A_1023 = arith.mulf %convert_element_type3A_981, %get3A_1022 : vector<8x128xf32>
      %reduce_sum3A_1024 = arith.constant dense<0.000000e+00> : vector<8xf32>
      %reduce_sum3A_1025 = vector.multi_reduction <add>, %mul3A_1023, %reduce_sum3A_1024 [1] : vector<8x128xf32> to vector<8xf32>
      %broadcast_in_dim3A_1026 = vector.shape_cast %reduce_sum3A_1025 : vector<8xf32> to vector<8x1xf32>
      %get3A_1027 = arith.constant 21 : index
      %get3A_1028 = arith.constant 0 : index
      %get3A_1029 = arith.constant 0 : index
      %get3A_1030 = vector.load %arg28[%get3A_1027, %get3A_1028, %get3A_1029] : memref<48x8x128xf32, #tpu.memory_space<vmem>>, vector<1x8x128xf32>
      %get3A_1031 = vector.shape_cast %get3A_1030 : vector<1x8x128xf32> to vector<8x128xf32>
      %mul3A_1032 = arith.mulf %convert_element_type3A_981, %get3A_1031 : vector<8x128xf32>
      %reduce_sum3A_1033 = arith.constant dense<0.000000e+00> : vector<8xf32>
      %reduce_sum3A_1034 = vector.multi_reduction <add>, %mul3A_1032, %reduce_sum3A_1033 [1] : vector<8x128xf32> to vector<8xf32>
      %broadcast_in_dim3A_1035 = vector.shape_cast %reduce_sum3A_1034 : vector<8xf32> to vector<8x1xf32>
      %get3A_1036 = arith.constant 22 : index
      %get3A_1037 = arith.constant 0 : index
      %get3A_1038 = arith.constant 0 : index
      %get3A_1039 = vector.load %arg28[%get3A_1036, %get3A_1037, %get3A_1038] : memref<48x8x128xf32, #tpu.memory_space<vmem>>, vector<1x8x128xf32>
      %get3A_1040 = vector.shape_cast %get3A_1039 : vector<1x8x128xf32> to vector<8x128xf32>
      %mul3A_1041 = arith.mulf %convert_element_type3A_981, %get3A_1040 : vector<8x128xf32>
      %reduce_sum3A_1042 = arith.constant dense<0.000000e+00> : vector<8xf32>
      %reduce_sum3A_1043 = vector.multi_reduction <add>, %mul3A_1041, %reduce_sum3A_1042 [1] : vector<8x128xf32> to vector<8xf32>
      %broadcast_in_dim3A_1044 = vector.shape_cast %reduce_sum3A_1043 : vector<8xf32> to vector<8x1xf32>
      %get3A_1045 = arith.constant 23 : index
      %get3A_1046 = arith.constant 0 : index
      %get3A_1047 = arith.constant 0 : index
      %get3A_1048 = vector.load %arg28[%get3A_1045, %get3A_1046, %get3A_1047] : memref<48x8x128xf32, #tpu.memory_space<vmem>>, vector<1x8x128xf32>
      %get3A_1049 = vector.shape_cast %get3A_1048 : vector<1x8x128xf32> to vector<8x128xf32>
      %mul3A_1050 = arith.mulf %convert_element_type3A_981, %get3A_1049 : vector<8x128xf32>
      %reduce_sum3A_1051 = arith.constant dense<0.000000e+00> : vector<8xf32>
      %reduce_sum3A_1052 = vector.multi_reduction <add>, %mul3A_1050, %reduce_sum3A_1051 [1] : vector<8x128xf32> to vector<8xf32>
      %broadcast_in_dim3A_1053 = vector.shape_cast %reduce_sum3A_1052 : vector<8xf32> to vector<8x1xf32>
      %get3A_1054 = arith.constant 24 : index
      %get3A_1055 = arith.constant 0 : index
      %get3A_1056 = arith.constant 0 : index
      %get3A_1057 = vector.load %arg28[%get3A_1054, %get3A_1055, %get3A_1056] : memref<48x8x128xf32, #tpu.memory_space<vmem>>, vector<1x8x128xf32>
      %get3A_1058 = vector.shape_cast %get3A_1057 : vector<1x8x128xf32> to vector<8x128xf32>
      %mul3A_1059 = arith.mulf %convert_element_type3A_981, %get3A_1058 : vector<8x128xf32>
      %reduce_sum3A_1060 = arith.constant dense<0.000000e+00> : vector<8xf32>
      %reduce_sum3A_1061 = vector.multi_reduction <add>, %mul3A_1059, %reduce_sum3A_1060 [1] : vector<8x128xf32> to vector<8xf32>
      %broadcast_in_dim3A_1062 = vector.shape_cast %reduce_sum3A_1061 : vector<8xf32> to vector<8x1xf32>
      %get3A_1063 = arith.constant 25 : index
      %get3A_1064 = arith.constant 0 : index
      %get3A_1065 = arith.constant 0 : index
      %get3A_1066 = vector.load %arg28[%get3A_1063, %get3A_1064, %get3A_1065] : memref<48x8x128xf32, #tpu.memory_space<vmem>>, vector<1x8x128xf32>
      %get3A_1067 = vector.shape_cast %get3A_1066 : vector<1x8x128xf32> to vector<8x128xf32>
      %mul3A_1068 = arith.mulf %convert_element_type3A_981, %get3A_1067 : vector<8x128xf32>
      %reduce_sum3A_1069 = arith.constant dense<0.000000e+00> : vector<8xf32>
      %reduce_sum3A_1070 = vector.multi_reduction <add>, %mul3A_1068, %reduce_sum3A_1069 [1] : vector<8x128xf32> to vector<8xf32>
      %broadcast_in_dim3A_1071 = vector.shape_cast %reduce_sum3A_1070 : vector<8xf32> to vector<8x1xf32>
      %get3A_1072 = arith.constant 26 : index
      %get3A_1073 = arith.constant 0 : index
      %get3A_1074 = arith.constant 0 : index
      %get3A_1075 = vector.load %arg28[%get3A_1072, %get3A_1073, %get3A_1074] : memref<48x8x128xf32, #tpu.memory_space<vmem>>, vector<1x8x128xf32>
      %get3A_1076 = vector.shape_cast %get3A_1075 : vector<1x8x128xf32> to vector<8x128xf32>
      %mul3A_1077 = arith.mulf %convert_element_type3A_981, %get3A_1076 : vector<8x128xf32>
      %reduce_sum3A_1078 = arith.constant dense<0.000000e+00> : vector<8xf32>
      %reduce_sum3A_1079 = vector.multi_reduction <add>, %mul3A_1077, %reduce_sum3A_1078 [1] : vector<8x128xf32> to vector<8xf32>
      %broadcast_in_dim3A_1080 = vector.shape_cast %reduce_sum3A_1079 : vector<8xf32> to vector<8x1xf32>
      %get3A_1081 = arith.constant 27 : index
      %get3A_1082 = arith.constant 0 : index
      %get3A_1083 = arith.constant 0 : index
      %get3A_1084 = vector.load %arg28[%get3A_1081, %get3A_1082, %get3A_1083] : memref<48x8x128xf32, #tpu.memory_space<vmem>>, vector<1x8x128xf32>
      %get3A_1085 = vector.shape_cast %get3A_1084 : vector<1x8x128xf32> to vector<8x128xf32>
      %mul3A_1086 = arith.mulf %convert_element_type3A_981, %get3A_1085 : vector<8x128xf32>
      %reduce_sum3A_1087 = arith.constant dense<0.000000e+00> : vector<8xf32>
      %reduce_sum3A_1088 = vector.multi_reduction <add>, %mul3A_1086, %reduce_sum3A_1087 [1] : vector<8x128xf32> to vector<8xf32>
      %broadcast_in_dim3A_1089 = vector.shape_cast %reduce_sum3A_1088 : vector<8xf32> to vector<8x1xf32>
      %get3A_1090 = arith.constant 28 : index
      %get3A_1091 = arith.constant 0 : index
      %get3A_1092 = arith.constant 0 : index
      %get3A_1093 = vector.load %arg28[%get3A_1090, %get3A_1091, %get3A_1092] : memref<48x8x128xf32, #tpu.memory_space<vmem>>, vector<1x8x128xf32>
      %get3A_1094 = vector.shape_cast %get3A_1093 : vector<1x8x128xf32> to vector<8x128xf32>
      %mul3A_1095 = arith.mulf %convert_element_type3A_981, %get3A_1094 : vector<8x128xf32>
      %reduce_sum3A_1096 = arith.constant dense<0.000000e+00> : vector<8xf32>
      %reduce_sum3A_1097 = vector.multi_reduction <add>, %mul3A_1095, %reduce_sum3A_1096 [1] : vector<8x128xf32> to vector<8xf32>
      %broadcast_in_dim3A_1098 = vector.shape_cast %reduce_sum3A_1097 : vector<8xf32> to vector<8x1xf32>
      %get3A_1099 = arith.constant 29 : index
      %get3A_1100 = arith.constant 0 : index
      %get3A_1101 = arith.constant 0 : index
      %get3A_1102 = vector.load %arg28[%get3A_1099, %get3A_1100, %get3A_1101] : memref<48x8x128xf32, #tpu.memory_space<vmem>>, vector<1x8x128xf32>
      %get3A_1103 = vector.shape_cast %get3A_1102 : vector<1x8x128xf32> to vector<8x128xf32>
      %mul3A_1104 = arith.mulf %convert_element_type3A_981, %get3A_1103 : vector<8x128xf32>
      %reduce_sum3A_1105 = arith.constant dense<0.000000e+00> : vector<8xf32>
      %reduce_sum3A_1106 = vector.multi_reduction <add>, %mul3A_1104, %reduce_sum3A_1105 [1] : vector<8x128xf32> to vector<8xf32>
      %broadcast_in_dim3A_1107 = vector.shape_cast %reduce_sum3A_1106 : vector<8xf32> to vector<8x1xf32>
      %get3A_1108 = arith.constant 30 : index
      %get3A_1109 = arith.constant 0 : index
      %get3A_1110 = arith.constant 0 : index
      %get3A_1111 = vector.load %arg28[%get3A_1108, %get3A_1109, %get3A_1110] : memref<48x8x128xf32, #tpu.memory_space<vmem>>, vector<1x8x128xf32>
      %get3A_1112 = vector.shape_cast %get3A_1111 : vector<1x8x128xf32> to vector<8x128xf32>
      %mul3A_1113 = arith.mulf %convert_element_type3A_981, %get3A_1112 : vector<8x128xf32>
      %reduce_sum3A_1114 = arith.constant dense<0.000000e+00> : vector<8xf32>
      %reduce_sum3A_1115 = vector.multi_reduction <add>, %mul3A_1113, %reduce_sum3A_1114 [1] : vector<8x128xf32> to vector<8xf32>
      %broadcast_in_dim3A_1116 = vector.shape_cast %reduce_sum3A_1115 : vector<8xf32> to vector<8x1xf32>
      %get3A_1117 = arith.constant 31 : index
      %get3A_1118 = arith.constant 0 : index
      %get3A_1119 = arith.constant 0 : index
      %get3A_1120 = vector.load %arg28[%get3A_1117, %get3A_1118, %get3A_1119] : memref<48x8x128xf32, #tpu.memory_space<vmem>>, vector<1x8x128xf32>
      %get3A_1121 = vector.shape_cast %get3A_1120 : vector<1x8x128xf32> to vector<8x128xf32>
      %mul3A_1122 = arith.mulf %convert_element_type3A_981, %get3A_1121 : vector<8x128xf32>
      %reduce_sum3A_1123 = arith.constant dense<0.000000e+00> : vector<8xf32>
      %reduce_sum3A_1124 = vector.multi_reduction <add>, %mul3A_1122, %reduce_sum3A_1123 [1] : vector<8x128xf32> to vector<8xf32>
      %broadcast_in_dim3A_1125 = vector.shape_cast %reduce_sum3A_1124 : vector<8xf32> to vector<8x1xf32>
      %concatenate3A_1126 = tpu.concatenate %broadcast_in_dim3A_990, %broadcast_in_dim3A_999, %broadcast_in_dim3A_1008, %broadcast_in_dim3A_1017, %broadcast_in_dim3A_1026, %broadcast_in_dim3A_1035, %broadcast_in_dim3A_1044, %broadcast_in_dim3A_1053, %broadcast_in_dim3A_1062, %broadcast_in_dim3A_1071, %broadcast_in_dim3A_1080, %broadcast_in_dim3A_1089, %broadcast_in_dim3A_1098, %broadcast_in_dim3A_1107, %broadcast_in_dim3A_1116, %broadcast_in_dim3A_1125 in 1 : vector<8x1xf32>, vector<8x1xf32>, vector<8x1xf32>, vector<8x1xf32>, vector<8x1xf32>, vector<8x1xf32>, vector<8x1xf32>, vector<8x1xf32>, vector<8x1xf32>, vector<8x1xf32>, vector<8x1xf32>, vector<8x1xf32>, vector<8x1xf32>, vector<8x1xf32>, vector<8x1xf32>, vector<8x1xf32> -> vector<8x16xf32>
      %convert_element_type3A_1127 = arith.truncf %div3A_979 : vector<8x128xf32> to vector<8x128xbf16>
      %get3A_1128 = arith.constant 1 : index
      %get3A_1129 = arith.constant 0 : index
      %get3A_1130 = arith.constant 0 : index
      %get3A_1131 = vector.load %arg25[%get3A_1128, %get3A_1129, %get3A_1130] : memref<3x128x64xbf16, #tpu.memory_space<vmem>>, vector<1x128x64xbf16>
      %get3A_1132 = vector.shape_cast %get3A_1131 : vector<1x128x64xbf16> to vector<128x64xbf16>
      %dot_general3A_1133 = arith.constant dense<0.000000e+00> : vector<8x64xf32>
      %dot_general3A_1134 = tpu.matmul %convert_element_type3A_1127, %get3A_1132, %dot_general3A_1133 {dimension_numbers = #tpu.dot_dimension_numbers<[1], [0], [0], [1], [0, 0, 1, 1], [], []>, transpose_lhs_hint = false} : vector<8x128xbf16>, vector<128x64xbf16>, vector<8x64xf32> -> vector<8x64xf32>
      %concatenate3A_1135 = tpu.concatenate %concatenate3A_1126, %dot_general3A_1134 in 1 : vector<8x16xf32>, vector<8x64xf32> -> vector<8x80xf32>
      %reduce_max3A_1136 = arith.constant dense<0xFF800000> : vector<8xf32>
      %reduce_max3A_1137 = vector.multi_reduction <maximumf>, %concatenate3A_1135, %reduce_max3A_1136 [1] : vector<8x80xf32> to vector<8xf32>
      %broadcast_in_dim3A_1138 = vector.shape_cast %reduce_max3A_1137 : vector<8xf32> to vector<8x1xf32>
      %eq3A_1139 = vector.broadcast %broadcast_in_dim3A_1138 : vector<8x1xf32> to vector<8x80xf32>
      %eq3A_1140 = arith.cmpf oeq, %concatenate3A_1135, %eq3A_1139 : vector<8x80xf32>
      %jit3A_1141 = arith.constant 80 : i32
      %broadcast_in_dim3A_1142 = vector.broadcast %jit3A_1141 : i32 to vector<8x80xi32>
      %select_n3A_1143 = arith.select %eq3A_1140, %iota3A, %broadcast_in_dim3A_1142 : vector<8x80xi1>, vector<8x80xi32>
      %reduce_min3A_1144 = arith.constant dense<2147483647> : vector<8xi32>
      %reduce_min3A_1145 = vector.multi_reduction <minsi>, %select_n3A_1143, %reduce_min3A_1144 [1] : vector<8x80xi32> to vector<8xi32>
      %broadcast_in_dim3A_1146 = vector.shape_cast %reduce_min3A_1145 : vector<8xi32> to vector<8x1xi32>
      %eq3A_1147 = vector.broadcast %broadcast_in_dim3A_1146 : vector<8x1xi32> to vector<8x80xi32>
      %eq3A_1148 = arith.cmpi eq, %iota3A, %eq3A_1147 : vector<8x80xi32>
      %broadcast_in_dim3A_1149 = vector.broadcast %scan3A : f32 to vector<8x80xf32>
      %select_n3A_1150 = arith.select %eq3A_1148, %broadcast_in_dim3A_1149, %concatenate3A_1135 : vector<8x80xi1>, vector<8x80xf32>
      %reduce_max3A_1151 = arith.constant dense<0xFF800000> : vector<8xf32>
      %reduce_max3A_1152 = vector.multi_reduction <maximumf>, %select_n3A_1150, %reduce_max3A_1151 [1] : vector<8x80xf32> to vector<8xf32>
      %broadcast_in_dim3A_1153 = vector.shape_cast %reduce_max3A_1152 : vector<8xf32> to vector<8x1xf32>
      %eq3A_1154 = vector.broadcast %broadcast_in_dim3A_1153 : vector<8x1xf32> to vector<8x80xf32>
      %eq3A_1155 = arith.cmpf oeq, %select_n3A_1150, %eq3A_1154 : vector<8x80xf32>
      %jit3A_1156 = arith.constant 80 : i32
      %broadcast_in_dim3A_1157 = vector.broadcast %jit3A_1156 : i32 to vector<8x80xi32>
      %select_n3A_1158 = arith.select %eq3A_1155, %iota3A, %broadcast_in_dim3A_1157 : vector<8x80xi1>, vector<8x80xi32>
      %reduce_min3A_1159 = arith.constant dense<2147483647> : vector<8xi32>
      %reduce_min3A_1160 = vector.multi_reduction <minsi>, %select_n3A_1158, %reduce_min3A_1159 [1] : vector<8x80xi32> to vector<8xi32>
      %broadcast_in_dim3A_1161 = vector.shape_cast %reduce_min3A_1160 : vector<8xi32> to vector<8x1xi32>
      %eq3A_1162 = vector.broadcast %broadcast_in_dim3A_1161 : vector<8x1xi32> to vector<8x80xi32>
      %eq3A_1163 = arith.cmpi eq, %iota3A, %eq3A_1162 : vector<8x80xi32>
      %broadcast_in_dim3A_1164 = vector.broadcast %scan3A : f32 to vector<8x80xf32>
      %select_n3A_1165 = arith.select %eq3A_1163, %broadcast_in_dim3A_1164, %select_n3A_1150 : vector<8x80xi1>, vector<8x80xf32>
      %reduce_max3A_1166 = arith.constant dense<0xFF800000> : vector<8xf32>
      %reduce_max3A_1167 = vector.multi_reduction <maximumf>, %select_n3A_1165, %reduce_max3A_1166 [1] : vector<8x80xf32> to vector<8xf32>
      %broadcast_in_dim3A_1168 = vector.shape_cast %reduce_max3A_1167 : vector<8xf32> to vector<8x1xf32>
      %eq3A_1169 = vector.broadcast %broadcast_in_dim3A_1168 : vector<8x1xf32> to vector<8x80xf32>
      %eq3A_1170 = arith.cmpf oeq, %select_n3A_1165, %eq3A_1169 : vector<8x80xf32>
      %jit3A_1171 = arith.constant 80 : i32
      %broadcast_in_dim3A_1172 = vector.broadcast %jit3A_1171 : i32 to vector<8x80xi32>
      %select_n3A_1173 = arith.select %eq3A_1170, %iota3A, %broadcast_in_dim3A_1172 : vector<8x80xi1>, vector<8x80xi32>
      %reduce_min3A_1174 = arith.constant dense<2147483647> : vector<8xi32>
      %reduce_min3A_1175 = vector.multi_reduction <minsi>, %select_n3A_1173, %reduce_min3A_1174 [1] : vector<8x80xi32> to vector<8xi32>
      %broadcast_in_dim3A_1176 = vector.shape_cast %reduce_min3A_1175 : vector<8xi32> to vector<8x1xi32>
      %eq3A_1177 = vector.broadcast %broadcast_in_dim3A_1176 : vector<8x1xi32> to vector<8x80xi32>
      %eq3A_1178 = arith.cmpi eq, %iota3A, %eq3A_1177 : vector<8x80xi32>
      %broadcast_in_dim3A_1179 = vector.broadcast %scan3A : f32 to vector<8x80xf32>
      %select_n3A_1180 = arith.select %eq3A_1178, %broadcast_in_dim3A_1179, %select_n3A_1165 : vector<8x80xi1>, vector<8x80xf32>
      %reduce_max3A_1181 = arith.constant dense<0xFF800000> : vector<8xf32>
      %reduce_max3A_1182 = vector.multi_reduction <maximumf>, %select_n3A_1180, %reduce_max3A_1181 [1] : vector<8x80xf32> to vector<8xf32>
      %broadcast_in_dim3A_1183 = vector.shape_cast %reduce_max3A_1182 : vector<8xf32> to vector<8x1xf32>
      %eq3A_1184 = vector.broadcast %broadcast_in_dim3A_1183 : vector<8x1xf32> to vector<8x80xf32>
      %eq3A_1185 = arith.cmpf oeq, %select_n3A_1180, %eq3A_1184 : vector<8x80xf32>
      %jit3A_1186 = arith.constant 80 : i32
      %broadcast_in_dim3A_1187 = vector.broadcast %jit3A_1186 : i32 to vector<8x80xi32>
      %select_n3A_1188 = arith.select %eq3A_1185, %iota3A, %broadcast_in_dim3A_1187 : vector<8x80xi1>, vector<8x80xi32>
      %reduce_min3A_1189 = arith.constant dense<2147483647> : vector<8xi32>
      %reduce_min3A_1190 = vector.multi_reduction <minsi>, %select_n3A_1188, %reduce_min3A_1189 [1] : vector<8x80xi32> to vector<8xi32>
      %broadcast_in_dim3A_1191 = vector.shape_cast %reduce_min3A_1190 : vector<8xi32> to vector<8x1xi32>
      %eq3A_1192 = vector.broadcast %broadcast_in_dim3A_1191 : vector<8x1xi32> to vector<8x80xi32>
      %eq3A_1193 = arith.cmpi eq, %iota3A, %eq3A_1192 : vector<8x80xi32>
      %sub3A_1194 = arith.subf %broadcast_in_dim3A_1138, %broadcast_in_dim3A_1138 : vector<8x1xf32>
      %exp3A_1195 = math.exp %sub3A_1194 : vector<8x1xf32>
      %sub3A_1196 = arith.subf %broadcast_in_dim3A_1153, %broadcast_in_dim3A_1138 : vector<8x1xf32>
      %exp3A_1197 = math.exp %sub3A_1196 : vector<8x1xf32>
      %sub3A_1198 = arith.subf %broadcast_in_dim3A_1168, %broadcast_in_dim3A_1138 : vector<8x1xf32>
      %exp3A_1199 = math.exp %sub3A_1198 : vector<8x1xf32>
      %sub3A_1200 = arith.subf %broadcast_in_dim3A_1183, %broadcast_in_dim3A_1138 : vector<8x1xf32>
      %exp3A_1201 = math.exp %sub3A_1200 : vector<8x1xf32>
      %add3A_1202 = arith.addf %exp3A_1195, %exp3A_1197 : vector<8x1xf32>
      %add3A_1203 = arith.addf %add3A_1202, %exp3A_1199 : vector<8x1xf32>
      %add3A_1204 = arith.addf %add3A_1203, %exp3A_1201 : vector<8x1xf32>
      %broadcast_in_dim3A_1205 = arith.constant 0.000000e+00 : f32
      %broadcast_in_dim3A_1206 = vector.broadcast %broadcast_in_dim3A_1205 : f32 to vector<8x80xf32>
      %div3A_1207 = arith.divf %exp3A_1195, %add3A_1204 : vector<8x1xf32>
      %jit3A_1208 = arith.constant 0.000000e+00 : f32
      %broadcast_in_dim3A_1209 = vector.shape_cast %div3A_1207 : vector<8x1xf32> to vector<8x1xf32>
      %broadcast_in_dim3A_1210 = vector.broadcast %broadcast_in_dim3A_1209 : vector<8x1xf32> to vector<8x80xf32>
      %broadcast_in_dim3A_1211 = vector.broadcast %jit3A_1208 : f32 to vector<8x80xf32>
      %select_n3A_1212 = arith.select %eq3A_1148, %broadcast_in_dim3A_1210, %broadcast_in_dim3A_1211 : vector<8x80xi1>, vector<8x80xf32>
      %add3A_1213 = arith.addf %broadcast_in_dim3A_1206, %select_n3A_1212 : vector<8x80xf32>
      %div3A_1214 = arith.divf %exp3A_1197, %add3A_1204 : vector<8x1xf32>
      %jit3A_1215 = arith.constant 0.000000e+00 : f32
      %broadcast_in_dim3A_1216 = vector.shape_cast %div3A_1214 : vector<8x1xf32> to vector<8x1xf32>
      %broadcast_in_dim3A_1217 = vector.broadcast %broadcast_in_dim3A_1216 : vector<8x1xf32> to vector<8x80xf32>
      %broadcast_in_dim3A_1218 = vector.broadcast %jit3A_1215 : f32 to vector<8x80xf32>
      %select_n3A_1219 = arith.select %eq3A_1163, %broadcast_in_dim3A_1217, %broadcast_in_dim3A_1218 : vector<8x80xi1>, vector<8x80xf32>
      %add3A_1220 = arith.addf %add3A_1213, %select_n3A_1219 : vector<8x80xf32>
      %div3A_1221 = arith.divf %exp3A_1199, %add3A_1204 : vector<8x1xf32>
      %jit3A_1222 = arith.constant 0.000000e+00 : f32
      %broadcast_in_dim3A_1223 = vector.shape_cast %div3A_1221 : vector<8x1xf32> to vector<8x1xf32>
      %broadcast_in_dim3A_1224 = vector.broadcast %broadcast_in_dim3A_1223 : vector<8x1xf32> to vector<8x80xf32>
      %broadcast_in_dim3A_1225 = vector.broadcast %jit3A_1222 : f32 to vector<8x80xf32>
      %select_n3A_1226 = arith.select %eq3A_1178, %broadcast_in_dim3A_1224, %broadcast_in_dim3A_1225 : vector<8x80xi1>, vector<8x80xf32>
      %add3A_1227 = arith.addf %add3A_1220, %select_n3A_1226 : vector<8x80xf32>
      %div3A_1228 = arith.divf %exp3A_1201, %add3A_1204 : vector<8x1xf32>
      %jit3A_1229 = arith.constant 0.000000e+00 : f32
      %broadcast_in_dim3A_1230 = vector.shape_cast %div3A_1228 : vector<8x1xf32> to vector<8x1xf32>
      %broadcast_in_dim3A_1231 = vector.broadcast %broadcast_in_dim3A_1230 : vector<8x1xf32> to vector<8x80xf32>
      %broadcast_in_dim3A_1232 = vector.broadcast %jit3A_1229 : f32 to vector<8x80xf32>
      %select_n3A_1233 = arith.select %eq3A_1193, %broadcast_in_dim3A_1231, %broadcast_in_dim3A_1232 : vector<8x80xi1>, vector<8x80xf32>
      %add3A_1234 = arith.addf %add3A_1227, %select_n3A_1233 : vector<8x80xf32>
      %slice3A_1235 = vector.extract_strided_slice %add3A_1234 {offsets = [0, 16], sizes = [8, 64], strides = [1, 1]} : vector<8x80xf32> to vector<8x64xf32>
      %get3A_1236 = arith.constant 1 : index
      %get3A_1237 = arith.constant 0 : index
      %get3A_1238 = arith.constant 0 : index
      %get3A_1239 = vector.load %arg20[%get3A_1236, %get3A_1237, %get3A_1238] : memref<3x64x128xf32, #tpu.memory_space<vmem>>, vector<1x64x128xf32>
      %get3A_1240 = vector.shape_cast %get3A_1239 : vector<1x64x128xf32> to vector<64x128xf32>
      %dot_general3A_1241 = arith.constant dense<0.000000e+00> : vector<8x128xf32>
      %dot_general3A_1242 = tpu.matmul %slice3A_1235, %get3A_1240, %dot_general3A_1241 {dimension_numbers = #tpu.dot_dimension_numbers<[1], [0], [0], [1], [0, 0, 1, 1], [], []>, precision = #tpu.contract_precision<fp32>, transpose_lhs_hint = false} : vector<8x64xf32>, vector<64x128xf32>, vector<8x128xf32> -> vector<8x128xf32>
      %slice3A_1243 = vector.extract_strided_slice %add3A_1234 {offsets = [0, 0], sizes = [8, 1], strides = [1, 1]} : vector<8x80xf32> to vector<8x1xf32>
      %get3A_1244 = arith.constant 16 : index
      %get3A_1245 = arith.constant 0 : index
      %get3A_1246 = arith.constant 0 : index
      %get3A_1247 = vector.load %arg27[%get3A_1244, %get3A_1245, %get3A_1246] : memref<48x8x128xf32, #tpu.memory_space<vmem>>, vector<1x8x128xf32>
      %get3A_1248 = vector.shape_cast %get3A_1247 : vector<1x8x128xf32> to vector<8x128xf32>
      %mul3A_1249 = vector.broadcast %slice3A_1243 : vector<8x1xf32> to vector<8x128xf32>
      %mul3A_1250 = arith.mulf %mul3A_1249, %get3A_1248 : vector<8x128xf32>
      %add3A_1251 = arith.addf %dot_general3A_1242, %mul3A_1250 : vector<8x128xf32>
      %slice3A_1252 = vector.extract_strided_slice %add3A_1234 {offsets = [0, 1], sizes = [8, 1], strides = [1, 1]} : vector<8x80xf32> to vector<8x1xf32>
      %get3A_1253 = arith.constant 17 : index
      %get3A_1254 = arith.constant 0 : index
      %get3A_1255 = arith.constant 0 : index
      %get3A_1256 = vector.load %arg27[%get3A_1253, %get3A_1254, %get3A_1255] : memref<48x8x128xf32, #tpu.memory_space<vmem>>, vector<1x8x128xf32>
      %get3A_1257 = vector.shape_cast %get3A_1256 : vector<1x8x128xf32> to vector<8x128xf32>
      %mul3A_1258 = vector.broadcast %slice3A_1252 : vector<8x1xf32> to vector<8x128xf32>
      %mul3A_1259 = arith.mulf %mul3A_1258, %get3A_1257 : vector<8x128xf32>
      %add3A_1260 = arith.addf %add3A_1251, %mul3A_1259 : vector<8x128xf32>
      %slice3A_1261 = vector.extract_strided_slice %add3A_1234 {offsets = [0, 2], sizes = [8, 1], strides = [1, 1]} : vector<8x80xf32> to vector<8x1xf32>
      %get3A_1262 = arith.constant 18 : index
      %get3A_1263 = arith.constant 0 : index
      %get3A_1264 = arith.constant 0 : index
      %get3A_1265 = vector.load %arg27[%get3A_1262, %get3A_1263, %get3A_1264] : memref<48x8x128xf32, #tpu.memory_space<vmem>>, vector<1x8x128xf32>
      %get3A_1266 = vector.shape_cast %get3A_1265 : vector<1x8x128xf32> to vector<8x128xf32>
      %mul3A_1267 = vector.broadcast %slice3A_1261 : vector<8x1xf32> to vector<8x128xf32>
      %mul3A_1268 = arith.mulf %mul3A_1267, %get3A_1266 : vector<8x128xf32>
      %add3A_1269 = arith.addf %add3A_1260, %mul3A_1268 : vector<8x128xf32>
      %slice3A_1270 = vector.extract_strided_slice %add3A_1234 {offsets = [0, 3], sizes = [8, 1], strides = [1, 1]} : vector<8x80xf32> to vector<8x1xf32>
      %get3A_1271 = arith.constant 19 : index
      %get3A_1272 = arith.constant 0 : index
      %get3A_1273 = arith.constant 0 : index
      %get3A_1274 = vector.load %arg27[%get3A_1271, %get3A_1272, %get3A_1273] : memref<48x8x128xf32, #tpu.memory_space<vmem>>, vector<1x8x128xf32>
      %get3A_1275 = vector.shape_cast %get3A_1274 : vector<1x8x128xf32> to vector<8x128xf32>
      %mul3A_1276 = vector.broadcast %slice3A_1270 : vector<8x1xf32> to vector<8x128xf32>
      %mul3A_1277 = arith.mulf %mul3A_1276, %get3A_1275 : vector<8x128xf32>
      %add3A_1278 = arith.addf %add3A_1269, %mul3A_1277 : vector<8x128xf32>
      %slice3A_1279 = vector.extract_strided_slice %add3A_1234 {offsets = [0, 4], sizes = [8, 1], strides = [1, 1]} : vector<8x80xf32> to vector<8x1xf32>
      %get3A_1280 = arith.constant 20 : index
      %get3A_1281 = arith.constant 0 : index
      %get3A_1282 = arith.constant 0 : index
      %get3A_1283 = vector.load %arg27[%get3A_1280, %get3A_1281, %get3A_1282] : memref<48x8x128xf32, #tpu.memory_space<vmem>>, vector<1x8x128xf32>
      %get3A_1284 = vector.shape_cast %get3A_1283 : vector<1x8x128xf32> to vector<8x128xf32>
      %mul3A_1285 = vector.broadcast %slice3A_1279 : vector<8x1xf32> to vector<8x128xf32>
      %mul3A_1286 = arith.mulf %mul3A_1285, %get3A_1284 : vector<8x128xf32>
      %add3A_1287 = arith.addf %add3A_1278, %mul3A_1286 : vector<8x128xf32>
      %slice3A_1288 = vector.extract_strided_slice %add3A_1234 {offsets = [0, 5], sizes = [8, 1], strides = [1, 1]} : vector<8x80xf32> to vector<8x1xf32>
      %get3A_1289 = arith.constant 21 : index
      %get3A_1290 = arith.constant 0 : index
      %get3A_1291 = arith.constant 0 : index
      %get3A_1292 = vector.load %arg27[%get3A_1289, %get3A_1290, %get3A_1291] : memref<48x8x128xf32, #tpu.memory_space<vmem>>, vector<1x8x128xf32>
      %get3A_1293 = vector.shape_cast %get3A_1292 : vector<1x8x128xf32> to vector<8x128xf32>
      %mul3A_1294 = vector.broadcast %slice3A_1288 : vector<8x1xf32> to vector<8x128xf32>
      %mul3A_1295 = arith.mulf %mul3A_1294, %get3A_1293 : vector<8x128xf32>
      %add3A_1296 = arith.addf %add3A_1287, %mul3A_1295 : vector<8x128xf32>
      %slice3A_1297 = vector.extract_strided_slice %add3A_1234 {offsets = [0, 6], sizes = [8, 1], strides = [1, 1]} : vector<8x80xf32> to vector<8x1xf32>
      %get3A_1298 = arith.constant 22 : index
      %get3A_1299 = arith.constant 0 : index
      %get3A_1300 = arith.constant 0 : index
      %get3A_1301 = vector.load %arg27[%get3A_1298, %get3A_1299, %get3A_1300] : memref<48x8x128xf32, #tpu.memory_space<vmem>>, vector<1x8x128xf32>
      %get3A_1302 = vector.shape_cast %get3A_1301 : vector<1x8x128xf32> to vector<8x128xf32>
      %mul3A_1303 = vector.broadcast %slice3A_1297 : vector<8x1xf32> to vector<8x128xf32>
      %mul3A_1304 = arith.mulf %mul3A_1303, %get3A_1302 : vector<8x128xf32>
      %add3A_1305 = arith.addf %add3A_1296, %mul3A_1304 : vector<8x128xf32>
      %slice3A_1306 = vector.extract_strided_slice %add3A_1234 {offsets = [0, 7], sizes = [8, 1], strides = [1, 1]} : vector<8x80xf32> to vector<8x1xf32>
      %get3A_1307 = arith.constant 23 : index
      %get3A_1308 = arith.constant 0 : index
      %get3A_1309 = arith.constant 0 : index
      %get3A_1310 = vector.load %arg27[%get3A_1307, %get3A_1308, %get3A_1309] : memref<48x8x128xf32, #tpu.memory_space<vmem>>, vector<1x8x128xf32>
      %get3A_1311 = vector.shape_cast %get3A_1310 : vector<1x8x128xf32> to vector<8x128xf32>
      %mul3A_1312 = vector.broadcast %slice3A_1306 : vector<8x1xf32> to vector<8x128xf32>
      %mul3A_1313 = arith.mulf %mul3A_1312, %get3A_1311 : vector<8x128xf32>
      %add3A_1314 = arith.addf %add3A_1305, %mul3A_1313 : vector<8x128xf32>
      %slice3A_1315 = vector.extract_strided_slice %add3A_1234 {offsets = [0, 8], sizes = [8, 1], strides = [1, 1]} : vector<8x80xf32> to vector<8x1xf32>
      %get3A_1316 = arith.constant 24 : index
      %get3A_1317 = arith.constant 0 : index
      %get3A_1318 = arith.constant 0 : index
      %get3A_1319 = vector.load %arg27[%get3A_1316, %get3A_1317, %get3A_1318] : memref<48x8x128xf32, #tpu.memory_space<vmem>>, vector<1x8x128xf32>
      %get3A_1320 = vector.shape_cast %get3A_1319 : vector<1x8x128xf32> to vector<8x128xf32>
      %mul3A_1321 = vector.broadcast %slice3A_1315 : vector<8x1xf32> to vector<8x128xf32>
      %mul3A_1322 = arith.mulf %mul3A_1321, %get3A_1320 : vector<8x128xf32>
      %add3A_1323 = arith.addf %add3A_1314, %mul3A_1322 : vector<8x128xf32>
      %slice3A_1324 = vector.extract_strided_slice %add3A_1234 {offsets = [0, 9], sizes = [8, 1], strides = [1, 1]} : vector<8x80xf32> to vector<8x1xf32>
      %get3A_1325 = arith.constant 25 : index
      %get3A_1326 = arith.constant 0 : index
      %get3A_1327 = arith.constant 0 : index
      %get3A_1328 = vector.load %arg27[%get3A_1325, %get3A_1326, %get3A_1327] : memref<48x8x128xf32, #tpu.memory_space<vmem>>, vector<1x8x128xf32>
      %get3A_1329 = vector.shape_cast %get3A_1328 : vector<1x8x128xf32> to vector<8x128xf32>
      %mul3A_1330 = vector.broadcast %slice3A_1324 : vector<8x1xf32> to vector<8x128xf32>
      %mul3A_1331 = arith.mulf %mul3A_1330, %get3A_1329 : vector<8x128xf32>
      %add3A_1332 = arith.addf %add3A_1323, %mul3A_1331 : vector<8x128xf32>
      %slice3A_1333 = vector.extract_strided_slice %add3A_1234 {offsets = [0, 10], sizes = [8, 1], strides = [1, 1]} : vector<8x80xf32> to vector<8x1xf32>
      %get3A_1334 = arith.constant 26 : index
      %get3A_1335 = arith.constant 0 : index
      %get3A_1336 = arith.constant 0 : index
      %get3A_1337 = vector.load %arg27[%get3A_1334, %get3A_1335, %get3A_1336] : memref<48x8x128xf32, #tpu.memory_space<vmem>>, vector<1x8x128xf32>
      %get3A_1338 = vector.shape_cast %get3A_1337 : vector<1x8x128xf32> to vector<8x128xf32>
      %mul3A_1339 = vector.broadcast %slice3A_1333 : vector<8x1xf32> to vector<8x128xf32>
      %mul3A_1340 = arith.mulf %mul3A_1339, %get3A_1338 : vector<8x128xf32>
      %add3A_1341 = arith.addf %add3A_1332, %mul3A_1340 : vector<8x128xf32>
      %slice3A_1342 = vector.extract_strided_slice %add3A_1234 {offsets = [0, 11], sizes = [8, 1], strides = [1, 1]} : vector<8x80xf32> to vector<8x1xf32>
      %get3A_1343 = arith.constant 27 : index
      %get3A_1344 = arith.constant 0 : index
      %get3A_1345 = arith.constant 0 : index
      %get3A_1346 = vector.load %arg27[%get3A_1343, %get3A_1344, %get3A_1345] : memref<48x8x128xf32, #tpu.memory_space<vmem>>, vector<1x8x128xf32>
      %get3A_1347 = vector.shape_cast %get3A_1346 : vector<1x8x128xf32> to vector<8x128xf32>
      %mul3A_1348 = vector.broadcast %slice3A_1342 : vector<8x1xf32> to vector<8x128xf32>
      %mul3A_1349 = arith.mulf %mul3A_1348, %get3A_1347 : vector<8x128xf32>
      %add3A_1350 = arith.addf %add3A_1341, %mul3A_1349 : vector<8x128xf32>
      %slice3A_1351 = vector.extract_strided_slice %add3A_1234 {offsets = [0, 12], sizes = [8, 1], strides = [1, 1]} : vector<8x80xf32> to vector<8x1xf32>
      %get3A_1352 = arith.constant 28 : index
      %get3A_1353 = arith.constant 0 : index
      %get3A_1354 = arith.constant 0 : index
      %get3A_1355 = vector.load %arg27[%get3A_1352, %get3A_1353, %get3A_1354] : memref<48x8x128xf32, #tpu.memory_space<vmem>>, vector<1x8x128xf32>
      %get3A_1356 = vector.shape_cast %get3A_1355 : vector<1x8x128xf32> to vector<8x128xf32>
      %mul3A_1357 = vector.broadcast %slice3A_1351 : vector<8x1xf32> to vector<8x128xf32>
      %mul3A_1358 = arith.mulf %mul3A_1357, %get3A_1356 : vector<8x128xf32>
      %add3A_1359 = arith.addf %add3A_1350, %mul3A_1358 : vector<8x128xf32>
      %slice3A_1360 = vector.extract_strided_slice %add3A_1234 {offsets = [0, 13], sizes = [8, 1], strides = [1, 1]} : vector<8x80xf32> to vector<8x1xf32>
      %get3A_1361 = arith.constant 29 : index
      %get3A_1362 = arith.constant 0 : index
      %get3A_1363 = arith.constant 0 : index
      %get3A_1364 = vector.load %arg27[%get3A_1361, %get3A_1362, %get3A_1363] : memref<48x8x128xf32, #tpu.memory_space<vmem>>, vector<1x8x128xf32>
      %get3A_1365 = vector.shape_cast %get3A_1364 : vector<1x8x128xf32> to vector<8x128xf32>
      %mul3A_1366 = vector.broadcast %slice3A_1360 : vector<8x1xf32> to vector<8x128xf32>
      %mul3A_1367 = arith.mulf %mul3A_1366, %get3A_1365 : vector<8x128xf32>
      %add3A_1368 = arith.addf %add3A_1359, %mul3A_1367 : vector<8x128xf32>
      %slice3A_1369 = vector.extract_strided_slice %add3A_1234 {offsets = [0, 14], sizes = [8, 1], strides = [1, 1]} : vector<8x80xf32> to vector<8x1xf32>
      %get3A_1370 = arith.constant 30 : index
      %get3A_1371 = arith.constant 0 : index
      %get3A_1372 = arith.constant 0 : index
      %get3A_1373 = vector.load %arg27[%get3A_1370, %get3A_1371, %get3A_1372] : memref<48x8x128xf32, #tpu.memory_space<vmem>>, vector<1x8x128xf32>
      %get3A_1374 = vector.shape_cast %get3A_1373 : vector<1x8x128xf32> to vector<8x128xf32>
      %mul3A_1375 = vector.broadcast %slice3A_1369 : vector<8x1xf32> to vector<8x128xf32>
      %mul3A_1376 = arith.mulf %mul3A_1375, %get3A_1374 : vector<8x128xf32>
      %add3A_1377 = arith.addf %add3A_1368, %mul3A_1376 : vector<8x128xf32>
      %slice3A_1378 = vector.extract_strided_slice %add3A_1234 {offsets = [0, 15], sizes = [8, 1], strides = [1, 1]} : vector<8x80xf32> to vector<8x1xf32>
      %get3A_1379 = arith.constant 31 : index
      %get3A_1380 = arith.constant 0 : index
      %get3A_1381 = arith.constant 0 : index
      %get3A_1382 = vector.load %arg27[%get3A_1379, %get3A_1380, %get3A_1381] : memref<48x8x128xf32, #tpu.memory_space<vmem>>, vector<1x8x128xf32>
      %get3A_1383 = vector.shape_cast %get3A_1382 : vector<1x8x128xf32> to vector<8x128xf32>
      %mul3A_1384 = vector.broadcast %slice3A_1378 : vector<8x1xf32> to vector<8x128xf32>
      %mul3A_1385 = arith.mulf %mul3A_1384, %get3A_1383 : vector<8x128xf32>
      %add3A_1386 = arith.addf %add3A_1377, %mul3A_1385 : vector<8x128xf32>
      %concatenate3A_1387 = tpu.concatenate %add3A_847, %scan3A_330, %add3A_1386 in 1 : vector<8x128xf32>, vector<8x128xf32>, vector<8x128xf32> -> vector<8x384xf32>
      %convert_element_type3A_1388 = arith.truncf %concatenate3A_1387 : vector<8x384xf32> to vector<8x384xbf16>
      %get3A_1389 = arith.constant 1 : index
      %get3A_1390 = arith.constant 0 : index
      %get3A_1391 = arith.constant 0 : index
      %get3A_1392 = vector.load %arg30[%get3A_1389, %get3A_1390, %get3A_1391] : memref<3x384x128xbf16, #tpu.memory_space<vmem>>, vector<1x384x128xbf16>
      %get3A_1393 = vector.shape_cast %get3A_1392 : vector<1x384x128xbf16> to vector<384x128xbf16>
      %dot_general3A_1394 = arith.constant dense<0.000000e+00> : vector<8x128xf32>
      %dot_general3A_1395 = tpu.matmul %convert_element_type3A_1388, %get3A_1393, %dot_general3A_1394 {dimension_numbers = #tpu.dot_dimension_numbers<[1], [0], [0], [1], [0, 0, 1, 1], [], []>, transpose_lhs_hint = false} : vector<8x384xbf16>, vector<384x128xbf16>, vector<8x128xf32> -> vector<8x128xf32>
      %get3A_1396 = arith.constant 1 : index
      %get3A_1397 = arith.constant 0 : index
      %get3A_1398 = arith.constant 0 : index
      %get3A_1399 = vector.load %arg6[%get3A_1396, %get3A_1397, %get3A_1398] : memref<3x1x128xf32, #tpu.memory_space<vmem>>, vector<1x1x128xf32>
      %get3A_1400 = vector.shape_cast %get3A_1399 : vector<1x1x128xf32> to vector<1x128xf32>
      %add3A_1401 = vector.broadcast %get3A_1400 : vector<1x128xf32> to vector<8x128xf32>
      %add3A_1402 = arith.addf %dot_general3A_1395, %add3A_1401 : vector<8x128xf32>
      %logistic3A_1403 = arith.negf %add3A_1402 : vector<8x128xf32>
      %logistic3A_1404 = math.exp %logistic3A_1403 : vector<8x128xf32>
      %logistic3A_1405 = arith.constant 1.000000e+00 : f32
      %logistic3A_1406 = vector.broadcast %logistic3A_1405 : f32 to vector<8x128xf32>
      %logistic3A_1407 = arith.addf %logistic3A_1406, %logistic3A_1404 : vector<8x128xf32>
      %logistic3A_1408 = arith.divf %logistic3A_1406, %logistic3A_1407 : vector<8x128xf32>
      %convert_element_type3A_1409 = arith.truncf %concatenate3A_1387 : vector<8x384xf32> to vector<8x384xbf16>
      %get3A_1410 = arith.constant 1 : index
      %get3A_1411 = arith.constant 0 : index
      %get3A_1412 = arith.constant 0 : index
      %get3A_1413 = vector.load %arg31[%get3A_1410, %get3A_1411, %get3A_1412] : memref<3x384x128xbf16, #tpu.memory_space<vmem>>, vector<1x384x128xbf16>
      %get3A_1414 = vector.shape_cast %get3A_1413 : vector<1x384x128xbf16> to vector<384x128xbf16>
      %dot_general3A_1415 = arith.constant dense<0.000000e+00> : vector<8x128xf32>
      %dot_general3A_1416 = tpu.matmul %convert_element_type3A_1409, %get3A_1414, %dot_general3A_1415 {dimension_numbers = #tpu.dot_dimension_numbers<[1], [0], [0], [1], [0, 0, 1, 1], [], []>, transpose_lhs_hint = false} : vector<8x384xbf16>, vector<384x128xbf16>, vector<8x128xf32> -> vector<8x128xf32>
      %get3A_1417 = arith.constant 1 : index
      %get3A_1418 = arith.constant 0 : index
      %get3A_1419 = arith.constant 0 : index
      %get3A_1420 = vector.load %arg8[%get3A_1417, %get3A_1418, %get3A_1419] : memref<3x1x128xf32, #tpu.memory_space<vmem>>, vector<1x1x128xf32>
      %get3A_1421 = vector.shape_cast %get3A_1420 : vector<1x1x128xf32> to vector<1x128xf32>
      %add3A_1422 = vector.broadcast %get3A_1421 : vector<1x128xf32> to vector<8x128xf32>
      %add3A_1423 = arith.addf %dot_general3A_1416, %add3A_1422 : vector<8x128xf32>
      %tanh3A_1424 = math.tanh %add3A_1423 : vector<8x128xf32>
      %sub3A_1425 = arith.constant 1.000000e+00 : f32
      %sub3A_1426 = vector.broadcast %sub3A_1425 : f32 to vector<8x128xf32>
      %sub3A_1427 = arith.subf %sub3A_1426, %logistic3A_1408 : vector<8x128xf32>
      %mul3A_1428 = arith.mulf %sub3A_1427, %scan3A_330 : vector<8x128xf32>
      %mul3A_1429 = arith.mulf %logistic3A_1408, %tanh3A_1424 : vector<8x128xf32>
      %add3A_1430 = arith.addf %mul3A_1428, %mul3A_1429 : vector<8x128xf32>
      %concatenate3A_1431 = tpu.concatenate %add3A_847, %add3A_1430 in 1 : vector<8x128xf32>, vector<8x128xf32> -> vector<8x256xf32>
      %convert_element_type3A_1432 = arith.truncf %concatenate3A_1431 : vector<8x256xf32> to vector<8x256xbf16>
      %get3A_1433 = arith.constant 1 : index
      %get3A_1434 = arith.constant 0 : index
      %get3A_1435 = arith.constant 0 : index
      %get3A_1436 = vector.load %arg32[%get3A_1433, %get3A_1434, %get3A_1435] : memref<3x256x128xbf16, #tpu.memory_space<vmem>>, vector<1x256x128xbf16>
      %get3A_1437 = vector.shape_cast %get3A_1436 : vector<1x256x128xbf16> to vector<256x128xbf16>
      %dot_general3A_1438 = arith.constant dense<0.000000e+00> : vector<8x128xf32>
      %dot_general3A_1439 = tpu.matmul %convert_element_type3A_1432, %get3A_1437, %dot_general3A_1438 {dimension_numbers = #tpu.dot_dimension_numbers<[1], [0], [0], [1], [0, 0, 1, 1], [], []>, transpose_lhs_hint = false} : vector<8x256xbf16>, vector<256x128xbf16>, vector<8x128xf32> -> vector<8x128xf32>
      %get3A_1440 = arith.constant 1 : index
      %get3A_1441 = arith.constant 0 : index
      %get3A_1442 = arith.constant 0 : index
      %get3A_1443 = vector.load %arg10[%get3A_1440, %get3A_1441, %get3A_1442] : memref<3x1x128xf32, #tpu.memory_space<vmem>>, vector<1x1x128xf32>
      %get3A_1444 = vector.shape_cast %get3A_1443 : vector<1x1x128xf32> to vector<1x128xf32>
      %add3A_1445 = vector.broadcast %get3A_1444 : vector<1x128xf32> to vector<8x128xf32>
      %add3A_1446 = arith.addf %dot_general3A_1439, %add3A_1445 : vector<8x128xf32>
      %add3A_1447 = arith.addf %add3A_1446, %add3A_847 : vector<8x128xf32>
      %get3A_1448 = arith.constant 1 : index
      %get3A_1449 = arith.constant 0 : index
      %get3A_1450 = arith.constant 0 : index
      %get3A_1451 = vector.load %arg11[%get3A_1448, %get3A_1449, %get3A_1450] : memref<3x1x128xf32, #tpu.memory_space<vmem>>, vector<1x1x128xf32>
      %get3A_1452 = vector.shape_cast %get3A_1451 : vector<1x1x128xf32> to vector<1x128xf32>
      %get3A_1453 = arith.constant 1 : index
      %get3A_1454 = arith.constant 0 : index
      %get3A_1455 = arith.constant 0 : index
      %get3A_1456 = vector.load %arg12[%get3A_1453, %get3A_1454, %get3A_1455] : memref<3x1x128xf32, #tpu.memory_space<vmem>>, vector<1x1x128xf32>
      %get3A_1457 = vector.shape_cast %get3A_1456 : vector<1x1x128xf32> to vector<1x128xf32>
      %reduce_sum3A_1458 = arith.constant dense<0.000000e+00> : vector<8xf32>
      %reduce_sum3A_1459 = vector.multi_reduction <add>, %add3A_1447, %reduce_sum3A_1458 [1] : vector<8x128xf32> to vector<8xf32>
      %broadcast_in_dim3A_1460 = vector.shape_cast %reduce_sum3A_1459 : vector<8xf32> to vector<8x1xf32>
      %div3A_1461 = arith.constant 1.280000e+02 : f32
      %div3A_1462 = vector.broadcast %div3A_1461 : f32 to vector<8x1xf32>
      %div3A_1463 = arith.divf %broadcast_in_dim3A_1460, %div3A_1462 : vector<8x1xf32>
      %sub3A_1464 = vector.broadcast %div3A_1463 : vector<8x1xf32> to vector<8x128xf32>
      %sub3A_1465 = arith.subf %add3A_1447, %sub3A_1464 : vector<8x128xf32>
      %mul3A_1466 = arith.mulf %sub3A_1465, %sub3A_1465 : vector<8x128xf32>
      %reduce_sum3A_1467 = arith.constant dense<0.000000e+00> : vector<8xf32>
      %reduce_sum3A_1468 = vector.multi_reduction <add>, %mul3A_1466, %reduce_sum3A_1467 [1] : vector<8x128xf32> to vector<8xf32>
      %broadcast_in_dim3A_1469 = vector.shape_cast %reduce_sum3A_1468 : vector<8xf32> to vector<8x1xf32>
      %div3A_1470 = arith.constant 1.280000e+02 : f32
      %div3A_1471 = vector.broadcast %div3A_1470 : f32 to vector<8x1xf32>
      %div3A_1472 = arith.divf %broadcast_in_dim3A_1469, %div3A_1471 : vector<8x1xf32>
      %add3A_1473 = arith.constant 9.99999974E-6 : f32
      %add3A_1474 = vector.broadcast %add3A_1473 : f32 to vector<8x1xf32>
      %add3A_1475 = arith.addf %div3A_1472, %add3A_1474 : vector<8x1xf32>
      %sqrt3A_1476 = math.sqrt %add3A_1475 : vector<8x1xf32>
      %div3A_1477 = vector.broadcast %sqrt3A_1476 : vector<8x1xf32> to vector<8x128xf32>
      %div3A_1478 = arith.divf %sub3A_1465, %div3A_1477 : vector<8x128xf32>
      %mul3A_1479 = vector.broadcast %get3A_1452 : vector<1x128xf32> to vector<8x128xf32>
      %mul3A_1480 = arith.mulf %div3A_1478, %mul3A_1479 : vector<8x128xf32>
      %add3A_1481 = vector.broadcast %get3A_1457 : vector<1x128xf32> to vector<8x128xf32>
      %add3A_1482 = arith.addf %mul3A_1480, %add3A_1481 : vector<8x128xf32>
      %convert_element_type3A_1483 = arith.truncf %add3A_1482 : vector<8x128xf32> to vector<8x128xbf16>
      %convert_element_type3A_1484 = arith.extf %convert_element_type3A_1483 : vector<8x128xbf16> to vector<8x128xf32>
      %get3A_1485 = arith.constant 1 : index
      %get3A_1486 = arith.constant 0 : index
      %get3A_1487 = arith.constant 0 : index
      %get3A_1488 = vector.load %arg17[%get3A_1485, %get3A_1486, %get3A_1487] : memref<3x1x128xf32, #tpu.memory_space<vmem>>, vector<1x1x128xf32>
      %get3A_1489 = vector.shape_cast %get3A_1488 : vector<1x1x128xf32> to vector<1x128xf32>
      %convert_element_type3A_1490 = arith.truncf %get3A_1489 : vector<1x128xf32> to vector<1x128xbf16>
      %convert_element_type3A_1491 = arith.extf %convert_element_type3A_1490 : vector<1x128xbf16> to vector<1x128xf32>
      %mul3A_1492 = vector.broadcast %convert_element_type3A_1491 : vector<1x128xf32> to vector<8x128xf32>
      %mul3A_1493 = arith.mulf %convert_element_type3A_1484, %mul3A_1492 : vector<8x128xf32>
      %reduce_sum3A_1494 = arith.constant dense<0.000000e+00> : vector<8xf32>
      %reduce_sum3A_1495 = vector.multi_reduction <add>, %mul3A_1493, %reduce_sum3A_1494 [1] : vector<8x128xf32> to vector<8xf32>
      %broadcast_in_dim3A_1496 = vector.shape_cast %reduce_sum3A_1495 : vector<8xf32> to vector<8x1xf32>
      %get3A_1497 = arith.constant 1 : index
      %get3A_1498 = arith.constant 0 : index
      %get3A_1499 = arith.constant 0 : index
      %get3A_1500 = vector.load %arg18[%get3A_1497, %get3A_1498, %get3A_1499] : memref<3x1x1xf32, #tpu.memory_space<vmem>>, vector<1x1x1xf32>
      %get3A_1501 = vector.shape_cast %get3A_1500 : vector<1x1x1xf32> to vector<1x1xf32>
      %add3A_1502 = vector.broadcast %get3A_1501 : vector<1x1xf32> to vector<8x1xf32>
      %add3A_1503 = arith.addf %broadcast_in_dim3A_1496, %add3A_1502 : vector<8x1xf32>
      %logistic3A_1504 = arith.negf %add3A_1503 : vector<8x1xf32>
      %logistic3A_1505 = math.exp %logistic3A_1504 : vector<8x1xf32>
      %logistic3A_1506 = arith.constant 1.000000e+00 : f32
      %logistic3A_1507 = vector.broadcast %logistic3A_1506 : f32 to vector<8x1xf32>
      %logistic3A_1508 = arith.addf %logistic3A_1507, %logistic3A_1505 : vector<8x1xf32>
      %logistic3A_1509 = arith.divf %logistic3A_1507, %logistic3A_1508 : vector<8x1xf32>
      %convert_element_type3A_1510 = arith.truncf %add3A_1482 : vector<8x128xf32> to vector<8x128xbf16>
      %get3A_1511 = arith.constant 1 : index
      %get3A_1512 = arith.constant 0 : index
      %get3A_1513 = arith.constant 0 : index
      %get3A_1514 = vector.load %arg33[%get3A_1511, %get3A_1512, %get3A_1513] : memref<3x128x128xbf16, #tpu.memory_space<vmem>>, vector<1x128x128xbf16>
      %get3A_1515 = vector.shape_cast %get3A_1514 : vector<1x128x128xbf16> to vector<128x128xbf16>
      %dot_general3A_1516 = arith.constant dense<0.000000e+00> : vector<8x128xf32>
      %dot_general3A_1517 = tpu.matmul %convert_element_type3A_1510, %get3A_1515, %dot_general3A_1516 {dimension_numbers = #tpu.dot_dimension_numbers<[1], [0], [0], [1], [0, 0, 1, 1], [], []>, transpose_lhs_hint = false} : vector<8x128xbf16>, vector<128x128xbf16>, vector<8x128xf32> -> vector<8x128xf32>
      %get3A_1518 = arith.constant 1 : index
      %get3A_1519 = arith.constant 0 : index
      %get3A_1520 = arith.constant 0 : index
      %get3A_1521 = vector.load %arg14[%get3A_1518, %get3A_1519, %get3A_1520] : memref<3x1x128xf32, #tpu.memory_space<vmem>>, vector<1x1x128xf32>
      %get3A_1522 = vector.shape_cast %get3A_1521 : vector<1x1x128xf32> to vector<1x128xf32>
      %add3A_1523 = vector.broadcast %get3A_1522 : vector<1x128xf32> to vector<8x128xf32>
      %add3A_1524 = arith.addf %dot_general3A_1517, %add3A_1523 : vector<8x128xf32>
      %tanh3A_1525 = math.tanh %add3A_1524 : vector<8x128xf32>
      %get3A_1526 = arith.constant 1 : index
      %get3A_1527 = arith.constant 0 : index
      %get3A_1528 = arith.constant 0 : index
      %get3A_1529 = vector.load %arg34[%get3A_1526, %get3A_1527, %get3A_1528] : memref<3x128x128xbf16, #tpu.memory_space<vmem>>, vector<1x128x128xbf16>
      %get3A_1530 = vector.shape_cast %get3A_1529 : vector<1x128x128xbf16> to vector<128x128xbf16>
      %dot_general3A_1531 = arith.constant dense<0.000000e+00> : vector<8x128xf32>
      %dot_general3A_1532 = tpu.matmul %convert_element_type3A_1510, %get3A_1530, %dot_general3A_1531 {dimension_numbers = #tpu.dot_dimension_numbers<[1], [0], [0], [1], [0, 0, 1, 1], [], []>, transpose_lhs_hint = false} : vector<8x128xbf16>, vector<128x128xbf16>, vector<8x128xf32> -> vector<8x128xf32>
      %get3A_1533 = arith.constant 1 : index
      %get3A_1534 = arith.constant 0 : index
      %get3A_1535 = arith.constant 0 : index
      %get3A_1536 = vector.load %arg16[%get3A_1533, %get3A_1534, %get3A_1535] : memref<3x1x128xf32, #tpu.memory_space<vmem>>, vector<1x1x128xf32>
      %get3A_1537 = vector.shape_cast %get3A_1536 : vector<1x1x128xf32> to vector<1x128xf32>
      %add3A_1538 = vector.broadcast %get3A_1537 : vector<1x128xf32> to vector<8x128xf32>
      %add3A_1539 = arith.addf %dot_general3A_1532, %add3A_1538 : vector<8x128xf32>
      %tanh3A_1540 = math.tanh %add3A_1539 : vector<8x128xf32>
      %add3A_1541 = arith.constant 16 : i32
      %add3A_1542 = arith.addi %add3A_1541, %rem3A_336 : i32
      %get3A_1543 = arith.index_cast %add3A_1542 : i32 to index
      %get3A_1544 = arith.constant 0 : index
      %get3A_1545 = arith.constant 0 : index
      %get3A_1546 = vector.load %arg26[%get3A_1543, %get3A_1544, %get3A_1545] : memref<48x8x128xf32, #tpu.memory_space<vmem>>, vector<1x8x128xf32>
      %squeeze3A_1547 = vector.shape_cast %get3A_1546 : vector<1x8x128xf32> to vector<8x128xf32>
      %get3A_1548 = arith.index_cast %add3A_1542 : i32 to index
      %get3A_1549 = arith.constant 0 : index
      %get3A_1550 = arith.constant 0 : index
      %get3A_1551 = vector.load %arg27[%get3A_1548, %get3A_1549, %get3A_1550] : memref<48x8x128xf32, #tpu.memory_space<vmem>>, vector<1x8x128xf32>
      %squeeze3A_1552 = vector.shape_cast %get3A_1551 : vector<1x8x128xf32> to vector<8x128xf32>
      %sub3A_1553 = arith.constant 1.000000e+00 : f32
      %sub3A_1554 = vector.broadcast %sub3A_1553 : f32 to vector<8x1xf32>
      %sub3A_1555 = arith.subf %sub3A_1554, %logistic3A_1509 : vector<8x1xf32>
      %mul3A_1556 = vector.broadcast %sub3A_1555 : vector<8x1xf32> to vector<8x128xf32>
      %mul3A_1557 = arith.mulf %squeeze3A_1547, %mul3A_1556 : vector<8x128xf32>
      %mul3A_1558 = vector.broadcast %logistic3A_1509 : vector<8x1xf32> to vector<8x128xf32>
      %mul3A_1559 = arith.mulf %tanh3A_1525, %mul3A_1558 : vector<8x128xf32>
      %add3A_1560 = arith.addf %mul3A_1557, %mul3A_1559 : vector<8x128xf32>
      %broadcast_in_dim3A_1561 = vector.shape_cast %add3A_1560 : vector<8x128xf32> to vector<1x8x128xf32>
      %swap3A_1562 = arith.index_cast %add3A_1542 : i32 to index
      %swap3A_1563 = arith.constant 0 : index
      %swap3A_1564 = arith.constant 0 : index
      %swap3A_1565 = vector.load %arg26[%swap3A_1562, %swap3A_1563, %swap3A_1564] : memref<48x8x128xf32, #tpu.memory_space<vmem>>, vector<1x8x128xf32>
      tpu.vector_store %arg26[%swap3A_1562, %swap3A_1563, %swap3A_1564], %broadcast_in_dim3A_1561 {strides = array<i32>} : memref<48x8x128xf32, #tpu.memory_space<vmem>>, vector<1x8x128xf32>,
      %sub3A_1566 = arith.constant 1.000000e+00 : f32
      %sub3A_1567 = vector.broadcast %sub3A_1566 : f32 to vector<8x1xf32>
      %sub3A_1568 = arith.subf %sub3A_1567, %logistic3A_1509 : vector<8x1xf32>
      %mul3A_1569 = vector.broadcast %sub3A_1568 : vector<8x1xf32> to vector<8x128xf32>
      %mul3A_1570 = arith.mulf %squeeze3A_1552, %mul3A_1569 : vector<8x128xf32>
      %mul3A_1571 = vector.broadcast %logistic3A_1509 : vector<8x1xf32> to vector<8x128xf32>
      %mul3A_1572 = arith.mulf %tanh3A_1540, %mul3A_1571 : vector<8x128xf32>
      %add3A_1573 = arith.addf %mul3A_1570, %mul3A_1572 : vector<8x128xf32>
      %broadcast_in_dim3A_1574 = vector.shape_cast %add3A_1573 : vector<8x128xf32> to vector<1x8x128xf32>
      %swap3A_1575 = arith.index_cast %add3A_1542 : i32 to index
      %swap3A_1576 = arith.constant 0 : index
      %swap3A_1577 = arith.constant 0 : index
      %swap3A_1578 = vector.load %arg27[%swap3A_1575, %swap3A_1576, %swap3A_1577] : memref<48x8x128xf32, #tpu.memory_space<vmem>>, vector<1x8x128xf32>
      tpu.vector_store %arg27[%swap3A_1575, %swap3A_1576, %swap3A_1577], %broadcast_in_dim3A_1574 {strides = array<i32>} : memref<48x8x128xf32, #tpu.memory_space<vmem>>, vector<1x8x128xf32>,
      %mul3A_1579 = arith.mulf %add3A_1560, %add3A_1560 : vector<8x128xf32>
      %reduce_sum3A_1580 = arith.constant dense<0.000000e+00> : vector<8xf32>
      %reduce_sum3A_1581 = vector.multi_reduction <add>, %mul3A_1579, %reduce_sum3A_1580 [1] : vector<8x128xf32> to vector<8xf32>
      %broadcast_in_dim3A_1582 = vector.shape_cast %reduce_sum3A_1581 : vector<8xf32> to vector<8x1xf32>
      %sqrt3A_1583 = math.sqrt %broadcast_in_dim3A_1582 : vector<8x1xf32>
      %max3A_1584 = arith.constant 9.99999997E-7 : f32
      %max3A_1585 = vector.broadcast %max3A_1584 : f32 to vector<8x1xf32>
      %max3A_1586 = arith.maximumf %sqrt3A_1583, %max3A_1585 : vector<8x1xf32>
      %div3A_1587 = vector.broadcast %max3A_1586 : vector<8x1xf32> to vector<8x128xf32>
      %div3A_1588 = arith.divf %add3A_1560, %div3A_1587 : vector<8x128xf32>
      %convert_element_type3A_1589 = arith.truncf %div3A_1588 : vector<8x128xf32> to vector<8x128xbf16>
      %convert_element_type3A_1590 = arith.extf %convert_element_type3A_1589 : vector<8x128xbf16> to vector<8x128xf32>
      %broadcast_in_dim3A_1591 = vector.shape_cast %convert_element_type3A_1590 : vector<8x128xf32> to vector<1x8x128xf32>
      %swap3A_1592 = arith.index_cast %add3A_1542 : i32 to index
      %swap3A_1593 = arith.constant 0 : index
      %swap3A_1594 = arith.constant 0 : index
      %swap3A_1595 = vector.load %arg28[%swap3A_1592, %swap3A_1593, %swap3A_1594] : memref<48x8x128xf32, #tpu.memory_space<vmem>>, vector<1x8x128xf32>
      tpu.vector_store %arg28[%swap3A_1592, %swap3A_1593, %swap3A_1594], %broadcast_in_dim3A_1591 {strides = array<i32>} : memref<48x8x128xf32, #tpu.memory_space<vmem>>, vector<1x8x128xf32>,
      %concatenate3A_1596 = tpu.concatenate %add3A_1482, %scan3A_331 in 1 : vector<8x128xf32>, vector<8x128xf32> -> vector<8x256xf32>
      %convert_element_type3A_1597 = arith.truncf %concatenate3A_1596 : vector<8x256xf32> to vector<8x256xbf16>
      %get3A_1598 = arith.constant 2 : index
      %get3A_1599 = arith.constant 0 : index
      %get3A_1600 = arith.constant 0 : index
      %get3A_1601 = vector.load %arg29[%get3A_1598, %get3A_1599, %get3A_1600] : memref<3x256x128xbf16, #tpu.memory_space<vmem>>, vector<1x256x128xbf16>
      %get3A_1602 = vector.shape_cast %get3A_1601 : vector<1x256x128xbf16> to vector<256x128xbf16>
      %dot_general3A_1603 = arith.constant dense<0.000000e+00> : vector<8x128xf32>
      %dot_general3A_1604 = tpu.matmul %convert_element_type3A_1597, %get3A_1602, %dot_general3A_1603 {dimension_numbers = #tpu.dot_dimension_numbers<[1], [0], [0], [1], [0, 0, 1, 1], [], []>, transpose_lhs_hint = false} : vector<8x256xbf16>, vector<256x128xbf16>, vector<8x128xf32> -> vector<8x128xf32>
      %mul3A_1605 = arith.mulf %dot_general3A_1604, %dot_general3A_1604 : vector<8x128xf32>
      %reduce_sum3A_1606 = arith.constant dense<0.000000e+00> : vector<8xf32>
      %reduce_sum3A_1607 = vector.multi_reduction <add>, %mul3A_1605, %reduce_sum3A_1606 [1] : vector<8x128xf32> to vector<8xf32>
      %broadcast_in_dim3A_1608 = vector.shape_cast %reduce_sum3A_1607 : vector<8xf32> to vector<8x1xf32>
      %sqrt3A_1609 = math.sqrt %broadcast_in_dim3A_1608 : vector<8x1xf32>
      %max3A_1610 = arith.constant 9.99999997E-7 : f32
      %max3A_1611 = vector.broadcast %max3A_1610 : f32 to vector<8x1xf32>
      %max3A_1612 = arith.maximumf %sqrt3A_1609, %max3A_1611 : vector<8x1xf32>
      %div3A_1613 = vector.broadcast %max3A_1612 : vector<8x1xf32> to vector<8x128xf32>
      %div3A_1614 = arith.divf %dot_general3A_1604, %div3A_1613 : vector<8x128xf32>
      %convert_element_type3A_1615 = arith.truncf %div3A_1614 : vector<8x128xf32> to vector<8x128xbf16>
      %convert_element_type3A_1616 = arith.extf %convert_element_type3A_1615 : vector<8x128xbf16> to vector<8x128xf32>
      %get3A_1617 = arith.constant 32 : index
      %get3A_1618 = arith.constant 0 : index
      %get3A_1619 = arith.constant 0 : index
      %get3A_1620 = vector.load %arg28[%get3A_1617, %get3A_1618, %get3A_1619] : memref<48x8x128xf32, #tpu.memory_space<vmem>>, vector<1x8x128xf32>
      %get3A_1621 = vector.shape_cast %get3A_1620 : vector<1x8x128xf32> to vector<8x128xf32>
      %mul3A_1622 = arith.mulf %convert_element_type3A_1616, %get3A_1621 : vector<8x128xf32>
      %reduce_sum3A_1623 = arith.constant dense<0.000000e+00> : vector<8xf32>
      %reduce_sum3A_1624 = vector.multi_reduction <add>, %mul3A_1622, %reduce_sum3A_1623 [1] : vector<8x128xf32> to vector<8xf32>
      %broadcast_in_dim3A_1625 = vector.shape_cast %reduce_sum3A_1624 : vector<8xf32> to vector<8x1xf32>
      %get3A_1626 = arith.constant 33 : index
      %get3A_1627 = arith.constant 0 : index
      %get3A_1628 = arith.constant 0 : index
      %get3A_1629 = vector.load %arg28[%get3A_1626, %get3A_1627, %get3A_1628] : memref<48x8x128xf32, #tpu.memory_space<vmem>>, vector<1x8x128xf32>
      %get3A_1630 = vector.shape_cast %get3A_1629 : vector<1x8x128xf32> to vector<8x128xf32>
      %mul3A_1631 = arith.mulf %convert_element_type3A_1616, %get3A_1630 : vector<8x128xf32>
      %reduce_sum3A_1632 = arith.constant dense<0.000000e+00> : vector<8xf32>
      %reduce_sum3A_1633 = vector.multi_reduction <add>, %mul3A_1631, %reduce_sum3A_1632 [1] : vector<8x128xf32> to vector<8xf32>
      %broadcast_in_dim3A_1634 = vector.shape_cast %reduce_sum3A_1633 : vector<8xf32> to vector<8x1xf32>
      %get3A_1635 = arith.constant 34 : index
      %get3A_1636 = arith.constant 0 : index
      %get3A_1637 = arith.constant 0 : index
      %get3A_1638 = vector.load %arg28[%get3A_1635, %get3A_1636, %get3A_1637] : memref<48x8x128xf32, #tpu.memory_space<vmem>>, vector<1x8x128xf32>
      %get3A_1639 = vector.shape_cast %get3A_1638 : vector<1x8x128xf32> to vector<8x128xf32>
      %mul3A_1640 = arith.mulf %convert_element_type3A_1616, %get3A_1639 : vector<8x128xf32>
      %reduce_sum3A_1641 = arith.constant dense<0.000000e+00> : vector<8xf32>
      %reduce_sum3A_1642 = vector.multi_reduction <add>, %mul3A_1640, %reduce_sum3A_1641 [1] : vector<8x128xf32> to vector<8xf32>
      %broadcast_in_dim3A_1643 = vector.shape_cast %reduce_sum3A_1642 : vector<8xf32> to vector<8x1xf32>
      %get3A_1644 = arith.constant 35 : index
      %get3A_1645 = arith.constant 0 : index
      %get3A_1646 = arith.constant 0 : index
      %get3A_1647 = vector.load %arg28[%get3A_1644, %get3A_1645, %get3A_1646] : memref<48x8x128xf32, #tpu.memory_space<vmem>>, vector<1x8x128xf32>
      %get3A_1648 = vector.shape_cast %get3A_1647 : vector<1x8x128xf32> to vector<8x128xf32>
      %mul3A_1649 = arith.mulf %convert_element_type3A_1616, %get3A_1648 : vector<8x128xf32>
      %reduce_sum3A_1650 = arith.constant dense<0.000000e+00> : vector<8xf32>
      %reduce_sum3A_1651 = vector.multi_reduction <add>, %mul3A_1649, %reduce_sum3A_1650 [1] : vector<8x128xf32> to vector<8xf32>
      %broadcast_in_dim3A_1652 = vector.shape_cast %reduce_sum3A_1651 : vector<8xf32> to vector<8x1xf32>
      %get3A_1653 = arith.constant 36 : index
      %get3A_1654 = arith.constant 0 : index
      %get3A_1655 = arith.constant 0 : index
      %get3A_1656 = vector.load %arg28[%get3A_1653, %get3A_1654, %get3A_1655] : memref<48x8x128xf32, #tpu.memory_space<vmem>>, vector<1x8x128xf32>
      %get3A_1657 = vector.shape_cast %get3A_1656 : vector<1x8x128xf32> to vector<8x128xf32>
      %mul3A_1658 = arith.mulf %convert_element_type3A_1616, %get3A_1657 : vector<8x128xf32>
      %reduce_sum3A_1659 = arith.constant dense<0.000000e+00> : vector<8xf32>
      %reduce_sum3A_1660 = vector.multi_reduction <add>, %mul3A_1658, %reduce_sum3A_1659 [1] : vector<8x128xf32> to vector<8xf32>
      %broadcast_in_dim3A_1661 = vector.shape_cast %reduce_sum3A_1660 : vector<8xf32> to vector<8x1xf32>
      %get3A_1662 = arith.constant 37 : index
      %get3A_1663 = arith.constant 0 : index
      %get3A_1664 = arith.constant 0 : index
      %get3A_1665 = vector.load %arg28[%get3A_1662, %get3A_1663, %get3A_1664] : memref<48x8x128xf32, #tpu.memory_space<vmem>>, vector<1x8x128xf32>
      %get3A_1666 = vector.shape_cast %get3A_1665 : vector<1x8x128xf32> to vector<8x128xf32>
      %mul3A_1667 = arith.mulf %convert_element_type3A_1616, %get3A_1666 : vector<8x128xf32>
      %reduce_sum3A_1668 = arith.constant dense<0.000000e+00> : vector<8xf32>
      %reduce_sum3A_1669 = vector.multi_reduction <add>, %mul3A_1667, %reduce_sum3A_1668 [1] : vector<8x128xf32> to vector<8xf32>
      %broadcast_in_dim3A_1670 = vector.shape_cast %reduce_sum3A_1669 : vector<8xf32> to vector<8x1xf32>
      %get3A_1671 = arith.constant 38 : index
      %get3A_1672 = arith.constant 0 : index
      %get3A_1673 = arith.constant 0 : index
      %get3A_1674 = vector.load %arg28[%get3A_1671, %get3A_1672, %get3A_1673] : memref<48x8x128xf32, #tpu.memory_space<vmem>>, vector<1x8x128xf32>
      %get3A_1675 = vector.shape_cast %get3A_1674 : vector<1x8x128xf32> to vector<8x128xf32>
      %mul3A_1676 = arith.mulf %convert_element_type3A_1616, %get3A_1675 : vector<8x128xf32>
      %reduce_sum3A_1677 = arith.constant dense<0.000000e+00> : vector<8xf32>
      %reduce_sum3A_1678 = vector.multi_reduction <add>, %mul3A_1676, %reduce_sum3A_1677 [1] : vector<8x128xf32> to vector<8xf32>
      %broadcast_in_dim3A_1679 = vector.shape_cast %reduce_sum3A_1678 : vector<8xf32> to vector<8x1xf32>
      %get3A_1680 = arith.constant 39 : index
      %get3A_1681 = arith.constant 0 : index
      %get3A_1682 = arith.constant 0 : index
      %get3A_1683 = vector.load %arg28[%get3A_1680, %get3A_1681, %get3A_1682] : memref<48x8x128xf32, #tpu.memory_space<vmem>>, vector<1x8x128xf32>
      %get3A_1684 = vector.shape_cast %get3A_1683 : vector<1x8x128xf32> to vector<8x128xf32>
      %mul3A_1685 = arith.mulf %convert_element_type3A_1616, %get3A_1684 : vector<8x128xf32>
      %reduce_sum3A_1686 = arith.constant dense<0.000000e+00> : vector<8xf32>
      %reduce_sum3A_1687 = vector.multi_reduction <add>, %mul3A_1685, %reduce_sum3A_1686 [1] : vector<8x128xf32> to vector<8xf32>
      %broadcast_in_dim3A_1688 = vector.shape_cast %reduce_sum3A_1687 : vector<8xf32> to vector<8x1xf32>
      %get3A_1689 = arith.constant 40 : index
      %get3A_1690 = arith.constant 0 : index
      %get3A_1691 = arith.constant 0 : index
      %get3A_1692 = vector.load %arg28[%get3A_1689, %get3A_1690, %get3A_1691] : memref<48x8x128xf32, #tpu.memory_space<vmem>>, vector<1x8x128xf32>
      %get3A_1693 = vector.shape_cast %get3A_1692 : vector<1x8x128xf32> to vector<8x128xf32>
      %mul3A_1694 = arith.mulf %convert_element_type3A_1616, %get3A_1693 : vector<8x128xf32>
      %reduce_sum3A_1695 = arith.constant dense<0.000000e+00> : vector<8xf32>
      %reduce_sum3A_1696 = vector.multi_reduction <add>, %mul3A_1694, %reduce_sum3A_1695 [1] : vector<8x128xf32> to vector<8xf32>
      %broadcast_in_dim3A_1697 = vector.shape_cast %reduce_sum3A_1696 : vector<8xf32> to vector<8x1xf32>
      %get3A_1698 = arith.constant 41 : index
      %get3A_1699 = arith.constant 0 : index
      %get3A_1700 = arith.constant 0 : index
      %get3A_1701 = vector.load %arg28[%get3A_1698, %get3A_1699, %get3A_1700] : memref<48x8x128xf32, #tpu.memory_space<vmem>>, vector<1x8x128xf32>
      %get3A_1702 = vector.shape_cast %get3A_1701 : vector<1x8x128xf32> to vector<8x128xf32>
      %mul3A_1703 = arith.mulf %convert_element_type3A_1616, %get3A_1702 : vector<8x128xf32>
      %reduce_sum3A_1704 = arith.constant dense<0.000000e+00> : vector<8xf32>
      %reduce_sum3A_1705 = vector.multi_reduction <add>, %mul3A_1703, %reduce_sum3A_1704 [1] : vector<8x128xf32> to vector<8xf32>
      %broadcast_in_dim3A_1706 = vector.shape_cast %reduce_sum3A_1705 : vector<8xf32> to vector<8x1xf32>
      %get3A_1707 = arith.constant 42 : index
      %get3A_1708 = arith.constant 0 : index
      %get3A_1709 = arith.constant 0 : index
      %get3A_1710 = vector.load %arg28[%get3A_1707, %get3A_1708, %get3A_1709] : memref<48x8x128xf32, #tpu.memory_space<vmem>>, vector<1x8x128xf32>
      %get3A_1711 = vector.shape_cast %get3A_1710 : vector<1x8x128xf32> to vector<8x128xf32>
      %mul3A_1712 = arith.mulf %convert_element_type3A_1616, %get3A_1711 : vector<8x128xf32>
      %reduce_sum3A_1713 = arith.constant dense<0.000000e+00> : vector<8xf32>
      %reduce_sum3A_1714 = vector.multi_reduction <add>, %mul3A_1712, %reduce_sum3A_1713 [1] : vector<8x128xf32> to vector<8xf32>
      %broadcast_in_dim3A_1715 = vector.shape_cast %reduce_sum3A_1714 : vector<8xf32> to vector<8x1xf32>
      %get3A_1716 = arith.constant 43 : index
      %get3A_1717 = arith.constant 0 : index
      %get3A_1718 = arith.constant 0 : index
      %get3A_1719 = vector.load %arg28[%get3A_1716, %get3A_1717, %get3A_1718] : memref<48x8x128xf32, #tpu.memory_space<vmem>>, vector<1x8x128xf32>
      %get3A_1720 = vector.shape_cast %get3A_1719 : vector<1x8x128xf32> to vector<8x128xf32>
      %mul3A_1721 = arith.mulf %convert_element_type3A_1616, %get3A_1720 : vector<8x128xf32>
      %reduce_sum3A_1722 = arith.constant dense<0.000000e+00> : vector<8xf32>
      %reduce_sum3A_1723 = vector.multi_reduction <add>, %mul3A_1721, %reduce_sum3A_1722 [1] : vector<8x128xf32> to vector<8xf32>
      %broadcast_in_dim3A_1724 = vector.shape_cast %reduce_sum3A_1723 : vector<8xf32> to vector<8x1xf32>
      %get3A_1725 = arith.constant 44 : index
      %get3A_1726 = arith.constant 0 : index
      %get3A_1727 = arith.constant 0 : index
      %get3A_1728 = vector.load %arg28[%get3A_1725, %get3A_1726, %get3A_1727] : memref<48x8x128xf32, #tpu.memory_space<vmem>>, vector<1x8x128xf32>
      %get3A_1729 = vector.shape_cast %get3A_1728 : vector<1x8x128xf32> to vector<8x128xf32>
      %mul3A_1730 = arith.mulf %convert_element_type3A_1616, %get3A_1729 : vector<8x128xf32>
      %reduce_sum3A_1731 = arith.constant dense<0.000000e+00> : vector<8xf32>
      %reduce_sum3A_1732 = vector.multi_reduction <add>, %mul3A_1730, %reduce_sum3A_1731 [1] : vector<8x128xf32> to vector<8xf32>
      %broadcast_in_dim3A_1733 = vector.shape_cast %reduce_sum3A_1732 : vector<8xf32> to vector<8x1xf32>
      %get3A_1734 = arith.constant 45 : index
      %get3A_1735 = arith.constant 0 : index
      %get3A_1736 = arith.constant 0 : index
      %get3A_1737 = vector.load %arg28[%get3A_1734, %get3A_1735, %get3A_1736] : memref<48x8x128xf32, #tpu.memory_space<vmem>>, vector<1x8x128xf32>
      %get3A_1738 = vector.shape_cast %get3A_1737 : vector<1x8x128xf32> to vector<8x128xf32>
      %mul3A_1739 = arith.mulf %convert_element_type3A_1616, %get3A_1738 : vector<8x128xf32>
      %reduce_sum3A_1740 = arith.constant dense<0.000000e+00> : vector<8xf32>
      %reduce_sum3A_1741 = vector.multi_reduction <add>, %mul3A_1739, %reduce_sum3A_1740 [1] : vector<8x128xf32> to vector<8xf32>
      %broadcast_in_dim3A_1742 = vector.shape_cast %reduce_sum3A_1741 : vector<8xf32> to vector<8x1xf32>
      %get3A_1743 = arith.constant 46 : index
      %get3A_1744 = arith.constant 0 : index
      %get3A_1745 = arith.constant 0 : index
      %get3A_1746 = vector.load %arg28[%get3A_1743, %get3A_1744, %get3A_1745] : memref<48x8x128xf32, #tpu.memory_space<vmem>>, vector<1x8x128xf32>
      %get3A_1747 = vector.shape_cast %get3A_1746 : vector<1x8x128xf32> to vector<8x128xf32>
      %mul3A_1748 = arith.mulf %convert_element_type3A_1616, %get3A_1747 : vector<8x128xf32>
      %reduce_sum3A_1749 = arith.constant dense<0.000000e+00> : vector<8xf32>
      %reduce_sum3A_1750 = vector.multi_reduction <add>, %mul3A_1748, %reduce_sum3A_1749 [1] : vector<8x128xf32> to vector<8xf32>
      %broadcast_in_dim3A_1751 = vector.shape_cast %reduce_sum3A_1750 : vector<8xf32> to vector<8x1xf32>
      %get3A_1752 = arith.constant 47 : index
      %get3A_1753 = arith.constant 0 : index
      %get3A_1754 = arith.constant 0 : index
      %get3A_1755 = vector.load %arg28[%get3A_1752, %get3A_1753, %get3A_1754] : memref<48x8x128xf32, #tpu.memory_space<vmem>>, vector<1x8x128xf32>
      %get3A_1756 = vector.shape_cast %get3A_1755 : vector<1x8x128xf32> to vector<8x128xf32>
      %mul3A_1757 = arith.mulf %convert_element_type3A_1616, %get3A_1756 : vector<8x128xf32>
      %reduce_sum3A_1758 = arith.constant dense<0.000000e+00> : vector<8xf32>
      %reduce_sum3A_1759 = vector.multi_reduction <add>, %mul3A_1757, %reduce_sum3A_1758 [1] : vector<8x128xf32> to vector<8xf32>
      %broadcast_in_dim3A_1760 = vector.shape_cast %reduce_sum3A_1759 : vector<8xf32> to vector<8x1xf32>
      %concatenate3A_1761 = tpu.concatenate %broadcast_in_dim3A_1625, %broadcast_in_dim3A_1634, %broadcast_in_dim3A_1643, %broadcast_in_dim3A_1652, %broadcast_in_dim3A_1661, %broadcast_in_dim3A_1670, %broadcast_in_dim3A_1679, %broadcast_in_dim3A_1688, %broadcast_in_dim3A_1697, %broadcast_in_dim3A_1706, %broadcast_in_dim3A_1715, %broadcast_in_dim3A_1724, %broadcast_in_dim3A_1733, %broadcast_in_dim3A_1742, %broadcast_in_dim3A_1751, %broadcast_in_dim3A_1760 in 1 : vector<8x1xf32>, vector<8x1xf32>, vector<8x1xf32>, vector<8x1xf32>, vector<8x1xf32>, vector<8x1xf32>, vector<8x1xf32>, vector<8x1xf32>, vector<8x1xf32>, vector<8x1xf32>, vector<8x1xf32>, vector<8x1xf32>, vector<8x1xf32>, vector<8x1xf32>, vector<8x1xf32>, vector<8x1xf32> -> vector<8x16xf32>
      %convert_element_type3A_1762 = arith.truncf %div3A_1614 : vector<8x128xf32> to vector<8x128xbf16>
      %get3A_1763 = arith.constant 2 : index
      %get3A_1764 = arith.constant 0 : index
      %get3A_1765 = arith.constant 0 : index
      %get3A_1766 = vector.load %arg25[%get3A_1763, %get3A_1764, %get3A_1765] : memref<3x128x64xbf16, #tpu.memory_space<vmem>>, vector<1x128x64xbf16>
      %get3A_1767 = vector.shape_cast %get3A_1766 : vector<1x128x64xbf16> to vector<128x64xbf16>
      %dot_general3A_1768 = arith.constant dense<0.000000e+00> : vector<8x64xf32>
      %dot_general3A_1769 = tpu.matmul %convert_element_type3A_1762, %get3A_1767, %dot_general3A_1768 {dimension_numbers = #tpu.dot_dimension_numbers<[1], [0], [0], [1], [0, 0, 1, 1], [], []>, transpose_lhs_hint = false} : vector<8x128xbf16>, vector<128x64xbf16>, vector<8x64xf32> -> vector<8x64xf32>
      %concatenate3A_1770 = tpu.concatenate %concatenate3A_1761, %dot_general3A_1769 in 1 : vector<8x16xf32>, vector<8x64xf32> -> vector<8x80xf32>
      %reduce_max3A_1771 = arith.constant dense<0xFF800000> : vector<8xf32>
      %reduce_max3A_1772 = vector.multi_reduction <maximumf>, %concatenate3A_1770, %reduce_max3A_1771 [1] : vector<8x80xf32> to vector<8xf32>
      %broadcast_in_dim3A_1773 = vector.shape_cast %reduce_max3A_1772 : vector<8xf32> to vector<8x1xf32>
      %eq3A_1774 = vector.broadcast %broadcast_in_dim3A_1773 : vector<8x1xf32> to vector<8x80xf32>
      %eq3A_1775 = arith.cmpf oeq, %concatenate3A_1770, %eq3A_1774 : vector<8x80xf32>
      %jit3A_1776 = arith.constant 80 : i32
      %broadcast_in_dim3A_1777 = vector.broadcast %jit3A_1776 : i32 to vector<8x80xi32>
      %select_n3A_1778 = arith.select %eq3A_1775, %iota3A, %broadcast_in_dim3A_1777 : vector<8x80xi1>, vector<8x80xi32>
      %reduce_min3A_1779 = arith.constant dense<2147483647> : vector<8xi32>
      %reduce_min3A_1780 = vector.multi_reduction <minsi>, %select_n3A_1778, %reduce_min3A_1779 [1] : vector<8x80xi32> to vector<8xi32>
      %broadcast_in_dim3A_1781 = vector.shape_cast %reduce_min3A_1780 : vector<8xi32> to vector<8x1xi32>
      %eq3A_1782 = vector.broadcast %broadcast_in_dim3A_1781 : vector<8x1xi32> to vector<8x80xi32>
      %eq3A_1783 = arith.cmpi eq, %iota3A, %eq3A_1782 : vector<8x80xi32>
      %broadcast_in_dim3A_1784 = vector.broadcast %scan3A : f32 to vector<8x80xf32>
      %select_n3A_1785 = arith.select %eq3A_1783, %broadcast_in_dim3A_1784, %concatenate3A_1770 : vector<8x80xi1>, vector<8x80xf32>
      %reduce_max3A_1786 = arith.constant dense<0xFF800000> : vector<8xf32>
      %reduce_max3A_1787 = vector.multi_reduction <maximumf>, %select_n3A_1785, %reduce_max3A_1786 [1] : vector<8x80xf32> to vector<8xf32>
      %broadcast_in_dim3A_1788 = vector.shape_cast %reduce_max3A_1787 : vector<8xf32> to vector<8x1xf32>
      %eq3A_1789 = vector.broadcast %broadcast_in_dim3A_1788 : vector<8x1xf32> to vector<8x80xf32>
      %eq3A_1790 = arith.cmpf oeq, %select_n3A_1785, %eq3A_1789 : vector<8x80xf32>
      %jit3A_1791 = arith.constant 80 : i32
      %broadcast_in_dim3A_1792 = vector.broadcast %jit3A_1791 : i32 to vector<8x80xi32>
      %select_n3A_1793 = arith.select %eq3A_1790, %iota3A, %broadcast_in_dim3A_1792 : vector<8x80xi1>, vector<8x80xi32>
      %reduce_min3A_1794 = arith.constant dense<2147483647> : vector<8xi32>
      %reduce_min3A_1795 = vector.multi_reduction <minsi>, %select_n3A_1793, %reduce_min3A_1794 [1] : vector<8x80xi32> to vector<8xi32>
      %broadcast_in_dim3A_1796 = vector.shape_cast %reduce_min3A_1795 : vector<8xi32> to vector<8x1xi32>
      %eq3A_1797 = vector.broadcast %broadcast_in_dim3A_1796 : vector<8x1xi32> to vector<8x80xi32>
      %eq3A_1798 = arith.cmpi eq, %iota3A, %eq3A_1797 : vector<8x80xi32>
      %broadcast_in_dim3A_1799 = vector.broadcast %scan3A : f32 to vector<8x80xf32>
      %select_n3A_1800 = arith.select %eq3A_1798, %broadcast_in_dim3A_1799, %select_n3A_1785 : vector<8x80xi1>, vector<8x80xf32>
      %reduce_max3A_1801 = arith.constant dense<0xFF800000> : vector<8xf32>
      %reduce_max3A_1802 = vector.multi_reduction <maximumf>, %select_n3A_1800, %reduce_max3A_1801 [1] : vector<8x80xf32> to vector<8xf32>
      %broadcast_in_dim3A_1803 = vector.shape_cast %reduce_max3A_1802 : vector<8xf32> to vector<8x1xf32>
      %eq3A_1804 = vector.broadcast %broadcast_in_dim3A_1803 : vector<8x1xf32> to vector<8x80xf32>
      %eq3A_1805 = arith.cmpf oeq, %select_n3A_1800, %eq3A_1804 : vector<8x80xf32>
      %jit3A_1806 = arith.constant 80 : i32
      %broadcast_in_dim3A_1807 = vector.broadcast %jit3A_1806 : i32 to vector<8x80xi32>
      %select_n3A_1808 = arith.select %eq3A_1805, %iota3A, %broadcast_in_dim3A_1807 : vector<8x80xi1>, vector<8x80xi32>
      %reduce_min3A_1809 = arith.constant dense<2147483647> : vector<8xi32>
      %reduce_min3A_1810 = vector.multi_reduction <minsi>, %select_n3A_1808, %reduce_min3A_1809 [1] : vector<8x80xi32> to vector<8xi32>
      %broadcast_in_dim3A_1811 = vector.shape_cast %reduce_min3A_1810 : vector<8xi32> to vector<8x1xi32>
      %eq3A_1812 = vector.broadcast %broadcast_in_dim3A_1811 : vector<8x1xi32> to vector<8x80xi32>
      %eq3A_1813 = arith.cmpi eq, %iota3A, %eq3A_1812 : vector<8x80xi32>
      %broadcast_in_dim3A_1814 = vector.broadcast %scan3A : f32 to vector<8x80xf32>
      %select_n3A_1815 = arith.select %eq3A_1813, %broadcast_in_dim3A_1814, %select_n3A_1800 : vector<8x80xi1>, vector<8x80xf32>
      %reduce_max3A_1816 = arith.constant dense<0xFF800000> : vector<8xf32>
      %reduce_max3A_1817 = vector.multi_reduction <maximumf>, %select_n3A_1815, %reduce_max3A_1816 [1] : vector<8x80xf32> to vector<8xf32>
      %broadcast_in_dim3A_1818 = vector.shape_cast %reduce_max3A_1817 : vector<8xf32> to vector<8x1xf32>
      %eq3A_1819 = vector.broadcast %broadcast_in_dim3A_1818 : vector<8x1xf32> to vector<8x80xf32>
      %eq3A_1820 = arith.cmpf oeq, %select_n3A_1815, %eq3A_1819 : vector<8x80xf32>
      %jit3A_1821 = arith.constant 80 : i32
      %broadcast_in_dim3A_1822 = vector.broadcast %jit3A_1821 : i32 to vector<8x80xi32>
      %select_n3A_1823 = arith.select %eq3A_1820, %iota3A, %broadcast_in_dim3A_1822 : vector<8x80xi1>, vector<8x80xi32>
      %reduce_min3A_1824 = arith.constant dense<2147483647> : vector<8xi32>
      %reduce_min3A_1825 = vector.multi_reduction <minsi>, %select_n3A_1823, %reduce_min3A_1824 [1] : vector<8x80xi32> to vector<8xi32>
      %broadcast_in_dim3A_1826 = vector.shape_cast %reduce_min3A_1825 : vector<8xi32> to vector<8x1xi32>
      %eq3A_1827 = vector.broadcast %broadcast_in_dim3A_1826 : vector<8x1xi32> to vector<8x80xi32>
      %eq3A_1828 = arith.cmpi eq, %iota3A, %eq3A_1827 : vector<8x80xi32>
      %sub3A_1829 = arith.subf %broadcast_in_dim3A_1773, %broadcast_in_dim3A_1773 : vector<8x1xf32>
      %exp3A_1830 = math.exp %sub3A_1829 : vector<8x1xf32>
      %sub3A_1831 = arith.subf %broadcast_in_dim3A_1788, %broadcast_in_dim3A_1773 : vector<8x1xf32>
      %exp3A_1832 = math.exp %sub3A_1831 : vector<8x1xf32>
      %sub3A_1833 = arith.subf %broadcast_in_dim3A_1803, %broadcast_in_dim3A_1773 : vector<8x1xf32>
      %exp3A_1834 = math.exp %sub3A_1833 : vector<8x1xf32>
      %sub3A_1835 = arith.subf %broadcast_in_dim3A_1818, %broadcast_in_dim3A_1773 : vector<8x1xf32>
      %exp3A_1836 = math.exp %sub3A_1835 : vector<8x1xf32>
      %add3A_1837 = arith.addf %exp3A_1830, %exp3A_1832 : vector<8x1xf32>
      %add3A_1838 = arith.addf %add3A_1837, %exp3A_1834 : vector<8x1xf32>
      %add3A_1839 = arith.addf %add3A_1838, %exp3A_1836 : vector<8x1xf32>
      %broadcast_in_dim3A_1840 = arith.constant 0.000000e+00 : f32
      %broadcast_in_dim3A_1841 = vector.broadcast %broadcast_in_dim3A_1840 : f32 to vector<8x80xf32>
      %div3A_1842 = arith.divf %exp3A_1830, %add3A_1839 : vector<8x1xf32>
      %jit3A_1843 = arith.constant 0.000000e+00 : f32
      %broadcast_in_dim3A_1844 = vector.shape_cast %div3A_1842 : vector<8x1xf32> to vector<8x1xf32>
      %broadcast_in_dim3A_1845 = vector.broadcast %broadcast_in_dim3A_1844 : vector<8x1xf32> to vector<8x80xf32>
      %broadcast_in_dim3A_1846 = vector.broadcast %jit3A_1843 : f32 to vector<8x80xf32>
      %select_n3A_1847 = arith.select %eq3A_1783, %broadcast_in_dim3A_1845, %broadcast_in_dim3A_1846 : vector<8x80xi1>, vector<8x80xf32>
      %add3A_1848 = arith.addf %broadcast_in_dim3A_1841, %select_n3A_1847 : vector<8x80xf32>
      %div3A_1849 = arith.divf %exp3A_1832, %add3A_1839 : vector<8x1xf32>
      %jit3A_1850 = arith.constant 0.000000e+00 : f32
      %broadcast_in_dim3A_1851 = vector.shape_cast %div3A_1849 : vector<8x1xf32> to vector<8x1xf32>
      %broadcast_in_dim3A_1852 = vector.broadcast %broadcast_in_dim3A_1851 : vector<8x1xf32> to vector<8x80xf32>
      %broadcast_in_dim3A_1853 = vector.broadcast %jit3A_1850 : f32 to vector<8x80xf32>
      %select_n3A_1854 = arith.select %eq3A_1798, %broadcast_in_dim3A_1852, %broadcast_in_dim3A_1853 : vector<8x80xi1>, vector<8x80xf32>
      %add3A_1855 = arith.addf %add3A_1848, %select_n3A_1854 : vector<8x80xf32>
      %div3A_1856 = arith.divf %exp3A_1834, %add3A_1839 : vector<8x1xf32>
      %jit3A_1857 = arith.constant 0.000000e+00 : f32
      %broadcast_in_dim3A_1858 = vector.shape_cast %div3A_1856 : vector<8x1xf32> to vector<8x1xf32>
      %broadcast_in_dim3A_1859 = vector.broadcast %broadcast_in_dim3A_1858 : vector<8x1xf32> to vector<8x80xf32>
      %broadcast_in_dim3A_1860 = vector.broadcast %jit3A_1857 : f32 to vector<8x80xf32>
      %select_n3A_1861 = arith.select %eq3A_1813, %broadcast_in_dim3A_1859, %broadcast_in_dim3A_1860 : vector<8x80xi1>, vector<8x80xf32>
      %add3A_1862 = arith.addf %add3A_1855, %select_n3A_1861 : vector<8x80xf32>
      %div3A_1863 = arith.divf %exp3A_1836, %add3A_1839 : vector<8x1xf32>
      %jit3A_1864 = arith.constant 0.000000e+00 : f32
      %broadcast_in_dim3A_1865 = vector.shape_cast %div3A_1863 : vector<8x1xf32> to vector<8x1xf32>
      %broadcast_in_dim3A_1866 = vector.broadcast %broadcast_in_dim3A_1865 : vector<8x1xf32> to vector<8x80xf32>
      %broadcast_in_dim3A_1867 = vector.broadcast %jit3A_1864 : f32 to vector<8x80xf32>
      %select_n3A_1868 = arith.select %eq3A_1828, %broadcast_in_dim3A_1866, %broadcast_in_dim3A_1867 : vector<8x80xi1>, vector<8x80xf32>
      %add3A_1869 = arith.addf %add3A_1862, %select_n3A_1868 : vector<8x80xf32>
      %slice3A_1870 = vector.extract_strided_slice %add3A_1869 {offsets = [0, 16], sizes = [8, 64], strides = [1, 1]} : vector<8x80xf32> to vector<8x64xf32>
      %get3A_1871 = arith.constant 2 : index
      %get3A_1872 = arith.constant 0 : index
      %get3A_1873 = arith.constant 0 : index
      %get3A_1874 = vector.load %arg20[%get3A_1871, %get3A_1872, %get3A_1873] : memref<3x64x128xf32, #tpu.memory_space<vmem>>, vector<1x64x128xf32>
      %get3A_1875 = vector.shape_cast %get3A_1874 : vector<1x64x128xf32> to vector<64x128xf32>
      %dot_general3A_1876 = arith.constant dense<0.000000e+00> : vector<8x128xf32>
      %dot_general3A_1877 = tpu.matmul %slice3A_1870, %get3A_1875, %dot_general3A_1876 {dimension_numbers = #tpu.dot_dimension_numbers<[1], [0], [0], [1], [0, 0, 1, 1], [], []>, precision = #tpu.contract_precision<fp32>, transpose_lhs_hint = false} : vector<8x64xf32>, vector<64x128xf32>, vector<8x128xf32> -> vector<8x128xf32>
      %slice3A_1878 = vector.extract_strided_slice %add3A_1869 {offsets = [0, 0], sizes = [8, 1], strides = [1, 1]} : vector<8x80xf32> to vector<8x1xf32>
      %get3A_1879 = arith.constant 32 : index
      %get3A_1880 = arith.constant 0 : index
      %get3A_1881 = arith.constant 0 : index
      %get3A_1882 = vector.load %arg27[%get3A_1879, %get3A_1880, %get3A_1881] : memref<48x8x128xf32, #tpu.memory_space<vmem>>, vector<1x8x128xf32>
      %get3A_1883 = vector.shape_cast %get3A_1882 : vector<1x8x128xf32> to vector<8x128xf32>
      %mul3A_1884 = vector.broadcast %slice3A_1878 : vector<8x1xf32> to vector<8x128xf32>
      %mul3A_1885 = arith.mulf %mul3A_1884, %get3A_1883 : vector<8x128xf32>
      %add3A_1886 = arith.addf %dot_general3A_1877, %mul3A_1885 : vector<8x128xf32>
      %slice3A_1887 = vector.extract_strided_slice %add3A_1869 {offsets = [0, 1], sizes = [8, 1], strides = [1, 1]} : vector<8x80xf32> to vector<8x1xf32>
      %get3A_1888 = arith.constant 33 : index
      %get3A_1889 = arith.constant 0 : index
      %get3A_1890 = arith.constant 0 : index
      %get3A_1891 = vector.load %arg27[%get3A_1888, %get3A_1889, %get3A_1890] : memref<48x8x128xf32, #tpu.memory_space<vmem>>, vector<1x8x128xf32>
      %get3A_1892 = vector.shape_cast %get3A_1891 : vector<1x8x128xf32> to vector<8x128xf32>
      %mul3A_1893 = vector.broadcast %slice3A_1887 : vector<8x1xf32> to vector<8x128xf32>
      %mul3A_1894 = arith.mulf %mul3A_1893, %get3A_1892 : vector<8x128xf32>
      %add3A_1895 = arith.addf %add3A_1886, %mul3A_1894 : vector<8x128xf32>
      %slice3A_1896 = vector.extract_strided_slice %add3A_1869 {offsets = [0, 2], sizes = [8, 1], strides = [1, 1]} : vector<8x80xf32> to vector<8x1xf32>
      %get3A_1897 = arith.constant 34 : index
      %get3A_1898 = arith.constant 0 : index
      %get3A_1899 = arith.constant 0 : index
      %get3A_1900 = vector.load %arg27[%get3A_1897, %get3A_1898, %get3A_1899] : memref<48x8x128xf32, #tpu.memory_space<vmem>>, vector<1x8x128xf32>
      %get3A_1901 = vector.shape_cast %get3A_1900 : vector<1x8x128xf32> to vector<8x128xf32>
      %mul3A_1902 = vector.broadcast %slice3A_1896 : vector<8x1xf32> to vector<8x128xf32>
      %mul3A_1903 = arith.mulf %mul3A_1902, %get3A_1901 : vector<8x128xf32>
      %add3A_1904 = arith.addf %add3A_1895, %mul3A_1903 : vector<8x128xf32>
      %slice3A_1905 = vector.extract_strided_slice %add3A_1869 {offsets = [0, 3], sizes = [8, 1], strides = [1, 1]} : vector<8x80xf32> to vector<8x1xf32>
      %get3A_1906 = arith.constant 35 : index
      %get3A_1907 = arith.constant 0 : index
      %get3A_1908 = arith.constant 0 : index
      %get3A_1909 = vector.load %arg27[%get3A_1906, %get3A_1907, %get3A_1908] : memref<48x8x128xf32, #tpu.memory_space<vmem>>, vector<1x8x128xf32>
      %get3A_1910 = vector.shape_cast %get3A_1909 : vector<1x8x128xf32> to vector<8x128xf32>
      %mul3A_1911 = vector.broadcast %slice3A_1905 : vector<8x1xf32> to vector<8x128xf32>
      %mul3A_1912 = arith.mulf %mul3A_1911, %get3A_1910 : vector<8x128xf32>
      %add3A_1913 = arith.addf %add3A_1904, %mul3A_1912 : vector<8x128xf32>
      %slice3A_1914 = vector.extract_strided_slice %add3A_1869 {offsets = [0, 4], sizes = [8, 1], strides = [1, 1]} : vector<8x80xf32> to vector<8x1xf32>
      %get3A_1915 = arith.constant 36 : index
      %get3A_1916 = arith.constant 0 : index
      %get3A_1917 = arith.constant 0 : index
      %get3A_1918 = vector.load %arg27[%get3A_1915, %get3A_1916, %get3A_1917] : memref<48x8x128xf32, #tpu.memory_space<vmem>>, vector<1x8x128xf32>
      %get3A_1919 = vector.shape_cast %get3A_1918 : vector<1x8x128xf32> to vector<8x128xf32>
      %mul3A_1920 = vector.broadcast %slice3A_1914 : vector<8x1xf32> to vector<8x128xf32>
      %mul3A_1921 = arith.mulf %mul3A_1920, %get3A_1919 : vector<8x128xf32>
      %add3A_1922 = arith.addf %add3A_1913, %mul3A_1921 : vector<8x128xf32>
      %slice3A_1923 = vector.extract_strided_slice %add3A_1869 {offsets = [0, 5], sizes = [8, 1], strides = [1, 1]} : vector<8x80xf32> to vector<8x1xf32>
      %get3A_1924 = arith.constant 37 : index
      %get3A_1925 = arith.constant 0 : index
      %get3A_1926 = arith.constant 0 : index
      %get3A_1927 = vector.load %arg27[%get3A_1924, %get3A_1925, %get3A_1926] : memref<48x8x128xf32, #tpu.memory_space<vmem>>, vector<1x8x128xf32>
      %get3A_1928 = vector.shape_cast %get3A_1927 : vector<1x8x128xf32> to vector<8x128xf32>
      %mul3A_1929 = vector.broadcast %slice3A_1923 : vector<8x1xf32> to vector<8x128xf32>
      %mul3A_1930 = arith.mulf %mul3A_1929, %get3A_1928 : vector<8x128xf32>
      %add3A_1931 = arith.addf %add3A_1922, %mul3A_1930 : vector<8x128xf32>
      %slice3A_1932 = vector.extract_strided_slice %add3A_1869 {offsets = [0, 6], sizes = [8, 1], strides = [1, 1]} : vector<8x80xf32> to vector<8x1xf32>
      %get3A_1933 = arith.constant 38 : index
      %get3A_1934 = arith.constant 0 : index
      %get3A_1935 = arith.constant 0 : index
      %get3A_1936 = vector.load %arg27[%get3A_1933, %get3A_1934, %get3A_1935] : memref<48x8x128xf32, #tpu.memory_space<vmem>>, vector<1x8x128xf32>
      %get3A_1937 = vector.shape_cast %get3A_1936 : vector<1x8x128xf32> to vector<8x128xf32>
      %mul3A_1938 = vector.broadcast %slice3A_1932 : vector<8x1xf32> to vector<8x128xf32>
      %mul3A_1939 = arith.mulf %mul3A_1938, %get3A_1937 : vector<8x128xf32>
      %add3A_1940 = arith.addf %add3A_1931, %mul3A_1939 : vector<8x128xf32>
      %slice3A_1941 = vector.extract_strided_slice %add3A_1869 {offsets = [0, 7], sizes = [8, 1], strides = [1, 1]} : vector<8x80xf32> to vector<8x1xf32>
      %get3A_1942 = arith.constant 39 : index
      %get3A_1943 = arith.constant 0 : index
      %get3A_1944 = arith.constant 0 : index
      %get3A_1945 = vector.load %arg27[%get3A_1942, %get3A_1943, %get3A_1944] : memref<48x8x128xf32, #tpu.memory_space<vmem>>, vector<1x8x128xf32>
      %get3A_1946 = vector.shape_cast %get3A_1945 : vector<1x8x128xf32> to vector<8x128xf32>
      %mul3A_1947 = vector.broadcast %slice3A_1941 : vector<8x1xf32> to vector<8x128xf32>
      %mul3A_1948 = arith.mulf %mul3A_1947, %get3A_1946 : vector<8x128xf32>
      %add3A_1949 = arith.addf %add3A_1940, %mul3A_1948 : vector<8x128xf32>
      %slice3A_1950 = vector.extract_strided_slice %add3A_1869 {offsets = [0, 8], sizes = [8, 1], strides = [1, 1]} : vector<8x80xf32> to vector<8x1xf32>
      %get3A_1951 = arith.constant 40 : index
      %get3A_1952 = arith.constant 0 : index
      %get3A_1953 = arith.constant 0 : index
      %get3A_1954 = vector.load %arg27[%get3A_1951, %get3A_1952, %get3A_1953] : memref<48x8x128xf32, #tpu.memory_space<vmem>>, vector<1x8x128xf32>
      %get3A_1955 = vector.shape_cast %get3A_1954 : vector<1x8x128xf32> to vector<8x128xf32>
      %mul3A_1956 = vector.broadcast %slice3A_1950 : vector<8x1xf32> to vector<8x128xf32>
      %mul3A_1957 = arith.mulf %mul3A_1956, %get3A_1955 : vector<8x128xf32>
      %add3A_1958 = arith.addf %add3A_1949, %mul3A_1957 : vector<8x128xf32>
      %slice3A_1959 = vector.extract_strided_slice %add3A_1869 {offsets = [0, 9], sizes = [8, 1], strides = [1, 1]} : vector<8x80xf32> to vector<8x1xf32>
      %get3A_1960 = arith.constant 41 : index
      %get3A_1961 = arith.constant 0 : index
      %get3A_1962 = arith.constant 0 : index
      %get3A_1963 = vector.load %arg27[%get3A_1960, %get3A_1961, %get3A_1962] : memref<48x8x128xf32, #tpu.memory_space<vmem>>, vector<1x8x128xf32>
      %get3A_1964 = vector.shape_cast %get3A_1963 : vector<1x8x128xf32> to vector<8x128xf32>
      %mul3A_1965 = vector.broadcast %slice3A_1959 : vector<8x1xf32> to vector<8x128xf32>
      %mul3A_1966 = arith.mulf %mul3A_1965, %get3A_1964 : vector<8x128xf32>
      %add3A_1967 = arith.addf %add3A_1958, %mul3A_1966 : vector<8x128xf32>
      %slice3A_1968 = vector.extract_strided_slice %add3A_1869 {offsets = [0, 10], sizes = [8, 1], strides = [1, 1]} : vector<8x80xf32> to vector<8x1xf32>
      %get3A_1969 = arith.constant 42 : index
      %get3A_1970 = arith.constant 0 : index
      %get3A_1971 = arith.constant 0 : index
      %get3A_1972 = vector.load %arg27[%get3A_1969, %get3A_1970, %get3A_1971] : memref<48x8x128xf32, #tpu.memory_space<vmem>>, vector<1x8x128xf32>
      %get3A_1973 = vector.shape_cast %get3A_1972 : vector<1x8x128xf32> to vector<8x128xf32>
      %mul3A_1974 = vector.broadcast %slice3A_1968 : vector<8x1xf32> to vector<8x128xf32>
      %mul3A_1975 = arith.mulf %mul3A_1974, %get3A_1973 : vector<8x128xf32>
      %add3A_1976 = arith.addf %add3A_1967, %mul3A_1975 : vector<8x128xf32>
      %slice3A_1977 = vector.extract_strided_slice %add3A_1869 {offsets = [0, 11], sizes = [8, 1], strides = [1, 1]} : vector<8x80xf32> to vector<8x1xf32>
      %get3A_1978 = arith.constant 43 : index
      %get3A_1979 = arith.constant 0 : index
      %get3A_1980 = arith.constant 0 : index
      %get3A_1981 = vector.load %arg27[%get3A_1978, %get3A_1979, %get3A_1980] : memref<48x8x128xf32, #tpu.memory_space<vmem>>, vector<1x8x128xf32>
      %get3A_1982 = vector.shape_cast %get3A_1981 : vector<1x8x128xf32> to vector<8x128xf32>
      %mul3A_1983 = vector.broadcast %slice3A_1977 : vector<8x1xf32> to vector<8x128xf32>
      %mul3A_1984 = arith.mulf %mul3A_1983, %get3A_1982 : vector<8x128xf32>
      %add3A_1985 = arith.addf %add3A_1976, %mul3A_1984 : vector<8x128xf32>
      %slice3A_1986 = vector.extract_strided_slice %add3A_1869 {offsets = [0, 12], sizes = [8, 1], strides = [1, 1]} : vector<8x80xf32> to vector<8x1xf32>
      %get3A_1987 = arith.constant 44 : index
      %get3A_1988 = arith.constant 0 : index
      %get3A_1989 = arith.constant 0 : index
      %get3A_1990 = vector.load %arg27[%get3A_1987, %get3A_1988, %get3A_1989] : memref<48x8x128xf32, #tpu.memory_space<vmem>>, vector<1x8x128xf32>
      %get3A_1991 = vector.shape_cast %get3A_1990 : vector<1x8x128xf32> to vector<8x128xf32>
      %mul3A_1992 = vector.broadcast %slice3A_1986 : vector<8x1xf32> to vector<8x128xf32>
      %mul3A_1993 = arith.mulf %mul3A_1992, %get3A_1991 : vector<8x128xf32>
      %add3A_1994 = arith.addf %add3A_1985, %mul3A_1993 : vector<8x128xf32>
      %slice3A_1995 = vector.extract_strided_slice %add3A_1869 {offsets = [0, 13], sizes = [8, 1], strides = [1, 1]} : vector<8x80xf32> to vector<8x1xf32>
      %get3A_1996 = arith.constant 45 : index
      %get3A_1997 = arith.constant 0 : index
      %get3A_1998 = arith.constant 0 : index
      %get3A_1999 = vector.load %arg27[%get3A_1996, %get3A_1997, %get3A_1998] : memref<48x8x128xf32, #tpu.memory_space<vmem>>, vector<1x8x128xf32>
      %get3A_2000 = vector.shape_cast %get3A_1999 : vector<1x8x128xf32> to vector<8x128xf32>
      %mul3A_2001 = vector.broadcast %slice3A_1995 : vector<8x1xf32> to vector<8x128xf32>
      %mul3A_2002 = arith.mulf %mul3A_2001, %get3A_2000 : vector<8x128xf32>
      %add3A_2003 = arith.addf %add3A_1994, %mul3A_2002 : vector<8x128xf32>
      %slice3A_2004 = vector.extract_strided_slice %add3A_1869 {offsets = [0, 14], sizes = [8, 1], strides = [1, 1]} : vector<8x80xf32> to vector<8x1xf32>
      %get3A_2005 = arith.constant 46 : index
      %get3A_2006 = arith.constant 0 : index
      %get3A_2007 = arith.constant 0 : index
      %get3A_2008 = vector.load %arg27[%get3A_2005, %get3A_2006, %get3A_2007] : memref<48x8x128xf32, #tpu.memory_space<vmem>>, vector<1x8x128xf32>
      %get3A_2009 = vector.shape_cast %get3A_2008 : vector<1x8x128xf32> to vector<8x128xf32>
      %mul3A_2010 = vector.broadcast %slice3A_2004 : vector<8x1xf32> to vector<8x128xf32>
      %mul3A_2011 = arith.mulf %mul3A_2010, %get3A_2009 : vector<8x128xf32>
      %add3A_2012 = arith.addf %add3A_2003, %mul3A_2011 : vector<8x128xf32>
      %slice3A_2013 = vector.extract_strided_slice %add3A_1869 {offsets = [0, 15], sizes = [8, 1], strides = [1, 1]} : vector<8x80xf32> to vector<8x1xf32>
      %get3A_2014 = arith.constant 47 : index
      %get3A_2015 = arith.constant 0 : index
      %get3A_2016 = arith.constant 0 : index
      %get3A_2017 = vector.load %arg27[%get3A_2014, %get3A_2015, %get3A_2016] : memref<48x8x128xf32, #tpu.memory_space<vmem>>, vector<1x8x128xf32>
      %get3A_2018 = vector.shape_cast %get3A_2017 : vector<1x8x128xf32> to vector<8x128xf32>
      %mul3A_2019 = vector.broadcast %slice3A_2013 : vector<8x1xf32> to vector<8x128xf32>
      %mul3A_2020 = arith.mulf %mul3A_2019, %get3A_2018 : vector<8x128xf32>
      %add3A_2021 = arith.addf %add3A_2012, %mul3A_2020 : vector<8x128xf32>
      %concatenate3A_2022 = tpu.concatenate %add3A_1482, %scan3A_331, %add3A_2021 in 1 : vector<8x128xf32>, vector<8x128xf32>, vector<8x128xf32> -> vector<8x384xf32>
      %convert_element_type3A_2023 = arith.truncf %concatenate3A_2022 : vector<8x384xf32> to vector<8x384xbf16>
      %get3A_2024 = arith.constant 2 : index
      %get3A_2025 = arith.constant 0 : index
      %get3A_2026 = arith.constant 0 : index
      %get3A_2027 = vector.load %arg30[%get3A_2024, %get3A_2025, %get3A_2026] : memref<3x384x128xbf16, #tpu.memory_space<vmem>>, vector<1x384x128xbf16>
      %get3A_2028 = vector.shape_cast %get3A_2027 : vector<1x384x128xbf16> to vector<384x128xbf16>
      %dot_general3A_2029 = arith.constant dense<0.000000e+00> : vector<8x128xf32>
      %dot_general3A_2030 = tpu.matmul %convert_element_type3A_2023, %get3A_2028, %dot_general3A_2029 {dimension_numbers = #tpu.dot_dimension_numbers<[1], [0], [0], [1], [0, 0, 1, 1], [], []>, transpose_lhs_hint = false} : vector<8x384xbf16>, vector<384x128xbf16>, vector<8x128xf32> -> vector<8x128xf32>
      %get3A_2031 = arith.constant 2 : index
      %get3A_2032 = arith.constant 0 : index
      %get3A_2033 = arith.constant 0 : index
      %get3A_2034 = vector.load %arg6[%get3A_2031, %get3A_2032, %get3A_2033] : memref<3x1x128xf32, #tpu.memory_space<vmem>>, vector<1x1x128xf32>
      %get3A_2035 = vector.shape_cast %get3A_2034 : vector<1x1x128xf32> to vector<1x128xf32>
      %add3A_2036 = vector.broadcast %get3A_2035 : vector<1x128xf32> to vector<8x128xf32>
      %add3A_2037 = arith.addf %dot_general3A_2030, %add3A_2036 : vector<8x128xf32>
      %logistic3A_2038 = arith.negf %add3A_2037 : vector<8x128xf32>
      %logistic3A_2039 = math.exp %logistic3A_2038 : vector<8x128xf32>
      %logistic3A_2040 = arith.constant 1.000000e+00 : f32
      %logistic3A_2041 = vector.broadcast %logistic3A_2040 : f32 to vector<8x128xf32>
      %logistic3A_2042 = arith.addf %logistic3A_2041, %logistic3A_2039 : vector<8x128xf32>
      %logistic3A_2043 = arith.divf %logistic3A_2041, %logistic3A_2042 : vector<8x128xf32>
      %convert_element_type3A_2044 = arith.truncf %concatenate3A_2022 : vector<8x384xf32> to vector<8x384xbf16>
      %get3A_2045 = arith.constant 2 : index
      %get3A_2046 = arith.constant 0 : index
      %get3A_2047 = arith.constant 0 : index
      %get3A_2048 = vector.load %arg31[%get3A_2045, %get3A_2046, %get3A_2047] : memref<3x384x128xbf16, #tpu.memory_space<vmem>>, vector<1x384x128xbf16>
      %get3A_2049 = vector.shape_cast %get3A_2048 : vector<1x384x128xbf16> to vector<384x128xbf16>
      %dot_general3A_2050 = arith.constant dense<0.000000e+00> : vector<8x128xf32>
      %dot_general3A_2051 = tpu.matmul %convert_element_type3A_2044, %get3A_2049, %dot_general3A_2050 {dimension_numbers = #tpu.dot_dimension_numbers<[1], [0], [0], [1], [0, 0, 1, 1], [], []>, transpose_lhs_hint = false} : vector<8x384xbf16>, vector<384x128xbf16>, vector<8x128xf32> -> vector<8x128xf32>
      %get3A_2052 = arith.constant 2 : index
      %get3A_2053 = arith.constant 0 : index
      %get3A_2054 = arith.constant 0 : index
      %get3A_2055 = vector.load %arg8[%get3A_2052, %get3A_2053, %get3A_2054] : memref<3x1x128xf32, #tpu.memory_space<vmem>>, vector<1x1x128xf32>
      %get3A_2056 = vector.shape_cast %get3A_2055 : vector<1x1x128xf32> to vector<1x128xf32>
      %add3A_2057 = vector.broadcast %get3A_2056 : vector<1x128xf32> to vector<8x128xf32>
      %add3A_2058 = arith.addf %dot_general3A_2051, %add3A_2057 : vector<8x128xf32>
      %tanh3A_2059 = math.tanh %add3A_2058 : vector<8x128xf32>
      %sub3A_2060 = arith.constant 1.000000e+00 : f32
      %sub3A_2061 = vector.broadcast %sub3A_2060 : f32 to vector<8x128xf32>
      %sub3A_2062 = arith.subf %sub3A_2061, %logistic3A_2043 : vector<8x128xf32>
      %mul3A_2063 = arith.mulf %sub3A_2062, %scan3A_331 : vector<8x128xf32>
      %mul3A_2064 = arith.mulf %logistic3A_2043, %tanh3A_2059 : vector<8x128xf32>
      %add3A_2065 = arith.addf %mul3A_2063, %mul3A_2064 : vector<8x128xf32>
      %concatenate3A_2066 = tpu.concatenate %add3A_1482, %add3A_2065 in 1 : vector<8x128xf32>, vector<8x128xf32> -> vector<8x256xf32>
      %convert_element_type3A_2067 = arith.truncf %concatenate3A_2066 : vector<8x256xf32> to vector<8x256xbf16>
      %get3A_2068 = arith.constant 2 : index
      %get3A_2069 = arith.constant 0 : index
      %get3A_2070 = arith.constant 0 : index
      %get3A_2071 = vector.load %arg32[%get3A_2068, %get3A_2069, %get3A_2070] : memref<3x256x128xbf16, #tpu.memory_space<vmem>>, vector<1x256x128xbf16>
      %get3A_2072 = vector.shape_cast %get3A_2071 : vector<1x256x128xbf16> to vector<256x128xbf16>
      %dot_general3A_2073 = arith.constant dense<0.000000e+00> : vector<8x128xf32>
      %dot_general3A_2074 = tpu.matmul %convert_element_type3A_2067, %get3A_2072, %dot_general3A_2073 {dimension_numbers = #tpu.dot_dimension_numbers<[1], [0], [0], [1], [0, 0, 1, 1], [], []>, transpose_lhs_hint = false} : vector<8x256xbf16>, vector<256x128xbf16>, vector<8x128xf32> -> vector<8x128xf32>
      %get3A_2075 = arith.constant 2 : index
      %get3A_2076 = arith.constant 0 : index
      %get3A_2077 = arith.constant 0 : index
      %get3A_2078 = vector.load %arg10[%get3A_2075, %get3A_2076, %get3A_2077] : memref<3x1x128xf32, #tpu.memory_space<vmem>>, vector<1x1x128xf32>
      %get3A_2079 = vector.shape_cast %get3A_2078 : vector<1x1x128xf32> to vector<1x128xf32>
      %add3A_2080 = vector.broadcast %get3A_2079 : vector<1x128xf32> to vector<8x128xf32>
      %add3A_2081 = arith.addf %dot_general3A_2074, %add3A_2080 : vector<8x128xf32>
      %add3A_2082 = arith.addf %add3A_2081, %add3A_1482 : vector<8x128xf32>
      %get3A_2083 = arith.constant 2 : index
      %get3A_2084 = arith.constant 0 : index
      %get3A_2085 = arith.constant 0 : index
      %get3A_2086 = vector.load %arg11[%get3A_2083, %get3A_2084, %get3A_2085] : memref<3x1x128xf32, #tpu.memory_space<vmem>>, vector<1x1x128xf32>
      %get3A_2087 = vector.shape_cast %get3A_2086 : vector<1x1x128xf32> to vector<1x128xf32>
      %get3A_2088 = arith.constant 2 : index
      %get3A_2089 = arith.constant 0 : index
      %get3A_2090 = arith.constant 0 : index
      %get3A_2091 = vector.load %arg12[%get3A_2088, %get3A_2089, %get3A_2090] : memref<3x1x128xf32, #tpu.memory_space<vmem>>, vector<1x1x128xf32>
      %get3A_2092 = vector.shape_cast %get3A_2091 : vector<1x1x128xf32> to vector<1x128xf32>
      %reduce_sum3A_2093 = arith.constant dense<0.000000e+00> : vector<8xf32>
      %reduce_sum3A_2094 = vector.multi_reduction <add>, %add3A_2082, %reduce_sum3A_2093 [1] : vector<8x128xf32> to vector<8xf32>
      %broadcast_in_dim3A_2095 = vector.shape_cast %reduce_sum3A_2094 : vector<8xf32> to vector<8x1xf32>
      %div3A_2096 = arith.constant 1.280000e+02 : f32
      %div3A_2097 = vector.broadcast %div3A_2096 : f32 to vector<8x1xf32>
      %div3A_2098 = arith.divf %broadcast_in_dim3A_2095, %div3A_2097 : vector<8x1xf32>
      %sub3A_2099 = vector.broadcast %div3A_2098 : vector<8x1xf32> to vector<8x128xf32>
      %sub3A_2100 = arith.subf %add3A_2082, %sub3A_2099 : vector<8x128xf32>
      %mul3A_2101 = arith.mulf %sub3A_2100, %sub3A_2100 : vector<8x128xf32>
      %reduce_sum3A_2102 = arith.constant dense<0.000000e+00> : vector<8xf32>
      %reduce_sum3A_2103 = vector.multi_reduction <add>, %mul3A_2101, %reduce_sum3A_2102 [1] : vector<8x128xf32> to vector<8xf32>
      %broadcast_in_dim3A_2104 = vector.shape_cast %reduce_sum3A_2103 : vector<8xf32> to vector<8x1xf32>
      %div3A_2105 = arith.constant 1.280000e+02 : f32
      %div3A_2106 = vector.broadcast %div3A_2105 : f32 to vector<8x1xf32>
      %div3A_2107 = arith.divf %broadcast_in_dim3A_2104, %div3A_2106 : vector<8x1xf32>
      %add3A_2108 = arith.constant 9.99999974E-6 : f32
      %add3A_2109 = vector.broadcast %add3A_2108 : f32 to vector<8x1xf32>
      %add3A_2110 = arith.addf %div3A_2107, %add3A_2109 : vector<8x1xf32>
      %sqrt3A_2111 = math.sqrt %add3A_2110 : vector<8x1xf32>
      %div3A_2112 = vector.broadcast %sqrt3A_2111 : vector<8x1xf32> to vector<8x128xf32>
      %div3A_2113 = arith.divf %sub3A_2100, %div3A_2112 : vector<8x128xf32>
      %mul3A_2114 = vector.broadcast %get3A_2087 : vector<1x128xf32> to vector<8x128xf32>
      %mul3A_2115 = arith.mulf %div3A_2113, %mul3A_2114 : vector<8x128xf32>
      %add3A_2116 = vector.broadcast %get3A_2092 : vector<1x128xf32> to vector<8x128xf32>
      %add3A_2117 = arith.addf %mul3A_2115, %add3A_2116 : vector<8x128xf32>
      %convert_element_type3A_2118 = arith.truncf %add3A_2117 : vector<8x128xf32> to vector<8x128xbf16>
      %convert_element_type3A_2119 = arith.extf %convert_element_type3A_2118 : vector<8x128xbf16> to vector<8x128xf32>
      %get3A_2120 = arith.constant 2 : index
      %get3A_2121 = arith.constant 0 : index
      %get3A_2122 = arith.constant 0 : index
      %get3A_2123 = vector.load %arg17[%get3A_2120, %get3A_2121, %get3A_2122] : memref<3x1x128xf32, #tpu.memory_space<vmem>>, vector<1x1x128xf32>
      %get3A_2124 = vector.shape_cast %get3A_2123 : vector<1x1x128xf32> to vector<1x128xf32>
      %convert_element_type3A_2125 = arith.truncf %get3A_2124 : vector<1x128xf32> to vector<1x128xbf16>
      %convert_element_type3A_2126 = arith.extf %convert_element_type3A_2125 : vector<1x128xbf16> to vector<1x128xf32>
      %mul3A_2127 = vector.broadcast %convert_element_type3A_2126 : vector<1x128xf32> to vector<8x128xf32>
      %mul3A_2128 = arith.mulf %convert_element_type3A_2119, %mul3A_2127 : vector<8x128xf32>
      %reduce_sum3A_2129 = arith.constant dense<0.000000e+00> : vector<8xf32>
      %reduce_sum3A_2130 = vector.multi_reduction <add>, %mul3A_2128, %reduce_sum3A_2129 [1] : vector<8x128xf32> to vector<8xf32>
      %broadcast_in_dim3A_2131 = vector.shape_cast %reduce_sum3A_2130 : vector<8xf32> to vector<8x1xf32>
      %get3A_2132 = arith.constant 2 : index
      %get3A_2133 = arith.constant 0 : index
      %get3A_2134 = arith.constant 0 : index
      %get3A_2135 = vector.load %arg18[%get3A_2132, %get3A_2133, %get3A_2134] : memref<3x1x1xf32, #tpu.memory_space<vmem>>, vector<1x1x1xf32>
      %get3A_2136 = vector.shape_cast %get3A_2135 : vector<1x1x1xf32> to vector<1x1xf32>
      %add3A_2137 = vector.broadcast %get3A_2136 : vector<1x1xf32> to vector<8x1xf32>
      %add3A_2138 = arith.addf %broadcast_in_dim3A_2131, %add3A_2137 : vector<8x1xf32>
      %logistic3A_2139 = arith.negf %add3A_2138 : vector<8x1xf32>
      %logistic3A_2140 = math.exp %logistic3A_2139 : vector<8x1xf32>
      %logistic3A_2141 = arith.constant 1.000000e+00 : f32
      %logistic3A_2142 = vector.broadcast %logistic3A_2141 : f32 to vector<8x1xf32>
      %logistic3A_2143 = arith.addf %logistic3A_2142, %logistic3A_2140 : vector<8x1xf32>
      %logistic3A_2144 = arith.divf %logistic3A_2142, %logistic3A_2143 : vector<8x1xf32>
      %convert_element_type3A_2145 = arith.truncf %add3A_2117 : vector<8x128xf32> to vector<8x128xbf16>
      %get3A_2146 = arith.constant 2 : index
      %get3A_2147 = arith.constant 0 : index
      %get3A_2148 = arith.constant 0 : index
      %get3A_2149 = vector.load %arg33[%get3A_2146, %get3A_2147, %get3A_2148] : memref<3x128x128xbf16, #tpu.memory_space<vmem>>, vector<1x128x128xbf16>
      %get3A_2150 = vector.shape_cast %get3A_2149 : vector<1x128x128xbf16> to vector<128x128xbf16>
      %dot_general3A_2151 = arith.constant dense<0.000000e+00> : vector<8x128xf32>
      %dot_general3A_2152 = tpu.matmul %convert_element_type3A_2145, %get3A_2150, %dot_general3A_2151 {dimension_numbers = #tpu.dot_dimension_numbers<[1], [0], [0], [1], [0, 0, 1, 1], [], []>, transpose_lhs_hint = false} : vector<8x128xbf16>, vector<128x128xbf16>, vector<8x128xf32> -> vector<8x128xf32>
      %get3A_2153 = arith.constant 2 : index
      %get3A_2154 = arith.constant 0 : index
      %get3A_2155 = arith.constant 0 : index
      %get3A_2156 = vector.load %arg14[%get3A_2153, %get3A_2154, %get3A_2155] : memref<3x1x128xf32, #tpu.memory_space<vmem>>, vector<1x1x128xf32>
      %get3A_2157 = vector.shape_cast %get3A_2156 : vector<1x1x128xf32> to vector<1x128xf32>
      %add3A_2158 = vector.broadcast %get3A_2157 : vector<1x128xf32> to vector<8x128xf32>
      %add3A_2159 = arith.addf %dot_general3A_2152, %add3A_2158 : vector<8x128xf32>
      %tanh3A_2160 = math.tanh %add3A_2159 : vector<8x128xf32>
      %get3A_2161 = arith.constant 2 : index
      %get3A_2162 = arith.constant 0 : index
      %get3A_2163 = arith.constant 0 : index
      %get3A_2164 = vector.load %arg34[%get3A_2161, %get3A_2162, %get3A_2163] : memref<3x128x128xbf16, #tpu.memory_space<vmem>>, vector<1x128x128xbf16>
      %get3A_2165 = vector.shape_cast %get3A_2164 : vector<1x128x128xbf16> to vector<128x128xbf16>
      %dot_general3A_2166 = arith.constant dense<0.000000e+00> : vector<8x128xf32>
      %dot_general3A_2167 = tpu.matmul %convert_element_type3A_2145, %get3A_2165, %dot_general3A_2166 {dimension_numbers = #tpu.dot_dimension_numbers<[1], [0], [0], [1], [0, 0, 1, 1], [], []>, transpose_lhs_hint = false} : vector<8x128xbf16>, vector<128x128xbf16>, vector<8x128xf32> -> vector<8x128xf32>
      %get3A_2168 = arith.constant 2 : index
      %get3A_2169 = arith.constant 0 : index
      %get3A_2170 = arith.constant 0 : index
      %get3A_2171 = vector.load %arg16[%get3A_2168, %get3A_2169, %get3A_2170] : memref<3x1x128xf32, #tpu.memory_space<vmem>>, vector<1x1x128xf32>
      %get3A_2172 = vector.shape_cast %get3A_2171 : vector<1x1x128xf32> to vector<1x128xf32>
      %add3A_2173 = vector.broadcast %get3A_2172 : vector<1x128xf32> to vector<8x128xf32>
      %add3A_2174 = arith.addf %dot_general3A_2167, %add3A_2173 : vector<8x128xf32>
      %tanh3A_2175 = math.tanh %add3A_2174 : vector<8x128xf32>
      %add3A_2176 = arith.constant 32 : i32
      %add3A_2177 = arith.addi %add3A_2176, %rem3A_336 : i32
      %get3A_2178 = arith.index_cast %add3A_2177 : i32 to index
      %get3A_2179 = arith.constant 0 : index
      %get3A_2180 = arith.constant 0 : index
      %get3A_2181 = vector.load %arg26[%get3A_2178, %get3A_2179, %get3A_2180] : memref<48x8x128xf32, #tpu.memory_space<vmem>>, vector<1x8x128xf32>
      %squeeze3A_2182 = vector.shape_cast %get3A_2181 : vector<1x8x128xf32> to vector<8x128xf32>
      %get3A_2183 = arith.index_cast %add3A_2177 : i32 to index
      %get3A_2184 = arith.constant 0 : index
      %get3A_2185 = arith.constant 0 : index
      %get3A_2186 = vector.load %arg27[%get3A_2183, %get3A_2184, %get3A_2185] : memref<48x8x128xf32, #tpu.memory_space<vmem>>, vector<1x8x128xf32>
      %squeeze3A_2187 = vector.shape_cast %get3A_2186 : vector<1x8x128xf32> to vector<8x128xf32>
      %sub3A_2188 = arith.constant 1.000000e+00 : f32
      %sub3A_2189 = vector.broadcast %sub3A_2188 : f32 to vector<8x1xf32>
      %sub3A_2190 = arith.subf %sub3A_2189, %logistic3A_2144 : vector<8x1xf32>
      %mul3A_2191 = vector.broadcast %sub3A_2190 : vector<8x1xf32> to vector<8x128xf32>
      %mul3A_2192 = arith.mulf %squeeze3A_2182, %mul3A_2191 : vector<8x128xf32>
      %mul3A_2193 = vector.broadcast %logistic3A_2144 : vector<8x1xf32> to vector<8x128xf32>
      %mul3A_2194 = arith.mulf %tanh3A_2160, %mul3A_2193 : vector<8x128xf32>
      %add3A_2195 = arith.addf %mul3A_2192, %mul3A_2194 : vector<8x128xf32>
      %broadcast_in_dim3A_2196 = vector.shape_cast %add3A_2195 : vector<8x128xf32> to vector<1x8x128xf32>
      %swap3A_2197 = arith.index_cast %add3A_2177 : i32 to index
      %swap3A_2198 = arith.constant 0 : index
      %swap3A_2199 = arith.constant 0 : index
      %swap3A_2200 = vector.load %arg26[%swap3A_2197, %swap3A_2198, %swap3A_2199] : memref<48x8x128xf32, #tpu.memory_space<vmem>>, vector<1x8x128xf32>
      tpu.vector_store %arg26[%swap3A_2197, %swap3A_2198, %swap3A_2199], %broadcast_in_dim3A_2196 {strides = array<i32>} : memref<48x8x128xf32, #tpu.memory_space<vmem>>, vector<1x8x128xf32>,
      %sub3A_2201 = arith.constant 1.000000e+00 : f32
      %sub3A_2202 = vector.broadcast %sub3A_2201 : f32 to vector<8x1xf32>
      %sub3A_2203 = arith.subf %sub3A_2202, %logistic3A_2144 : vector<8x1xf32>
      %mul3A_2204 = vector.broadcast %sub3A_2203 : vector<8x1xf32> to vector<8x128xf32>
      %mul3A_2205 = arith.mulf %squeeze3A_2187, %mul3A_2204 : vector<8x128xf32>
      %mul3A_2206 = vector.broadcast %logistic3A_2144 : vector<8x1xf32> to vector<8x128xf32>
      %mul3A_2207 = arith.mulf %tanh3A_2175, %mul3A_2206 : vector<8x128xf32>
      %add3A_2208 = arith.addf %mul3A_2205, %mul3A_2207 : vector<8x128xf32>
      %broadcast_in_dim3A_2209 = vector.shape_cast %add3A_2208 : vector<8x128xf32> to vector<1x8x128xf32>
      %swap3A_2210 = arith.index_cast %add3A_2177 : i32 to index
      %swap3A_2211 = arith.constant 0 : index
      %swap3A_2212 = arith.constant 0 : index
      %swap3A_2213 = vector.load %arg27[%swap3A_2210, %swap3A_2211, %swap3A_2212] : memref<48x8x128xf32, #tpu.memory_space<vmem>>, vector<1x8x128xf32>
      tpu.vector_store %arg27[%swap3A_2210, %swap3A_2211, %swap3A_2212], %broadcast_in_dim3A_2209 {strides = array<i32>} : memref<48x8x128xf32, #tpu.memory_space<vmem>>, vector<1x8x128xf32>,
      %mul3A_2214 = arith.mulf %add3A_2195, %add3A_2195 : vector<8x128xf32>
      %reduce_sum3A_2215 = arith.constant dense<0.000000e+00> : vector<8xf32>
      %reduce_sum3A_2216 = vector.multi_reduction <add>, %mul3A_2214, %reduce_sum3A_2215 [1] : vector<8x128xf32> to vector<8xf32>
      %broadcast_in_dim3A_2217 = vector.shape_cast %reduce_sum3A_2216 : vector<8xf32> to vector<8x1xf32>
      %sqrt3A_2218 = math.sqrt %broadcast_in_dim3A_2217 : vector<8x1xf32>
      %max3A_2219 = arith.constant 9.99999997E-7 : f32
      %max3A_2220 = vector.broadcast %max3A_2219 : f32 to vector<8x1xf32>
      %max3A_2221 = arith.maximumf %sqrt3A_2218, %max3A_2220 : vector<8x1xf32>
      %div3A_2222 = vector.broadcast %max3A_2221 : vector<8x1xf32> to vector<8x128xf32>
      %div3A_2223 = arith.divf %add3A_2195, %div3A_2222 : vector<8x128xf32>
      %convert_element_type3A_2224 = arith.truncf %div3A_2223 : vector<8x128xf32> to vector<8x128xbf16>
      %convert_element_type3A_2225 = arith.extf %convert_element_type3A_2224 : vector<8x128xbf16> to vector<8x128xf32>
      %broadcast_in_dim3A_2226 = vector.shape_cast %convert_element_type3A_2225 : vector<8x128xf32> to vector<1x8x128xf32>
      %swap3A_2227 = arith.index_cast %add3A_2177 : i32 to index
      %swap3A_2228 = arith.constant 0 : index
      %swap3A_2229 = arith.constant 0 : index
      %swap3A_2230 = vector.load %arg28[%swap3A_2227, %swap3A_2228, %swap3A_2229] : memref<48x8x128xf32, #tpu.memory_space<vmem>>, vector<1x8x128xf32>
      tpu.vector_store %arg28[%swap3A_2227, %swap3A_2228, %swap3A_2229], %broadcast_in_dim3A_2226 {strides = array<i32>} : memref<48x8x128xf32, #tpu.memory_space<vmem>>, vector<1x8x128xf32>,
      %get3A_2231 = arith.constant 0 : index
      %get3A_2232 = arith.constant 0 : index
      %get3A_2233 = vector.load %arg21[%get3A_2231, %get3A_2232] : memref<1x128xf32, #tpu.memory_space<vmem>>, vector<1x128xf32>
      %get3A_2234 = arith.constant 0 : index
      %get3A_2235 = arith.constant 0 : index
      %get3A_2236 = vector.load %arg22[%get3A_2234, %get3A_2235] : memref<1x128xf32, #tpu.memory_space<vmem>>, vector<1x128xf32>
      %reduce_sum3A_2237 = arith.constant dense<0.000000e+00> : vector<8xf32>
      %reduce_sum3A_2238 = vector.multi_reduction <add>, %add3A_2117, %reduce_sum3A_2237 [1] : vector<8x128xf32> to vector<8xf32>
      %broadcast_in_dim3A_2239 = vector.shape_cast %reduce_sum3A_2238 : vector<8xf32> to vector<8x1xf32>
      %div3A_2240 = arith.constant 1.280000e+02 : f32
      %div3A_2241 = vector.broadcast %div3A_2240 : f32 to vector<8x1xf32>
      %div3A_2242 = arith.divf %broadcast_in_dim3A_2239, %div3A_2241 : vector<8x1xf32>
      %sub3A_2243 = vector.broadcast %div3A_2242 : vector<8x1xf32> to vector<8x128xf32>
      %sub3A_2244 = arith.subf %add3A_2117, %sub3A_2243 : vector<8x128xf32>
      %mul3A_2245 = arith.mulf %sub3A_2244, %sub3A_2244 : vector<8x128xf32>
      %reduce_sum3A_2246 = arith.constant dense<0.000000e+00> : vector<8xf32>
      %reduce_sum3A_2247 = vector.multi_reduction <add>, %mul3A_2245, %reduce_sum3A_2246 [1] : vector<8x128xf32> to vector<8xf32>
      %broadcast_in_dim3A_2248 = vector.shape_cast %reduce_sum3A_2247 : vector<8xf32> to vector<8x1xf32>
      %div3A_2249 = arith.constant 1.280000e+02 : f32
      %div3A_2250 = vector.broadcast %div3A_2249 : f32 to vector<8x1xf32>
      %div3A_2251 = arith.divf %broadcast_in_dim3A_2248, %div3A_2250 : vector<8x1xf32>
      %add3A_2252 = arith.constant 9.99999974E-6 : f32
      %add3A_2253 = vector.broadcast %add3A_2252 : f32 to vector<8x1xf32>
      %add3A_2254 = arith.addf %div3A_2251, %add3A_2253 : vector<8x1xf32>
      %sqrt3A_2255 = math.sqrt %add3A_2254 : vector<8x1xf32>
      %div3A_2256 = vector.broadcast %sqrt3A_2255 : vector<8x1xf32> to vector<8x128xf32>
      %div3A_2257 = arith.divf %sub3A_2244, %div3A_2256 : vector<8x128xf32>
      %mul3A_2258 = vector.broadcast %get3A_2233 : vector<1x128xf32> to vector<8x128xf32>
      %mul3A_2259 = arith.mulf %div3A_2257, %mul3A_2258 : vector<8x128xf32>
      %add3A_2260 = vector.broadcast %get3A_2236 : vector<1x128xf32> to vector<8x128xf32>
      %add3A_2261 = arith.addf %mul3A_2259, %add3A_2260 : vector<8x128xf32>
      %broadcast_in_dim3A_2262 = vector.shape_cast %add3A_2261 : vector<8x128xf32> to vector<1x8x128xf32>
      %swap3A_2263 = arith.index_cast %scan3A_328 : i32 to index
      %swap3A_2264 = arith.constant 0 : index
      %swap3A_2265 = arith.constant 0 : index
      %swap3A_2266 = vector.load %arg23[%swap3A_2263, %swap3A_2264, %swap3A_2265] : memref<128x8x128xf32, #tpu.memory_space<vmem>>, vector<1x8x128xf32>
      tpu.vector_store %arg23[%swap3A_2263, %swap3A_2264, %swap3A_2265], %broadcast_in_dim3A_2262 {strides = array<i32>} : memref<128x8x128xf32, #tpu.memory_space<vmem>>, vector<1x8x128xf32>,
      scf.yield %add3A_847, %add3A_1482, %add3A_2117 : vector<8x128xf32>, vector<8x128xf32>, vector<8x128xf32>
    }
    %scan3A_327 = arith.constant 128 : i32
    return
  }
}

</mosaic_0001>

<sc_bundles>
// kernel: kernel.4.cloned.1.call-start
scs
__scs_entry_jumppad:
0x0: {  	(pc) =	sbr.rel $0x88, $3  }
0x1: {  	(tag) =	ssettag $0x0;
	lr =	simm.s32 $0x1  }
0x2: {  	[smem:$0x3F89] =	sst lr;
	_ =	strace $0xD0000000  }
0x3: {  	_ = 	snop  }
0x4: {  	_ = 	snop  }
0x5: {  	_ = 	snop  }
0x6: {  	_ = 	snop  }
0x7: {  	_ = 	snop  }
__scs_overlays_trampoline_lowered:
0x8: {  	[smem:$0x3F98] =	sst s0  }
0x9: {  	[smem:$0x3F99] =	sst s1  }
0xa: {  	[smem:$0x3F9A] =	sst s2  }
0xb: {  	[smem:$0x3F9B] =	sst s3  }
0xc: {  	[smem:$0x3F9C] =	sst s4  }
0xd: {  	[smem:$0x3F9D] =	sst s5  }
0xe: {  	[smem:$0x3F9E] =	sst s6  }
0xf: {  	[smem:$0x3F9F] =	sst s7  }
0x10: {  	[smem:$0x3FA0] =	sst s8  }
0x11: {  	[smem:$0x3FA1] =	sst s9;
	s0 =	simm.s32 @!p0 $0x0  }
0x12: {  	s1 =	sld [smem:$0x3F87];
	s0 =	simm.s32 @p0 $0x1  }
0x13: {  	[smem:$0x3FA2] =	sst s0;
	s0 =	simm.s32 @!p1 $0x0  }
0x14: {  	s2 =	sld [smem:$0x3F86];
	s0 =	simm.s32 @p1 $0x1  }
0x15: {  	[smem:$0x3FA3] =	sst s0;
	s0 =	simm.s32 @!p2 $0x0  }
0x16: {  	s3 =	sld [smem:$0x3FDB];
	s0 =	simm.s32 @p2 $0x1  }
0x17: {  	s4 =	simm.s32 $0x1BF5;
	[smem:$0x3FA5] =	sst s0  }
0x18: {  	s0 =	sld [smem:$0x3F88];
	_ =	swait.ge [sflag:s4], $0x0  }
0x19: {  	s7 =	sld [smem:$0x3F89]  }
0x1a: {  	s8 =	sadd.s32 $0xFFFFE003, lr  }
0x1b: {  	s9 =	sadd.s32 $0xFFFFFEF7, lr;
	s5 =	simm.s32 $0xFFFFFFFF;
	p2 =	slt.u32 s8, $0xFFFFF086  }
0x1c: {  	p1 =	slt.u32 s9, $0xF7A;
	s5 =	simm.s32 @!p2 $0x0  }
0x1d: {  	s5 =	simm.s32 @p1 $0x1;
	p0 =	seq.s32 s7, s2  }
0x1e: {  	s7 =	smul.u32 @!p0 $0xF7A, s2;
	p2 =	seq.s32 @!p0 s5, $0x0  }
0x1f: {  	s9 =	smul.u32 $0xF7A, s1;
	s8 =	simm.s32 @!p0 $0x1BF5;
	p2 =	por !p2, p0  }
0x20: {  	[sflag:s8] =	ssyncset.s32 @!p0 $0xFFFFF086;
	s6 =	sadd.s32 @!p0 s3, s7;
	s7 =	simm.s32 @!p0 $0x108  }
0x21: {  	s3 =	sadd.s32 s3, s9;
	s6 =	sadd.s32 @!p0 $0x88, s6;
	s7 =	simm.s32 @p2 $0x1082  }
0x22: {  	[simem:s7], [sflag:s8] =	dma.local @!p0 [hbm:s6], $0xF7A  }
0x23: {  	s9 =	sor.u32 $0xD0000000, s2;
	s6 =	simm.s32 $0x108;
	_ =	swait.ge @!p0 [sflag:s8], $0x0  }
0x24: {  	s3 =	sadd.s32 $0x88, s3;
	s6 =	simm.s32 @!p1 $0x1082;
	[sflag:s4] =	ssyncset.s32 $0xFFFFF086  }
0x25: {  	[simem:s6], [sflag:s4] =	dma.local [hbm:s3], $0xF7A  }
0x26: {  	[smem:$0x3F89] =	sst s1;
	(tag) =	ssettag s2;
	_ =	strace s9  }
0x27: {  	s1 =	sld [smem:$0x3F99]  }
0x28: {  	s2 =	sld [smem:$0x3F9A]  }
0x29: {  	s4 =	sld [smem:$0x3F9C]  }
0x2a: {  	p0 =	seq.s32 s5, $0x0;
	s5 =	sld [smem:$0x3F9D]  }
0x2b: {  	s6 =	sld [smem:$0x3F9E]  }
0x2c: {  	s7 =	sld [smem:$0x3F9F]  }
0x2d: {  	s3 =	simm.s32 $0x108;
	s8 =	sld [smem:$0x3FA0]  }
0x2e: {  	s3 =	simm.s32 @!p0 $0x1082;
	s9 =	sld [smem:$0x3FA1]  }
0x2f: {  	lr =	sadd.s32 s0, s3;
	s0 =	sld [smem:$0x3F98]  }
0x30: {  	s3 =	sld [smem:$0x3F9B]  }
0x31: {  	[smem:$0x3FA4] =	sst s10  }
0x32: {  	s10 =	sld [smem:$0x3FA2];
	_ =	sdelay $0x3  }
0x33: {  	p0 =	seq.s32 s10, $0x1;
	s10 =	sld [smem:$0x3FA4];
	_ =	sdelay $0x3  }
0x34: {  	[smem:$0x3FA4] =	sst s10  }
0x35: {  	s10 =	sld [smem:$0x3FA3];
	_ =	sdelay $0x3  }
0x36: {  	p1 =	seq.s32 s10, $0x1;
	s10 =	sld [smem:$0x3FA4];
	_ =	sdelay $0x3  }
0x37: {  	[smem:$0x3FA4] =	sst s10  }
0x38: {  	s10 =	sld [smem:$0x3FA5]  }
0x39: {  	_ = 	snop;
	(pc) =	sbr.ind lr, $3  }
0x3a: {  	_ = 	snop  }
0x3b: {  	_ = 	snop  }
0x3c: {  	p2 =	seq.s32 s10, $0x1;
	s10 =	sld [smem:$0x3FA4]  }
0x3d: {  	_ =	shalt  }
0x3e: {  	_ =	shalt  }
0x3f: {  	_ =	shalt  }
0x40: {  	_ =	shalt  }
0x41: {  	_ =	shalt  }
0x42: {  	_ =	shalt  }
0x43: {  	_ =	shalt  }
0x44: {  	_ =	shalt  }
0x45: {  	_ =	shalt  }
0x46: {  	_ =	shalt  }
0x47: {  	_ =	shalt  }
0x48: {  	_ =	shalt  }
0x49: {  	_ =	shalt  }
0x4a: {  	_ =	shalt  }
0x4b: {  	_ =	shalt  }
0x4c: {  	_ =	shalt  }
0x4d: {  	_ =	shalt  }
0x4e: {  	_ =	shalt  }
0x4f: {  	_ =	shalt  }
0x50: {  	_ =	shalt  }
0x51: {  	_ =	shalt  }
0x52: {  	_ =	shalt  }
0x53: {  	_ =	shalt  }
0x54: {  	_ =	shalt  }
0x55: {  	_ =	shalt  }
0x56: {  	_ =	shalt  }
0x57: {  	_ =	shalt  }
0x58: {  	_ =	shalt  }
0x59: {  	_ =	shalt  }
0x5a: {  	_ =	shalt  }
0x5b: {  	_ =	shalt  }
0x5c: {  	_ =	shalt  }
0x5d: {  	_ =	shalt  }
0x5e: {  	_ =	shalt  }
0x5f: {  	_ =	shalt  }
0x60: {  	_ =	shalt  }
0x61: {  	_ =	shalt  }
0x62: {  	_ =	shalt  }
0x63: {  	_ =	shalt  }
0x64: {  	_ =	shalt  }
0x65: {  	_ =	shalt  }
0x66: {  	_ =	shalt  }
0x67: {  	_ =	shalt  }
0x68: {  	_ =	shalt  }
0x69: {  	_ =	shalt  }
0x6a: {  	_ =	shalt  }
0x6b: {  	_ =	shalt  }
0x6c: {  	_ =	shalt  }
0x6d: {  	_ =	shalt  }
0x6e: {  	_ =	shalt  }
0x6f: {  	_ =	shalt  }
0x70: {  	_ =	shalt  }
0x71: {  	_ =	shalt  }
0x72: {  	_ =	shalt  }
0x73: {  	_ =	shalt  }
0x74: {  	_ =	shalt  }
0x75: {  	_ =	shalt  }
0x76: {  	_ =	shalt  }
0x77: {  	_ =	shalt  }
0x78: {  	_ =	shalt  }
0x79: {  	_ =	shalt  }
0x7a: {  	_ =	shalt  }
0x7b: {  	_ =	shalt  }
0x7c: {  	_ =	shalt  }
0x7d: {  	_ =	shalt  }
0x7e: {  	_ =	shalt  }
0x7f: {  	_ =	shalt  }
0x80: {  	_ =	shalt  }
0x81: {  	_ =	shalt  }
0x82: {  	_ =	shalt  }
0x83: {  	_ =	shalt  }
0x84: {  	_ =	shalt  }
0x85: {  	_ =	shalt  }
0x86: {  	_ =	shalt  }
0x87: {  	_ =	shalt  }
.Lfunc_end0:
.L_simem_size_0:
called_computation_lowered:
.L_overlay_start_0:
0x88: {  	s2 =	sld [smem:$0x3FD9]  }
0x89: {  	s3 =	sld [smem:$0x3FFE];
	_ =	sdelay $0x1  }
0x8a: {  	s1 =	srdreg.scid  }
0x8b: {  	s0 =	sand.u32 $0x1, s1  }
0x8c: {  	s17 =	sshll.u32 s0, $0xA;
	s2 =	sadd.s32 s3, s2  }
0x8d: {  	s2 =	sadd.s32 s2, s17  }
0x8e: {  	[smem:$0x3FB0] =	sst s2  }
0x8f: {  	_ = 	snop  }
0x90: {  	s2 =	sld [smem:$0x3FD0];
	(tm) =	ssettm $0x1  }
0x91: {  	s18 =	sld [smem:$0x3FFB];
	_ =	sdelay $0x3  }
0x92: {  	_ =	strace s18  }
0x93: {  	s3 =	sld [smem:$0x3FFC];
	_ =	sdelay $0x3  }
0x94: {  	_ =	strace s3  }
0x95: {  	s3 =	sld [smem:$0x3FFD];
	_ =	sdelay $0x3  }
0x96: {  	_ =	strace s3  }
0x97: {  	_ =	strace $0x8FFFFFFF  }
0x98: {  	s19 =	sld [smem:$0x3FDB];
	_ =	sdelay $0x1  }
0x99: {  	s4 =	simm.s32 $_scs_section_size  }
0x9a: {  	s5 =	simm.s32 $_size__tile_overlayer_lowered;
	s6 =	simm.s32 $_tile_overlayer_lowered  }
0x9b: {  	s22 =	simm.s32 $0x1BFF;
	s21 =	sshll.u32 s6, $0x1;
	s3 =	sadd.s32 s4, s19  }
0x9c: {  	s7 =	simm.s32 $0x0;
	s20 =	sshll.u32 s5, $0x1;
	s5 =	sadd.s32 s21, s3  }
0x9d: {  	[timem:s7], [sflag:s22] =	dma.local [hbm:s5], s20  }
0x9e: {  	_ =	swait.ge [sflag:s22], s20  }
0x9f: {  	s4 =	ssub.s32 $0x0, s20;
	[sflag:s22] =	ssyncset.done $0x0  }
0xa0: {  	[sflag:s22] =	ssyncadd.s32 s4;
	_ =	sdelay $0x1  }
0xa1: {  	s23 =	simm.s32 $0x1B8B  }
0xa2: {  	_ =	swait.ge [sflag:s23], $0x1  }
0xa3: {  	[sflag:s23] =	ssyncset.done $0x0  }
0xa4: {  	s25 =	simm.s32 $0x1B8E;
	s24 =	sld [smem:$0x3FFE];
	[sflag:s23] =	ssyncadd.s32 $0xFFFFFFFF  }
0xa5: {  	s26 =	simm.s32 $execute0_lowered;
	[smem:$0x3FD2] =	sst s25  }
0xa6: {  	s5 =	sshll.u32 s26, $0x1;
	_ =	strace $0x80000046;
	[dreg:$0x1] =	wrdreg $0xFFFFFFFF  }
0xa7: {  	s28 =	simm.s32 $_size_execute0_lowered;
	s3 =	sadd.s32 s3, s5;
	[dreg:$0x0] =	wrdreg $0x0  }
0xa8: {  	s5 =	sshll.u32 s28, $0x1;
	[dreg:$0x2] =	wrdreg s3  }
0xa9: {  	[dreg:$0x3] =	wrdreg s5  }
0xaa: {  	[dreg:$0x4] =	wrdreg $0xC0  }
0xab: {  	_ =	task [dreg:s7], $0x5FFFF  }
0xac: {  	[dreg:$0x1] =	wrdreg $0xFFFFFFFF  }
0xad: {  	[dreg:$0x0] =	wrdreg $0x60  }
0xae: {  	[dreg:$0x2] =	wrdreg s24  }
0xaf: {  	[dreg:$0x3] =	wrdreg s2  }
0xb0: {  	[dreg:$0x4] =	wrdreg $0x9  }
0xb1: {  	_ =	task.clear_ibuf [dreg:s7], $0x5FFFF;
	_ =	strace $0x90000046  }
0xb2: {  	s29 =	simm.s32 $0x9;
	_ =	strace $0x80000048  }
0xb3: {  	_ =	swait.ge [sflag:s29], $0x1  }
0xb4: {  	[sflag:s29] =	ssyncadd.s32 $0xFFFFFFFF  }
0xb5: {  	_ =	strace $0x90000048  }
0xb6: {  	_ =	sfence  }
0xb7: {  	s30 =	sld [smem:$0x0];
	_ =	sdelay $0x2  }
0xb8: {  	s31 =	sshll.u32 s1, $0xD;
	s1 =	sshrl.u32 s1, $0x2  }
0xb9: {  	s3 =	sand.u32 $0x4000, s31;
	s1 =	sadd.s32 s1, s30  }
0xba: {  	s0 =	sor.u32 s3, s0;
	s1 =	sshll.u32 s1, $0x11  }
0xbb: {  	s0 =	sor.u32 s1, s0  }
0xbc: {  	s0 =	sadd.s32 $0x8F2B, s0  }
0xbd: {  	[sflag:s0] =	ssyncadd.remote.s32 $0x1  }
0xbe: {  	_ =	sfence.sel $0xFFFF  }
0xbf: {  	[dreg:$0x0] =	wrdreg $0xFFFFFFFF;
	(pc) =	sbr.abs _section_cstart, $3  }
0xc0: {  	[dreg:$0x1] =	wrdreg $0xFFFFFFFF  }
0xc1: {  	_ =	task.clear_ibuf [dreg:s7], $0x2FFFF;
	_ =	strace $0x9FFFFFFF  }
0xc2: {  	(tm) =	ssettm $0x7FFFFFFF  }
0xc3: {  	_ =	shalt  }
tec
execute0_lowered:
.L_overlay_start_1:
0x0: {  	(tag) =	ssettag $0x1  }
0x1: {  	s1 =	srdreg.scid  }
0x2: {  	s0 =	stileid.u32;
	s6 =	sand.u32 $0x1, s1  }
0x3: {  	s5 =	rddreg [dreg:$0x0];
	s30 =	sshll.u32 s0, $0x6;
	s2 =	sshll.u32 s6, $0x5  }
0x4: {  	s9 =	rddreg [dreg:$0x1];
	s7 =	simm.s32 $0x80;
	s10 =	sor.u32 s2, s30  }
0x5: {  	s1 =	rddreg [dreg:$0x2];
	s2 =	simm.s32 $0x0;
	s3 =	sshrl.u32 s10, $0x3  }
0x6: {  	s11 =	ssub.s32 $0x2, s6;
	[smem:$0x7FF] =	sst s2;
	s3 =	sadd.s32 s3, s5  }
0x7: {  	_ =	strace $0x80000047;
	s4 =	sadd.s32 $0x189E00, s3;
	s3 =	simm.s32 $0x2  }
0x8: {  	[tilespmem:s2], [sflag:$0x2] =	stream.linear.gather [hbm4b:s4+s2], $0x20, $0x38;
	[tilespmem:$0x1080] =	vst v63  }
0x9: {  	s8 =	simm.s32 $0x1;
	s12 =	sshrl.u32 s11, $0x1;
	_ =	swait.ge [sflag:s3], $0x20  }
0xa: {  	s6 =	simm.s32 $0x20;
	s11 =	ssub.s32 s11, s12;
	[sflag:s3] =	ssyncset.done $0x0  }
0xb: {  	s5 =	sadd.s32 $0x18A000, s5;
	s31 =	smax.u32 s11, $0x1;
	[sflag:s3] =	ssyncadd.s32 $0xFFFFFFE0  }
0xc: {  	[tilespmem:s7], [sflag:$0x1] =	stream.indirect.gather [hbm4b:s5+s6], $0x80, s2, s6, $0xb8;
	[tilespmem:$0x1080] =	vst v63  }
0xd: {  	p0 =	sne.s32 s31, $0x1;
	_ =	swait.ge [sflag:s8], $0x1000  }
.Ltmp0:
0xe: {  	s10 =	sshll.u32 s10, $0x4;
	[sflag:s8] =	ssyncset.done $0x0;
	(pc) =	sbr.rel @!p0 .LBB2_2-.Ltmp0, $4  }
0xf: {  	s9 =	sadd.s32 s9, s10;
	[sflag:s8] =	ssyncadd.s32 $0xFFFFF000  }
0x10: {  	[hbm4b:s9+s2] =	stream.linear.scatter [tilespmem:s7], [sflag:$0x2], $0x1000, $0x38;
	[tilespmem:$0x1080] =	vst v63  }
0x11: {  	_ =	swait.ge [sflag:s3], $0x1000  }
0x12: {  	s10 =	sadd.s32 $0xFFFFFFFF, s31;
	[sflag:s3] =	ssyncset.done $0x0  }
.LBB2_1:
0x13: {  	p0 =	sne.s32 s10, $0x1;
	s10 =	sadd.s32 $0xFFFFFFFF, s10;
	[sflag:s3] =	ssyncadd.s32 $0xFFFFF000  }
0x14: {  	[tilespmem:s2], [sflag:$0x2] =	stream.linear.gather [hbm4b:s4+s2], $0x20, $0x38;
	[tilespmem:$0x1080] =	vst v63  }
0x15: {  	_ =	swait.ge [sflag:s3], $0x20  }
0x16: {  	[sflag:s3] =	ssyncset.done $0x0  }
0x17: {  	[sflag:s3] =	ssyncadd.s32 $0xFFFFFFE0  }
0x18: {  	[tilespmem:s7], [sflag:$0x1] =	stream.indirect.gather [hbm4b:s5+s6], $0x80, s2, s6, $0xb8;
	[tilespmem:$0x1080] =	vst v63  }
0x19: {  	_ =	swait.ge [sflag:s8], $0x1000  }
.Ltmp1:
0x1a: {  	[sflag:s8] =	ssyncset.done $0x0;
	(pc) =	sbr.rel @p0 .LBB2_1-.Ltmp1, $4  }
0x1b: {  	[sflag:s8] =	ssyncadd.s32 $0xFFFFF000  }
0x1c: {  	[hbm4b:s9+s2] =	stream.linear.scatter [tilespmem:s7], [sflag:$0x2], $0x1000, $0x38;
	[tilespmem:$0x1080] =	vst v63  }
0x1d: {  	_ =	swait.ge [sflag:s3], $0x1000  }
0x1e: {  	[sflag:s3] =	ssyncset.done $0x0  }
.LBB2_2:
0x1f: {  	[sflag:s3] =	ssyncadd.s32 $0xFFFFF000  }
0x20: {  	_ =	sfence.sel $0x180000  }
0x21: {  	[bflag:$0x0] =	sbarrier.arrive $0xFFFF  }
0x22: {  	p0 =	sne.s32 s0, $0x0;
	_ =	strace $0x90000047  }
0x23: {  	s0 =	sadd.s32 @!p0 $0x100000, s1;
	[bflag:$0x2] =	sbarrier.arrive $0xFFFF  }
0x24: {  	[sflag:s0] =	ssyncadd.tile.s32 @!p0 $0x1;
	_ =	shalt  }
.Lfunc_end2:
_tile_overlayer_lowered:
.L_overlay_start_2:
0x25: {  	(tag) =	ssettag $0x2  }
0x26: {  	s0 =	rddreg [dreg:$0x0];
	s2 =	stileid.u32  }
0x27: {  	s1 =	rddreg [dreg:$0x1];
	p0 =	sne.s32 s2, $0x0  }
0x28: {  	s3 =	rddreg [dreg:$0x2];
	[bflag:$0x3] =	sbarrier.arrive $0xFFFF;
	s2 =	simm.s32 @!p0 $0x1C02  }
0x29: {  	[timem:s3], [sflag:s2] =	dma.local @!p0 [hbm:s0], s1  }
0x2a: {  	s0 =	simm.s32 @!p0 $0x2  }
0x2b: {  	_ =	swait.ge @!p0 [sflag:s0], s1  }
0x2c: {  	s1 =	ssub.s32 @!p0 $0x0, s1;
	[sflag:s0] =	ssyncset.done @!p0 $0x0  }
0x2d: {  	[sflag:s0] =	ssyncadd.s32 @!p0 s1  }
0x2e: {  	[bflag:$0x3] =	sbarrier.arrive $0xFFFF  }
0x2f: {  	_ =	shalt  }

</sc_bundles>
